<compile_context>
chip_gen: v7x
topology: tpu7x:2x2x1
jax: 0.10.2.dev20260603
libtpu: 0.0.44.dev20260713+nightly
codegen_flags: <defaults>
</compile_context>

<pallas_src>
import functools

import jax
import jax.numpy as jnp
from jax import lax
from jax.experimental import pallas as pl
from jax.experimental.pallas import tpu as pltpu
from jax.experimental.pallas import tpu_sc as plsc

B = 16384
DIM = 64
TEXT_DIM = 768

NC = 2
NS = 16
NW = NC * NS

SLABS = (8192, 8192)
CH = 64


def _sc_gather(sb, s_off, Q, prompt, P_pad, model, cat_pad, category):
    bpw = sb // NW
    nchunk = bpw // CH
    mesh = plsc.VectorSubcoreMesh(core_axis_name="c", subcore_axis_name="s")

    @functools.partial(
        pl.kernel,
        mesh=mesh,
        out_type=[
            jax.ShapeDtypeStruct((sb, TEXT_DIM), jnp.float32),
            jax.ShapeDtypeStruct((sb, 2 * DIM), jnp.float32),
        ],
        scratch_types=[
            pltpu.VMEM((CH,), jnp.int32),
            pltpu.VMEM((CH,), jnp.int32),
            pltpu.VMEM((CH, TEXT_DIM), jnp.float32),
            pltpu.VMEM((CH, TEXT_DIM), jnp.float32),
            pltpu.VMEM((CH,), jnp.int32),
            pltpu.VMEM((CH,), jnp.int32),
            pltpu.VMEM((CH, 2 * DIM), jnp.float32),
            pltpu.VMEM((CH, 2 * DIM), jnp.float32),
            pltpu.VMEM((CH, 2 * DIM), jnp.float32),
            pltpu.SemaphoreType.DMA,
            pltpu.SemaphoreType.DMA,
            pltpu.SemaphoreType.DMA,
            pltpu.SemaphoreType.DMA,
        ],
    )
    def k(q_hbm, prompt_hbm, ptab_hbm, model_hbm, ctab_hbm, cat_hbm,
          qout_hbm, stout_hbm,
          qidx0, qidx1, qrows0, qrows1, pidx, vidx, prow, vrow, strow,
          qsem0, qsem1, psem, vsem):
        wid = lax.axis_index("s") * NC + lax.axis_index("c")
        base = s_off + wid * bpw
        obase = wid * bpw
        qidx = (qidx0, qidx1)
        qrows = (qrows0, qrows1)
        qsems = (qsem0, qsem1)

        pltpu.sync_copy(prompt_hbm.at[pl.ds(base, CH)], qidx0)
        qh = pltpu.async_copy(q_hbm.at[qidx0], qrows0, qsem0)
        pltpu.sync_copy(model_hbm.at[pl.ds(base, CH)], pidx)
        ph = pltpu.async_copy(ptab_hbm.at[pidx], prow, psem)
        pltpu.sync_copy(cat_hbm.at[pl.ds(base, CH)], vidx)
        vh = pltpu.async_copy(ctab_hbm.at[vidx], vrow, vsem)

        for j in range(nchunk):
            cur = j % 2
            nxt = (j + 1) % 2
            off = base + j * CH
            oout = obase + j * CH
            if j + 1 < nchunk:
                pltpu.sync_copy(prompt_hbm.at[pl.ds(off + CH, CH)], qidx[nxt])
                qh_next = pltpu.async_copy(q_hbm.at[qidx[nxt]], qrows[nxt],
                                           qsems[nxt])
            qh.wait()
            pltpu.sync_copy(qrows[cur], qout_hbm.at[pl.ds(oout, CH)])
            ph.wait()
            vh.wait()

            @pl.loop(0, CH)
            def _(r):
                for kk in range(DIM // 16):
                    c = kk * 16
                    p16 = prow.at[pl.ds(r, 1), pl.ds(c, 16)][...]
                    v16 = vrow.at[pl.ds(r, 1), pl.ds(c, 16)][...]
                    strow.at[pl.ds(r, 1), pl.ds(c, 16)][...] = p16 + v16
                    strow.at[pl.ds(r, 1), pl.ds(DIM + c, 16)][...] = p16 * v16

            pltpu.sync_copy(strow, stout_hbm.at[pl.ds(oout, CH)])
            if j + 1 < nchunk:
                pltpu.sync_copy(model_hbm.at[pl.ds(off + CH, CH)], pidx)
                ph = pltpu.async_copy(ptab_hbm.at[pidx], prow, psem)
                pltpu.sync_copy(cat_hbm.at[pl.ds(off + CH, CH)], vidx)
                vh = pltpu.async_copy(ctab_hbm.at[vidx], vrow, vsem)
                qh = qh_next

    return k(Q, prompt, P_pad, model, cat_pad, category)


def _tc_body(qraw_ref, st_ref, wtT_ref, bt_ref, wcT_ref, bcT_ref,
             out_ref):
    q = lax.dot_general(qraw_ref[...], wtT_ref[...],
                        (((1,), (1,)), ((), ())),
                        preferred_element_type=jnp.float32) + bt_ref[...]
    h = q * st_ref[:, :DIM] + st_ref[:, DIM:]
    out_ref[...] = lax.dot_general(wcT_ref[...], h,
                                   (((1,), (1,)), ((), ())),
                                   preferred_element_type=jnp.float32
                                   ) + bcT_ref[...]


def _tc_fm(sb, q_raw, st, wtT, bt2, wcT, bcT):
    TB = 2048
    return pl.pallas_call(
        _tc_body,
        grid=(sb // TB,),
        in_specs=[
            pl.BlockSpec((TB, TEXT_DIM), lambda i: (i, 0)),
            pl.BlockSpec((TB, 2 * DIM), lambda i: (i, 0)),
            pl.BlockSpec((DIM, TEXT_DIM), lambda i: (0, 0)),
            pl.BlockSpec((1, DIM), lambda i: (0, 0)),
            pl.BlockSpec((2, DIM), lambda i: (0, 0)),
            pl.BlockSpec((2, 1), lambda i: (0, 0)),
        ],
        out_specs=pl.BlockSpec((2, TB), lambda i: (0, i)),
        out_shape=jax.ShapeDtypeStruct((2, sb), jnp.float32),
    )(q_raw, st, wtT, bt2, wcT, bcT)


def kernel(model, prompt, category, P, Q, W_text, b_text, cat_emb, W_cls, b_cls):
    P_pad = jnp.pad(P, ((0, 0), (0, DIM)))
    cat_pad = jnp.pad(cat_emb, ((0, 0), (0, DIM)))
    bt2 = b_text.reshape(1, DIM)
    wtT = W_text.T
    wcT = W_cls.T
    bcT = b_cls.reshape(2, 1)

    outs = []
    off = 0
    for sb in SLABS:
        q_raw, st = _sc_gather(sb, off, Q, prompt, P_pad, model, cat_pad,
                               category)
        off += sb
        outs.append(_tc_fm(sb, q_raw, st, wtT, bt2, wcT, bcT))
    return jnp.concatenate(outs, axis=1).T

# --- scband reference (transcript-rebuilt; emitter-appended) ---
"""Pipeline reference for scband-fm-16475494547969 (READ-ONLY COPY).

The authoritative reference and input builder live on the scoring server;
editing this copy changes nothing except your own understanding.
"""

import jax, jax.numpy as jnp
import numpy as np

B = 16384
DIM = 64
NUM_MODELS = 1000
NUM_PROMPTS = 100000
NUM_CATEGORIES = 1000
TEXT_DIM = 768


def setup_inputs(seed: int = 0) -> dict:
    key = jax.random.key(seed)
    ks = jax.random.split(key, 10)
    model = jax.random.randint(ks[0], (B,), 0, NUM_MODELS, dtype=jnp.int64 if jax.config.jax_enable_x64 else jnp.int32).astype(jnp.int32)
    prompt = jax.random.randint(ks[1], (B,), 0, NUM_PROMPTS).astype(jnp.int32)
    category = jax.random.randint(ks[2], (B,), 0, NUM_CATEGORIES).astype(jnp.int32)
    P = jax.random.normal(ks[3], (NUM_MODELS, DIM), dtype=jnp.float32) * 0.02
    Q = jax.random.normal(ks[4], (NUM_PROMPTS, TEXT_DIM), dtype=jnp.float32) * 0.02
    W_text = jax.random.normal(ks[5], (TEXT_DIM, DIM), dtype=jnp.float32) * (1.0 / np.sqrt(TEXT_DIM))
    b_text = jnp.zeros((DIM,), dtype=jnp.float32)
    cat_emb = jax.random.normal(ks[6], (NUM_CATEGORIES, DIM), dtype=jnp.float32) * 0.02
    W_cls = jax.random.normal(ks[7], (DIM, 2), dtype=jnp.float32) * (1.0 / np.sqrt(DIM))
    b_cls = jnp.zeros((2,), dtype=jnp.float32)
    return {
        "model": model,
        "prompt": prompt,
        "category": category,
        "P": P,
        "Q": Q,
        "W_text": W_text,
        "b_text": b_text,
        "cat_emb": cat_emb,
        "W_cls": W_cls,
        "b_cls": b_cls,
    }


def reference(model, prompt, category, P, Q, W_text, b_text, cat_emb, W_cls, b_cls):
    # p = self.P(model)
    p = jnp.take(P, model, axis=0)
    # q = self.text_proj(self.Q(prompt))  (Q frozen, text_proj = Linear(text_dim, dim))
    q_raw = jnp.take(Q, prompt, axis=0)
    q = q_raw @ W_text + b_text
    # v = self.category_embedding(category)
    v = jnp.take(cat_emb, category, axis=0)
    # classifier(p*q + q*v + p*v)
    h = p * q + q * v + p * v
    logits = h @ W_cls + b_cls
    return logits

if __name__ == "__main__":
    import jax
    _d = setup_inputs()
    print(jax.jit(kernel)(*tuple(_d.values())))

</pallas_src>

<mosaic_0001>
#map = affine_map<(d0, d1) -> (0, 0)>
#map1 = affine_map<(d0, d1) -> (0)>
module attributes {stable_mosaic.version = 14 : i64} {
  func.func @k(%arg0: i32, %arg1: i32, %arg2: memref<100000x768xf32, #tpu.memory_space<hbm>>, %arg3: memref<16384xi32, #tpu.memory_space<hbm>>, %arg4: memref<1000x128xf32, #tpu.memory_space<hbm>>, %arg5: memref<16384xi32, #tpu.memory_space<hbm>>, %arg6: memref<1000x128xf32, #tpu.memory_space<hbm>>, %arg7: memref<16384xi32, #tpu.memory_space<hbm>>, %arg8: memref<8192x768xf32, #tpu.memory_space<hbm>>, %arg9: memref<8192x128xf32, #tpu.memory_space<hbm>>, %arg10: memref<64xi32, #tpu.memory_space<vmem>>, %arg11: memref<64xi32, #tpu.memory_space<vmem>>, %arg12: memref<64x768xf32, #tpu.memory_space<vmem>>, %arg13: memref<64x768xf32, #tpu.memory_space<vmem>>, %arg14: memref<64xi32, #tpu.memory_space<vmem>>, %arg15: memref<64xi32, #tpu.memory_space<vmem>>, %arg16: memref<64x128xf32, #tpu.memory_space<vmem>>, %arg17: memref<64x128xf32, #tpu.memory_space<vmem>>, %arg18: memref<64x128xf32, #tpu.memory_space<vmem>>, %arg19: memref<!tpu.dma_semaphore, #tpu.memory_space<semaphore_mem>>, %arg20: memref<!tpu.dma_semaphore, #tpu.memory_space<semaphore_mem>>, %arg21: memref<!tpu.dma_semaphore, #tpu.memory_space<semaphore_mem>>, %arg22: memref<!tpu.dma_semaphore, #tpu.memory_space<semaphore_mem>>) attributes {dimension_semantics = [#tpu.dimension_semantics<core_parallel>, #tpu.dimension_semantics<subcore_parallel>], iteration_bounds = array<i64: 2, 16>, scalar_prefetch = 0 : i64, scratch_operands = 13 : i64, tpu.core_type = #tpu.core_type<sc_vector_subcore>, window_params = [{transform_indices = #map}, {transform_indices = #map1}, {transform_indices = #map}, {transform_indices = #map1}, {transform_indices = #map}, {transform_indices = #map1}, {transform_indices = #map}, {transform_indices = #map}]} {
    %mul3A = arith.constant 2 : i32
    %mul3A_0 = arith.muli %arg1, %mul3A : i32
    %add3A = arith.addi %mul3A_0, %arg0 : i32
    %mul3A_1 = arith.constant 256 : i32
    %mul3A_2 = arith.muli %add3A, %mul3A_1 : i32
    %add3A_3 = arith.constant 8192 : i32
    %add3A_4 = arith.addi %add3A_3, %mul3A_2 : i32
    %mul3A_5 = arith.constant 256 : i32
    %mul3A_6 = arith.muli %add3A, %mul3A_5 : i32
    "tpu.region"() ({
      %run_scoped3A = tpu.sem_alloc : memref<!tpu.dma_semaphore, #tpu.memory_space<semaphore_mem>>
      %dma_start3A_130 = tpu.memref_slice %arg3[%add3A_4] : memref<16384xi32, #tpu.memory_space<hbm>> -> memref<64xi32, #tpu.memory_space<hbm>>
      %dma_start3A_131 = tpu.memref_slice %arg3[%add3A_4] : memref<16384xi32, #tpu.memory_space<hbm>> -> memref<64xi32, #tpu.memory_space<hbm>>
      tpu.enqueue_dma source(%dma_start3A_131 : memref<64xi32, #tpu.memory_space<hbm>>) target(%arg10 : memref<64xi32, #tpu.memory_space<vmem>>) target_semaphore(%run_scoped3A : memref<!tpu.dma_semaphore, #tpu.memory_space<semaphore_mem>>)
      %dma_wait3A_132 = tpu.memref_slice %arg3[%add3A_4] : memref<16384xi32, #tpu.memory_space<hbm>> -> memref<64xi32, #tpu.memory_space<hbm>>
      %dma_wait3A_133 = tpu.memref_slice %arg3[%add3A_4] : memref<16384xi32, #tpu.memory_space<hbm>> -> memref<64xi32, #tpu.memory_space<hbm>>
      tpu.wait_dma2 semaphore(%run_scoped3A : memref<!tpu.dma_semaphore, #tpu.memory_space<semaphore_mem>>) src(%dma_wait3A_133 : memref<64xi32, #tpu.memory_space<hbm>>) dst(%arg10 : memref<64xi32, #tpu.memory_space<vmem>>)
      tpu.yield
    }) : () -> ()
    %dma_start3A = arith.constant 0 : i32
    %dma_start3A_7 = arith.constant 0 : i32
    %dma_start3A_8 = tpu.memref_slice %arg2[%dma_start3A, %dma_start3A_7] : memref<100000x768xf32, #tpu.memory_space<hbm>> -> memref<100000x768xf32, #tpu.memory_space<hbm>>
    tpu.enqueue_indirect_dma source(%dma_start3A_8 : memref<100000x768xf32, #tpu.memory_space<hbm>>) target(%arg12 : memref<64x768xf32, #tpu.memory_space<vmem>>) offsets(%arg10 : memref<64xi32, #tpu.memory_space<vmem>>) semaphore(%arg19 : memref<!tpu.dma_semaphore, #tpu.memory_space<semaphore_mem>>)
    "tpu.region"() ({
      %run_scoped3A = tpu.sem_alloc : memref<!tpu.dma_semaphore, #tpu.memory_space<semaphore_mem>>
      %dma_start3A_130 = tpu.memref_slice %arg5[%add3A_4] : memref<16384xi32, #tpu.memory_space<hbm>> -> memref<64xi32, #tpu.memory_space<hbm>>
      %dma_start3A_131 = tpu.memref_slice %arg5[%add3A_4] : memref<16384xi32, #tpu.memory_space<hbm>> -> memref<64xi32, #tpu.memory_space<hbm>>
      tpu.enqueue_dma source(%dma_start3A_131 : memref<64xi32, #tpu.memory_space<hbm>>) target(%arg14 : memref<64xi32, #tpu.memory_space<vmem>>) target_semaphore(%run_scoped3A : memref<!tpu.dma_semaphore, #tpu.memory_space<semaphore_mem>>)
      %dma_wait3A_132 = tpu.memref_slice %arg5[%add3A_4] : memref<16384xi32, #tpu.memory_space<hbm>> -> memref<64xi32, #tpu.memory_space<hbm>>
      %dma_wait3A_133 = tpu.memref_slice %arg5[%add3A_4] : memref<16384xi32, #tpu.memory_space<hbm>> -> memref<64xi32, #tpu.memory_space<hbm>>
      tpu.wait_dma2 semaphore(%run_scoped3A : memref<!tpu.dma_semaphore, #tpu.memory_space<semaphore_mem>>) src(%dma_wait3A_133 : memref<64xi32, #tpu.memory_space<hbm>>) dst(%arg14 : memref<64xi32, #tpu.memory_space<vmem>>)
      tpu.yield
    }) : () -> ()
    %dma_start3A_9 = arith.constant 0 : i32
    %dma_start3A_10 = arith.constant 0 : i32
    %dma_start3A_11 = tpu.memref_slice %arg4[%dma_start3A_9, %dma_start3A_10] : memref<1000x128xf32, #tpu.memory_space<hbm>> -> memref<1000x128xf32, #tpu.memory_space<hbm>>
    tpu.enqueue_indirect_dma source(%dma_start3A_11 : memref<1000x128xf32, #tpu.memory_space<hbm>>) target(%arg16 : memref<64x128xf32, #tpu.memory_space<vmem>>) offsets(%arg14 : memref<64xi32, #tpu.memory_space<vmem>>) semaphore(%arg21 : memref<!tpu.dma_semaphore, #tpu.memory_space<semaphore_mem>>)
    "tpu.region"() ({
      %run_scoped3A = tpu.sem_alloc : memref<!tpu.dma_semaphore, #tpu.memory_space<semaphore_mem>>
      %dma_start3A_130 = tpu.memref_slice %arg7[%add3A_4] : memref<16384xi32, #tpu.memory_space<hbm>> -> memref<64xi32, #tpu.memory_space<hbm>>
      %dma_start3A_131 = tpu.memref_slice %arg7[%add3A_4] : memref<16384xi32, #tpu.memory_space<hbm>> -> memref<64xi32, #tpu.memory_space<hbm>>
      tpu.enqueue_dma source(%dma_start3A_131 : memref<64xi32, #tpu.memory_space<hbm>>) target(%arg15 : memref<64xi32, #tpu.memory_space<vmem>>) target_semaphore(%run_scoped3A : memref<!tpu.dma_semaphore, #tpu.memory_space<semaphore_mem>>)
      %dma_wait3A_132 = tpu.memref_slice %arg7[%add3A_4] : memref<16384xi32, #tpu.memory_space<hbm>> -> memref<64xi32, #tpu.memory_space<hbm>>
      %dma_wait3A_133 = tpu.memref_slice %arg7[%add3A_4] : memref<16384xi32, #tpu.memory_space<hbm>> -> memref<64xi32, #tpu.memory_space<hbm>>
      tpu.wait_dma2 semaphore(%run_scoped3A : memref<!tpu.dma_semaphore, #tpu.memory_space<semaphore_mem>>) src(%dma_wait3A_133 : memref<64xi32, #tpu.memory_space<hbm>>) dst(%arg15 : memref<64xi32, #tpu.memory_space<vmem>>)
      tpu.yield
    }) : () -> ()
    %dma_start3A_12 = arith.constant 0 : i32
    %dma_start3A_13 = arith.constant 0 : i32
    %dma_start3A_14 = tpu.memref_slice %arg6[%dma_start3A_12, %dma_start3A_13] : memref<1000x128xf32, #tpu.memory_space<hbm>> -> memref<1000x128xf32, #tpu.memory_space<hbm>>
    tpu.enqueue_indirect_dma source(%dma_start3A_14 : memref<1000x128xf32, #tpu.memory_space<hbm>>) target(%arg17 : memref<64x128xf32, #tpu.memory_space<vmem>>) offsets(%arg15 : memref<64xi32, #tpu.memory_space<vmem>>) semaphore(%arg22 : memref<!tpu.dma_semaphore, #tpu.memory_space<semaphore_mem>>)
    %add3A_15 = arith.constant 0 : i32
    %add3A_16 = arith.addi %add3A_4, %add3A_15 : i32
    %add3A_17 = arith.constant 0 : i32
    %add3A_18 = arith.addi %mul3A_6, %add3A_17 : i32
    %add3A_19 = arith.constant 64 : i32
    %add3A_20 = arith.addi %add3A_16, %add3A_19 : i32
    "tpu.region"() ({
      %run_scoped3A = tpu.sem_alloc : memref<!tpu.dma_semaphore, #tpu.memory_space<semaphore_mem>>
      %dma_start3A_130 = tpu.memref_slice %arg3[%add3A_20] : memref<16384xi32, #tpu.memory_space<hbm>> -> memref<64xi32, #tpu.memory_space<hbm>>
      %dma_start3A_131 = tpu.memref_slice %arg3[%add3A_20] : memref<16384xi32, #tpu.memory_space<hbm>> -> memref<64xi32, #tpu.memory_space<hbm>>
      tpu.enqueue_dma source(%dma_start3A_131 : memref<64xi32, #tpu.memory_space<hbm>>) target(%arg11 : memref<64xi32, #tpu.memory_space<vmem>>) target_semaphore(%run_scoped3A : memref<!tpu.dma_semaphore, #tpu.memory_space<semaphore_mem>>)
      %dma_wait3A_132 = tpu.memref_slice %arg3[%add3A_20] : memref<16384xi32, #tpu.memory_space<hbm>> -> memref<64xi32, #tpu.memory_space<hbm>>
      %dma_wait3A_133 = tpu.memref_slice %arg3[%add3A_20] : memref<16384xi32, #tpu.memory_space<hbm>> -> memref<64xi32, #tpu.memory_space<hbm>>
      tpu.wait_dma2 semaphore(%run_scoped3A : memref<!tpu.dma_semaphore, #tpu.memory_space<semaphore_mem>>) src(%dma_wait3A_133 : memref<64xi32, #tpu.memory_space<hbm>>) dst(%arg11 : memref<64xi32, #tpu.memory_space<vmem>>)
      tpu.yield
    }) : () -> ()
    %dma_start3A_21 = arith.constant 0 : i32
    %dma_start3A_22 = arith.constant 0 : i32
    %dma_start3A_23 = tpu.memref_slice %arg2[%dma_start3A_21, %dma_start3A_22] : memref<100000x768xf32, #tpu.memory_space<hbm>> -> memref<100000x768xf32, #tpu.memory_space<hbm>>
    tpu.enqueue_indirect_dma source(%dma_start3A_23 : memref<100000x768xf32, #tpu.memory_space<hbm>>) target(%arg13 : memref<64x768xf32, #tpu.memory_space<vmem>>) offsets(%arg11 : memref<64xi32, #tpu.memory_space<vmem>>) semaphore(%arg20 : memref<!tpu.dma_semaphore, #tpu.memory_space<semaphore_mem>>)
    %dma_wait3A = arith.constant 0 : i32
    %dma_wait3A_24 = arith.constant 0 : i32
    %dma_wait3A_25 = tpu.memref_slice %arg2[%dma_wait3A, %dma_wait3A_24] : memref<100000x768xf32, #tpu.memory_space<hbm>> -> memref<100000x768xf32, #tpu.memory_space<hbm>>
    tpu.wait_indirect_dma semaphore(%arg19 : memref<!tpu.dma_semaphore, #tpu.memory_space<semaphore_mem>>) src(%dma_wait3A_25 : memref<100000x768xf32, #tpu.memory_space<hbm>>) dst(%arg12 : memref<64x768xf32, #tpu.memory_space<vmem>>)
    "tpu.region"() ({
      %run_scoped3A = tpu.sem_alloc : memref<!tpu.dma_semaphore, #tpu.memory_space<semaphore_mem>>
      %dma_start3A_130 = arith.constant 0 : i32
      %dma_start3A_131 = tpu.memref_slice %arg8[%add3A_18, %dma_start3A_130] : memref<8192x768xf32, #tpu.memory_space<hbm>> -> memref<64x768xf32, #tpu.memory_space<hbm>>
      %dma_start3A_132 = arith.constant 0 : i32
      %dma_start3A_133 = tpu.memref_slice %arg8[%add3A_18, %dma_start3A_132] : memref<8192x768xf32, #tpu.memory_space<hbm>> -> memref<64x768xf32, #tpu.memory_space<hbm>>
      tpu.enqueue_dma source(%arg12 : memref<64x768xf32, #tpu.memory_space<vmem>>) target(%dma_start3A_133 : memref<64x768xf32, #tpu.memory_space<hbm>>) target_semaphore(%run_scoped3A : memref<!tpu.dma_semaphore, #tpu.memory_space<semaphore_mem>>)
      %dma_wait3A_134 = arith.constant 0 : i32
      %dma_wait3A_135 = tpu.memref_slice %arg8[%add3A_18, %dma_wait3A_134] : memref<8192x768xf32, #tpu.memory_space<hbm>> -> memref<64x768xf32, #tpu.memory_space<hbm>>
      %dma_wait3A_136 = arith.constant 0 : i32
      %dma_wait3A_137 = tpu.memref_slice %arg8[%add3A_18, %dma_wait3A_136] : memref<8192x768xf32, #tpu.memory_space<hbm>> -> memref<64x768xf32, #tpu.memory_space<hbm>>
      tpu.wait_dma2 semaphore(%run_scoped3A : memref<!tpu.dma_semaphore, #tpu.memory_space<semaphore_mem>>) src(%arg12 : memref<64x768xf32, #tpu.memory_space<vmem>>) dst(%dma_wait3A_137 : memref<64x768xf32, #tpu.memory_space<hbm>>)
      tpu.yield
    }) : () -> ()
    %dma_wait3A_26 = arith.constant 0 : i32
    %dma_wait3A_27 = arith.constant 0 : i32
    %dma_wait3A_28 = tpu.memref_slice %arg4[%dma_wait3A_26, %dma_wait3A_27] : memref<1000x128xf32, #tpu.memory_space<hbm>> -> memref<1000x128xf32, #tpu.memory_space<hbm>>
    tpu.wait_indirect_dma semaphore(%arg21 : memref<!tpu.dma_semaphore, #tpu.memory_space<semaphore_mem>>) src(%dma_wait3A_28 : memref<1000x128xf32, #tpu.memory_space<hbm>>) dst(%arg16 : memref<64x128xf32, #tpu.memory_space<vmem>>)
    %dma_wait3A_29 = arith.constant 0 : i32
    %dma_wait3A_30 = arith.constant 0 : i32
    %dma_wait3A_31 = tpu.memref_slice %arg6[%dma_wait3A_29, %dma_wait3A_30] : memref<1000x128xf32, #tpu.memory_space<hbm>> -> memref<1000x128xf32, #tpu.memory_space<hbm>>
    tpu.wait_indirect_dma semaphore(%arg22 : memref<!tpu.dma_semaphore, #tpu.memory_space<semaphore_mem>>) src(%dma_wait3A_31 : memref<1000x128xf32, #tpu.memory_space<hbm>>) dst(%arg17 : memref<64x128xf32, #tpu.memory_space<vmem>>)
    %scan3A = arith.constant 0 : i32
    %scan3A_32 = arith.constant 64 : i32
    %scan3A_33 = arith.addi %scan3A, %scan3A_32 : i32
    %scan3A_34 = arith.constant 1 : i32
    scf.for %scan3A_130 = %scan3A to %scan3A_33 step %scan3A_34  : i32 {
      %mul3A_131 = arith.constant 1 : i32
      %mul3A_132 = arith.muli %scan3A_130, %mul3A_131 : i32
      %add3A_133 = arith.constant 0 : i32
      %add3A_134 = arith.addi %add3A_133, %mul3A_132 : i32
      %get3A = arith.index_cast %add3A_134 : i32 to index
      %get3A_135 = arith.constant 0 : index
      %get3A_136 = tpu.vector_load %arg16[%get3A, %get3A_135] {strides = array<i32>} : memref<64x128xf32, #tpu.memory_space<vmem>>, vector<1x16xf32>,
      %get3A_137 = vector.shape_cast %get3A_136 : vector<1x16xf32> to vector<1x16xf32>
      %get3A_138 = arith.index_cast %add3A_134 : i32 to index
      %get3A_139 = arith.constant 0 : index
      %get3A_140 = tpu.vector_load %arg17[%get3A_138, %get3A_139] {strides = array<i32>} : memref<64x128xf32, #tpu.memory_space<vmem>>, vector<1x16xf32>,
      %get3A_141 = vector.shape_cast %get3A_140 : vector<1x16xf32> to vector<1x16xf32>
      %add3A_142 = arith.addf %get3A_137, %get3A_141 : vector<1x16xf32>
      %swap3A = arith.index_cast %add3A_134 : i32 to index
      %swap3A_143 = arith.constant 0 : index
      %swap3A_144 = tpu.vector_load %arg18[%swap3A, %swap3A_143] {strides = array<i32>} : memref<64x128xf32, #tpu.memory_space<vmem>>, vector<1x16xf32>,
      %swap3A_145 = vector.shape_cast %swap3A_144 : vector<1x16xf32> to vector<1x16xf32>
      %swap3A_146 = vector.shape_cast %add3A_142 : vector<1x16xf32> to vector<1x16xf32>
      tpu.vector_store %arg18[%swap3A, %swap3A_143], %swap3A_146 {strides = array<i32>} : memref<64x128xf32, #tpu.memory_space<vmem>>, vector<1x16xf32>,
      %mul3A_147 = arith.mulf %get3A_137, %get3A_141 : vector<1x16xf32>
      %swap3A_148 = arith.index_cast %add3A_134 : i32 to index
      %swap3A_149 = arith.constant 64 : index
      %swap3A_150 = tpu.vector_load %arg18[%swap3A_148, %swap3A_149] {strides = array<i32>} : memref<64x128xf32, #tpu.memory_space<vmem>>, vector<1x16xf32>,
      %swap3A_151 = vector.shape_cast %swap3A_150 : vector<1x16xf32> to vector<1x16xf32>
      %swap3A_152 = vector.shape_cast %mul3A_147 : vector<1x16xf32> to vector<1x16xf32>
      tpu.vector_store %arg18[%swap3A_148, %swap3A_149], %swap3A_152 {strides = array<i32>} : memref<64x128xf32, #tpu.memory_space<vmem>>, vector<1x16xf32>,
      %get3A_153 = arith.index_cast %add3A_134 : i32 to index
      %get3A_154 = arith.constant 16 : index
      %get3A_155 = tpu.vector_load %arg16[%get3A_153, %get3A_154] {strides = array<i32>} : memref<64x128xf32, #tpu.memory_space<vmem>>, vector<1x16xf32>,
      %get3A_156 = vector.shape_cast %get3A_155 : vector<1x16xf32> to vector<1x16xf32>
      %get3A_157 = arith.index_cast %add3A_134 : i32 to index
      %get3A_158 = arith.constant 16 : index
      %get3A_159 = tpu.vector_load %arg17[%get3A_157, %get3A_158] {strides = array<i32>} : memref<64x128xf32, #tpu.memory_space<vmem>>, vector<1x16xf32>,
      %get3A_160 = vector.shape_cast %get3A_159 : vector<1x16xf32> to vector<1x16xf32>
      %add3A_161 = arith.addf %get3A_156, %get3A_160 : vector<1x16xf32>
      %swap3A_162 = arith.index_cast %add3A_134 : i32 to index
      %swap3A_163 = arith.constant 16 : index
      %swap3A_164 = tpu.vector_load %arg18[%swap3A_162, %swap3A_163] {strides = array<i32>} : memref<64x128xf32, #tpu.memory_space<vmem>>, vector<1x16xf32>,
      %swap3A_165 = vector.shape_cast %swap3A_164 : vector<1x16xf32> to vector<1x16xf32>
      %swap3A_166 = vector.shape_cast %add3A_161 : vector<1x16xf32> to vector<1x16xf32>
      tpu.vector_store %arg18[%swap3A_162, %swap3A_163], %swap3A_166 {strides = array<i32>} : memref<64x128xf32, #tpu.memory_space<vmem>>, vector<1x16xf32>,
      %mul3A_167 = arith.mulf %get3A_156, %get3A_160 : vector<1x16xf32>
      %swap3A_168 = arith.index_cast %add3A_134 : i32 to index
      %swap3A_169 = arith.constant 80 : index
      %swap3A_170 = tpu.vector_load %arg18[%swap3A_168, %swap3A_169] {strides = array<i32>} : memref<64x128xf32, #tpu.memory_space<vmem>>, vector<1x16xf32>,
      %swap3A_171 = vector.shape_cast %swap3A_170 : vector<1x16xf32> to vector<1x16xf32>
      %swap3A_172 = vector.shape_cast %mul3A_167 : vector<1x16xf32> to vector<1x16xf32>
      tpu.vector_store %arg18[%swap3A_168, %swap3A_169], %swap3A_172 {strides = array<i32>} : memref<64x128xf32, #tpu.memory_space<vmem>>, vector<1x16xf32>,
      %get3A_173 = arith.index_cast %add3A_134 : i32 to index
      %get3A_174 = arith.constant 32 : index
      %get3A_175 = tpu.vector_load %arg16[%get3A_173, %get3A_174] {strides = array<i32>} : memref<64x128xf32, #tpu.memory_space<vmem>>, vector<1x16xf32>,
      %get3A_176 = vector.shape_cast %get3A_175 : vector<1x16xf32> to vector<1x16xf32>
      %get3A_177 = arith.index_cast %add3A_134 : i32 to index
      %get3A_178 = arith.constant 32 : index
      %get3A_179 = tpu.vector_load %arg17[%get3A_177, %get3A_178] {strides = array<i32>} : memref<64x128xf32, #tpu.memory_space<vmem>>, vector<1x16xf32>,
      %get3A_180 = vector.shape_cast %get3A_179 : vector<1x16xf32> to vector<1x16xf32>
      %add3A_181 = arith.addf %get3A_176, %get3A_180 : vector<1x16xf32>
      %swap3A_182 = arith.index_cast %add3A_134 : i32 to index
      %swap3A_183 = arith.constant 32 : index
      %swap3A_184 = tpu.vector_load %arg18[%swap3A_182, %swap3A_183] {strides = array<i32>} : memref<64x128xf32, #tpu.memory_space<vmem>>, vector<1x16xf32>,
      %swap3A_185 = vector.shape_cast %swap3A_184 : vector<1x16xf32> to vector<1x16xf32>
      %swap3A_186 = vector.shape_cast %add3A_181 : vector<1x16xf32> to vector<1x16xf32>
      tpu.vector_store %arg18[%swap3A_182, %swap3A_183], %swap3A_186 {strides = array<i32>} : memref<64x128xf32, #tpu.memory_space<vmem>>, vector<1x16xf32>,
      %mul3A_187 = arith.mulf %get3A_176, %get3A_180 : vector<1x16xf32>
      %swap3A_188 = arith.index_cast %add3A_134 : i32 to index
      %swap3A_189 = arith.constant 96 : index
      %swap3A_190 = tpu.vector_load %arg18[%swap3A_188, %swap3A_189] {strides = array<i32>} : memref<64x128xf32, #tpu.memory_space<vmem>>, vector<1x16xf32>,
      %swap3A_191 = vector.shape_cast %swap3A_190 : vector<1x16xf32> to vector<1x16xf32>
      %swap3A_192 = vector.shape_cast %mul3A_187 : vector<1x16xf32> to vector<1x16xf32>
      tpu.vector_store %arg18[%swap3A_188, %swap3A_189], %swap3A_192 {strides = array<i32>} : memref<64x128xf32, #tpu.memory_space<vmem>>, vector<1x16xf32>,
      %get3A_193 = arith.index_cast %add3A_134 : i32 to index
      %get3A_194 = arith.constant 48 : index
      %get3A_195 = tpu.vector_load %arg16[%get3A_193, %get3A_194] {strides = array<i32>} : memref<64x128xf32, #tpu.memory_space<vmem>>, vector<1x16xf32>,
      %get3A_196 = vector.shape_cast %get3A_195 : vector<1x16xf32> to vector<1x16xf32>
      %get3A_197 = arith.index_cast %add3A_134 : i32 to index
      %get3A_198 = arith.constant 48 : index
      %get3A_199 = tpu.vector_load %arg17[%get3A_197, %get3A_198] {strides = array<i32>} : memref<64x128xf32, #tpu.memory_space<vmem>>, vector<1x16xf32>,
      %get3A_200 = vector.shape_cast %get3A_199 : vector<1x16xf32> to vector<1x16xf32>
      %add3A_201 = arith.addf %get3A_196, %get3A_200 : vector<1x16xf32>
      %swap3A_202 = arith.index_cast %add3A_134 : i32 to index
      %swap3A_203 = arith.constant 48 : index
      %swap3A_204 = tpu.vector_load %arg18[%swap3A_202, %swap3A_203] {strides = array<i32>} : memref<64x128xf32, #tpu.memory_space<vmem>>, vector<1x16xf32>,
      %swap3A_205 = vector.shape_cast %swap3A_204 : vector<1x16xf32> to vector<1x16xf32>
      %swap3A_206 = vector.shape_cast %add3A_201 : vector<1x16xf32> to vector<1x16xf32>
      tpu.vector_store %arg18[%swap3A_202, %swap3A_203], %swap3A_206 {strides = array<i32>} : memref<64x128xf32, #tpu.memory_space<vmem>>, vector<1x16xf32>,
      %mul3A_207 = arith.mulf %get3A_196, %get3A_200 : vector<1x16xf32>
      %swap3A_208 = arith.index_cast %add3A_134 : i32 to index
      %swap3A_209 = arith.constant 112 : index
      %swap3A_210 = tpu.vector_load %arg18[%swap3A_208, %swap3A_209] {strides = array<i32>} : memref<64x128xf32, #tpu.memory_space<vmem>>, vector<1x16xf32>,
      %swap3A_211 = vector.shape_cast %swap3A_210 : vector<1x16xf32> to vector<1x16xf32>
      %swap3A_212 = vector.shape_cast %mul3A_207 : vector<1x16xf32> to vector<1x16xf32>
      tpu.vector_store %arg18[%swap3A_208, %swap3A_209], %swap3A_212 {strides = array<i32>} : memref<64x128xf32, #tpu.memory_space<vmem>>, vector<1x16xf32>,
    }
    %scan3A_35 = arith.constant 64 : i32
    "tpu.region"() ({
      %run_scoped3A = tpu.sem_alloc : memref<!tpu.dma_semaphore, #tpu.memory_space<semaphore_mem>>
      %dma_start3A_130 = arith.constant 0 : i32
      %dma_start3A_131 = tpu.memref_slice %arg9[%add3A_18, %dma_start3A_130] : memref<8192x128xf32, #tpu.memory_space<hbm>> -> memref<64x128xf32, #tpu.memory_space<hbm>>
      %dma_start3A_132 = arith.constant 0 : i32
      %dma_start3A_133 = tpu.memref_slice %arg9[%add3A_18, %dma_start3A_132] : memref<8192x128xf32, #tpu.memory_space<hbm>> -> memref<64x128xf32, #tpu.memory_space<hbm>>
      tpu.enqueue_dma source(%arg18 : memref<64x128xf32, #tpu.memory_space<vmem>>) target(%dma_start3A_133 : memref<64x128xf32, #tpu.memory_space<hbm>>) target_semaphore(%run_scoped3A : memref<!tpu.dma_semaphore, #tpu.memory_space<semaphore_mem>>)
      %dma_wait3A_134 = arith.constant 0 : i32
      %dma_wait3A_135 = tpu.memref_slice %arg9[%add3A_18, %dma_wait3A_134] : memref<8192x128xf32, #tpu.memory_space<hbm>> -> memref<64x128xf32, #tpu.memory_space<hbm>>
      %dma_wait3A_136 = arith.constant 0 : i32
      %dma_wait3A_137 = tpu.memref_slice %arg9[%add3A_18, %dma_wait3A_136] : memref<8192x128xf32, #tpu.memory_space<hbm>> -> memref<64x128xf32, #tpu.memory_space<hbm>>
      tpu.wait_dma2 semaphore(%run_scoped3A : memref<!tpu.dma_semaphore, #tpu.memory_space<semaphore_mem>>) src(%arg18 : memref<64x128xf32, #tpu.memory_space<vmem>>) dst(%dma_wait3A_137 : memref<64x128xf32, #tpu.memory_space<hbm>>)
      tpu.yield
    }) : () -> ()
    %add3A_36 = arith.constant 64 : i32
    %add3A_37 = arith.addi %add3A_16, %add3A_36 : i32
    "tpu.region"() ({
      %run_scoped3A = tpu.sem_alloc : memref<!tpu.dma_semaphore, #tpu.memory_space<semaphore_mem>>
      %dma_start3A_130 = tpu.memref_slice %arg5[%add3A_37] : memref<16384xi32, #tpu.memory_space<hbm>> -> memref<64xi32, #tpu.memory_space<hbm>>
      %dma_start3A_131 = tpu.memref_slice %arg5[%add3A_37] : memref<16384xi32, #tpu.memory_space<hbm>> -> memref<64xi32, #tpu.memory_space<hbm>>
      tpu.enqueue_dma source(%dma_start3A_131 : memref<64xi32, #tpu.memory_space<hbm>>) target(%arg14 : memref<64xi32, #tpu.memory_space<vmem>>) target_semaphore(%run_scoped3A : memref<!tpu.dma_semaphore, #tpu.memory_space<semaphore_mem>>)
      %dma_wait3A_132 = tpu.memref_slice %arg5[%add3A_37] : memref<16384xi32, #tpu.memory_space<hbm>> -> memref<64xi32, #tpu.memory_space<hbm>>
      %dma_wait3A_133 = tpu.memref_slice %arg5[%add3A_37] : memref<16384xi32, #tpu.memory_space<hbm>> -> memref<64xi32, #tpu.memory_space<hbm>>
      tpu.wait_dma2 semaphore(%run_scoped3A : memref<!tpu.dma_semaphore, #tpu.memory_space<semaphore_mem>>) src(%dma_wait3A_133 : memref<64xi32, #tpu.memory_space<hbm>>) dst(%arg14 : memref<64xi32, #tpu.memory_space<vmem>>)
      tpu.yield
    }) : () -> ()
    %dma_start3A_38 = arith.constant 0 : i32
    %dma_start3A_39 = arith.constant 0 : i32
    %dma_start3A_40 = tpu.memref_slice %arg4[%dma_start3A_38, %dma_start3A_39] : memref<1000x128xf32, #tpu.memory_space<hbm>> -> memref<1000x128xf32, #tpu.memory_space<hbm>>
    tpu.enqueue_indirect_dma source(%dma_start3A_40 : memref<1000x128xf32, #tpu.memory_space<hbm>>) target(%arg16 : memref<64x128xf32, #tpu.memory_space<vmem>>) offsets(%arg14 : memref<64xi32, #tpu.memory_space<vmem>>) semaphore(%arg21 : memref<!tpu.dma_semaphore, #tpu.memory_space<semaphore_mem>>)
    %add3A_41 = arith.constant 64 : i32
    %add3A_42 = arith.addi %add3A_16, %add3A_41 : i32
    "tpu.region"() ({
      %run_scoped3A = tpu.sem_alloc : memref<!tpu.dma_semaphore, #tpu.memory_space<semaphore_mem>>
      %dma_start3A_130 = tpu.memref_slice %arg7[%add3A_42] : memref<16384xi32, #tpu.memory_space<hbm>> -> memref<64xi32, #tpu.memory_space<hbm>>
      %dma_start3A_131 = tpu.memref_slice %arg7[%add3A_42] : memref<16384xi32, #tpu.memory_space<hbm>> -> memref<64xi32, #tpu.memory_space<hbm>>
      tpu.enqueue_dma source(%dma_start3A_131 : memref<64xi32, #tpu.memory_space<hbm>>) target(%arg15 : memref<64xi32, #tpu.memory_space<vmem>>) target_semaphore(%run_scoped3A : memref<!tpu.dma_semaphore, #tpu.memory_space<semaphore_mem>>)
      %dma_wait3A_132 = tpu.memref_slice %arg7[%add3A_42] : memref<16384xi32, #tpu.memory_space<hbm>> -> memref<64xi32, #tpu.memory_space<hbm>>
      %dma_wait3A_133 = tpu.memref_slice %arg7[%add3A_42] : memref<16384xi32, #tpu.memory_space<hbm>> -> memref<64xi32, #tpu.memory_space<hbm>>
      tpu.wait_dma2 semaphore(%run_scoped3A : memref<!tpu.dma_semaphore, #tpu.memory_space<semaphore_mem>>) src(%dma_wait3A_133 : memref<64xi32, #tpu.memory_space<hbm>>) dst(%arg15 : memref<64xi32, #tpu.memory_space<vmem>>)
      tpu.yield
    }) : () -> ()
    %dma_start3A_43 = arith.constant 0 : i32
    %dma_start3A_44 = arith.constant 0 : i32
    %dma_start3A_45 = tpu.memref_slice %arg6[%dma_start3A_43, %dma_start3A_44] : memref<1000x128xf32, #tpu.memory_space<hbm>> -> memref<1000x128xf32, #tpu.memory_space<hbm>>
    tpu.enqueue_indirect_dma source(%dma_start3A_45 : memref<1000x128xf32, #tpu.memory_space<hbm>>) target(%arg17 : memref<64x128xf32, #tpu.memory_space<vmem>>) offsets(%arg15 : memref<64xi32, #tpu.memory_space<vmem>>) semaphore(%arg22 : memref<!tpu.dma_semaphore, #tpu.memory_space<semaphore_mem>>)
    %add3A_46 = arith.constant 64 : i32
    %add3A_47 = arith.addi %add3A_4, %add3A_46 : i32
    %add3A_48 = arith.constant 64 : i32
    %add3A_49 = arith.addi %mul3A_6, %add3A_48 : i32
    %add3A_50 = arith.constant 64 : i32
    %add3A_51 = arith.addi %add3A_47, %add3A_50 : i32
    "tpu.region"() ({
      %run_scoped3A = tpu.sem_alloc : memref<!tpu.dma_semaphore, #tpu.memory_space<semaphore_mem>>
      %dma_start3A_130 = tpu.memref_slice %arg3[%add3A_51] : memref<16384xi32, #tpu.memory_space<hbm>> -> memref<64xi32, #tpu.memory_space<hbm>>
      %dma_start3A_131 = tpu.memref_slice %arg3[%add3A_51] : memref<16384xi32, #tpu.memory_space<hbm>> -> memref<64xi32, #tpu.memory_space<hbm>>
      tpu.enqueue_dma source(%dma_start3A_131 : memref<64xi32, #tpu.memory_space<hbm>>) target(%arg10 : memref<64xi32, #tpu.memory_space<vmem>>) target_semaphore(%run_scoped3A : memref<!tpu.dma_semaphore, #tpu.memory_space<semaphore_mem>>)
      %dma_wait3A_132 = tpu.memref_slice %arg3[%add3A_51] : memref<16384xi32, #tpu.memory_space<hbm>> -> memref<64xi32, #tpu.memory_space<hbm>>
      %dma_wait3A_133 = tpu.memref_slice %arg3[%add3A_51] : memref<16384xi32, #tpu.memory_space<hbm>> -> memref<64xi32, #tpu.memory_space<hbm>>
      tpu.wait_dma2 semaphore(%run_scoped3A : memref<!tpu.dma_semaphore, #tpu.memory_space<semaphore_mem>>) src(%dma_wait3A_133 : memref<64xi32, #tpu.memory_space<hbm>>) dst(%arg10 : memref<64xi32, #tpu.memory_space<vmem>>)
      tpu.yield
    }) : () -> ()
    %dma_start3A_52 = arith.constant 0 : i32
    %dma_start3A_53 = arith.constant 0 : i32
    %dma_start3A_54 = tpu.memref_slice %arg2[%dma_start3A_52, %dma_start3A_53] : memref<100000x768xf32, #tpu.memory_space<hbm>> -> memref<100000x768xf32, #tpu.memory_space<hbm>>
    tpu.enqueue_indirect_dma source(%dma_start3A_54 : memref<100000x768xf32, #tpu.memory_space<hbm>>) target(%arg12 : memref<64x768xf32, #tpu.memory_space<vmem>>) offsets(%arg10 : memref<64xi32, #tpu.memory_space<vmem>>) semaphore(%arg19 : memref<!tpu.dma_semaphore, #tpu.memory_space<semaphore_mem>>)
    %dma_wait3A_55 = arith.constant 0 : i32
    %dma_wait3A_56 = arith.constant 0 : i32
    %dma_wait3A_57 = tpu.memref_slice %arg2[%dma_wait3A_55, %dma_wait3A_56] : memref<100000x768xf32, #tpu.memory_space<hbm>> -> memref<100000x768xf32, #tpu.memory_space<hbm>>
    tpu.wait_indirect_dma semaphore(%arg20 : memref<!tpu.dma_semaphore, #tpu.memory_space<semaphore_mem>>) src(%dma_wait3A_57 : memref<100000x768xf32, #tpu.memory_space<hbm>>) dst(%arg13 : memref<64x768xf32, #tpu.memory_space<vmem>>)
    "tpu.region"() ({
      %run_scoped3A = tpu.sem_alloc : memref<!tpu.dma_semaphore, #tpu.memory_space<semaphore_mem>>
      %dma_start3A_130 = arith.constant 0 : i32
      %dma_start3A_131 = tpu.memref_slice %arg8[%add3A_49, %dma_start3A_130] : memref<8192x768xf32, #tpu.memory_space<hbm>> -> memref<64x768xf32, #tpu.memory_space<hbm>>
      %dma_start3A_132 = arith.constant 0 : i32
      %dma_start3A_133 = tpu.memref_slice %arg8[%add3A_49, %dma_start3A_132] : memref<8192x768xf32, #tpu.memory_space<hbm>> -> memref<64x768xf32, #tpu.memory_space<hbm>>
      tpu.enqueue_dma source(%arg13 : memref<64x768xf32, #tpu.memory_space<vmem>>) target(%dma_start3A_133 : memref<64x768xf32, #tpu.memory_space<hbm>>) target_semaphore(%run_scoped3A : memref<!tpu.dma_semaphore, #tpu.memory_space<semaphore_mem>>)
      %dma_wait3A_134 = arith.constant 0 : i32
      %dma_wait3A_135 = tpu.memref_slice %arg8[%add3A_49, %dma_wait3A_134] : memref<8192x768xf32, #tpu.memory_space<hbm>> -> memref<64x768xf32, #tpu.memory_space<hbm>>
      %dma_wait3A_136 = arith.constant 0 : i32
      %dma_wait3A_137 = tpu.memref_slice %arg8[%add3A_49, %dma_wait3A_136] : memref<8192x768xf32, #tpu.memory_space<hbm>> -> memref<64x768xf32, #tpu.memory_space<hbm>>
      tpu.wait_dma2 semaphore(%run_scoped3A : memref<!tpu.dma_semaphore, #tpu.memory_space<semaphore_mem>>) src(%arg13 : memref<64x768xf32, #tpu.memory_space<vmem>>) dst(%dma_wait3A_137 : memref<64x768xf32, #tpu.memory_space<hbm>>)
      tpu.yield
    }) : () -> ()
    %dma_wait3A_58 = arith.constant 0 : i32
    %dma_wait3A_59 = arith.constant 0 : i32
    %dma_wait3A_60 = tpu.memref_slice %arg4[%dma_wait3A_58, %dma_wait3A_59] : memref<1000x128xf32, #tpu.memory_space<hbm>> -> memref<1000x128xf32, #tpu.memory_space<hbm>>
    tpu.wait_indirect_dma semaphore(%arg21 : memref<!tpu.dma_semaphore, #tpu.memory_space<semaphore_mem>>) src(%dma_wait3A_60 : memref<1000x128xf32, #tpu.memory_space<hbm>>) dst(%arg16 : memref<64x128xf32, #tpu.memory_space<vmem>>)
    %dma_wait3A_61 = arith.constant 0 : i32
    %dma_wait3A_62 = arith.constant 0 : i32
    %dma_wait3A_63 = tpu.memref_slice %arg6[%dma_wait3A_61, %dma_wait3A_62] : memref<1000x128xf32, #tpu.memory_space<hbm>> -> memref<1000x128xf32, #tpu.memory_space<hbm>>
    tpu.wait_indirect_dma semaphore(%arg22 : memref<!tpu.dma_semaphore, #tpu.memory_space<semaphore_mem>>) src(%dma_wait3A_63 : memref<1000x128xf32, #tpu.memory_space<hbm>>) dst(%arg17 : memref<64x128xf32, #tpu.memory_space<vmem>>)
    %scan3A_64 = arith.constant 0 : i32
    %scan3A_65 = arith.constant 64 : i32
    %scan3A_66 = arith.addi %scan3A_64, %scan3A_65 : i32
    %scan3A_67 = arith.constant 1 : i32
    scf.for %scan3A_130 = %scan3A_64 to %scan3A_66 step %scan3A_67  : i32 {
      %mul3A_131 = arith.constant 1 : i32
      %mul3A_132 = arith.muli %scan3A_130, %mul3A_131 : i32
      %add3A_133 = arith.constant 0 : i32
      %add3A_134 = arith.addi %add3A_133, %mul3A_132 : i32
      %get3A = arith.index_cast %add3A_134 : i32 to index
      %get3A_135 = arith.constant 0 : index
      %get3A_136 = tpu.vector_load %arg16[%get3A, %get3A_135] {strides = array<i32>} : memref<64x128xf32, #tpu.memory_space<vmem>>, vector<1x16xf32>,
      %get3A_137 = vector.shape_cast %get3A_136 : vector<1x16xf32> to vector<1x16xf32>
      %get3A_138 = arith.index_cast %add3A_134 : i32 to index
      %get3A_139 = arith.constant 0 : index
      %get3A_140 = tpu.vector_load %arg17[%get3A_138, %get3A_139] {strides = array<i32>} : memref<64x128xf32, #tpu.memory_space<vmem>>, vector<1x16xf32>,
      %get3A_141 = vector.shape_cast %get3A_140 : vector<1x16xf32> to vector<1x16xf32>
      %add3A_142 = arith.addf %get3A_137, %get3A_141 : vector<1x16xf32>
      %swap3A = arith.index_cast %add3A_134 : i32 to index
      %swap3A_143 = arith.constant 0 : index
      %swap3A_144 = tpu.vector_load %arg18[%swap3A, %swap3A_143] {strides = array<i32>} : memref<64x128xf32, #tpu.memory_space<vmem>>, vector<1x16xf32>,
      %swap3A_145 = vector.shape_cast %swap3A_144 : vector<1x16xf32> to vector<1x16xf32>
      %swap3A_146 = vector.shape_cast %add3A_142 : vector<1x16xf32> to vector<1x16xf32>
      tpu.vector_store %arg18[%swap3A, %swap3A_143], %swap3A_146 {strides = array<i32>} : memref<64x128xf32, #tpu.memory_space<vmem>>, vector<1x16xf32>,
      %mul3A_147 = arith.mulf %get3A_137, %get3A_141 : vector<1x16xf32>
      %swap3A_148 = arith.index_cast %add3A_134 : i32 to index
      %swap3A_149 = arith.constant 64 : index
      %swap3A_150 = tpu.vector_load %arg18[%swap3A_148, %swap3A_149] {strides = array<i32>} : memref<64x128xf32, #tpu.memory_space<vmem>>, vector<1x16xf32>,
      %swap3A_151 = vector.shape_cast %swap3A_150 : vector<1x16xf32> to vector<1x16xf32>
      %swap3A_152 = vector.shape_cast %mul3A_147 : vector<1x16xf32> to vector<1x16xf32>
      tpu.vector_store %arg18[%swap3A_148, %swap3A_149], %swap3A_152 {strides = array<i32>} : memref<64x128xf32, #tpu.memory_space<vmem>>, vector<1x16xf32>,
      %get3A_153 = arith.index_cast %add3A_134 : i32 to index
      %get3A_154 = arith.constant 16 : index
      %get3A_155 = tpu.vector_load %arg16[%get3A_153, %get3A_154] {strides = array<i32>} : memref<64x128xf32, #tpu.memory_space<vmem>>, vector<1x16xf32>,
      %get3A_156 = vector.shape_cast %get3A_155 : vector<1x16xf32> to vector<1x16xf32>
      %get3A_157 = arith.index_cast %add3A_134 : i32 to index
      %get3A_158 = arith.constant 16 : index
      %get3A_159 = tpu.vector_load %arg17[%get3A_157, %get3A_158] {strides = array<i32>} : memref<64x128xf32, #tpu.memory_space<vmem>>, vector<1x16xf32>,
      %get3A_160 = vector.shape_cast %get3A_159 : vector<1x16xf32> to vector<1x16xf32>
      %add3A_161 = arith.addf %get3A_156, %get3A_160 : vector<1x16xf32>
      %swap3A_162 = arith.index_cast %add3A_134 : i32 to index
      %swap3A_163 = arith.constant 16 : index
      %swap3A_164 = tpu.vector_load %arg18[%swap3A_162, %swap3A_163] {strides = array<i32>} : memref<64x128xf32, #tpu.memory_space<vmem>>, vector<1x16xf32>,
      %swap3A_165 = vector.shape_cast %swap3A_164 : vector<1x16xf32> to vector<1x16xf32>
      %swap3A_166 = vector.shape_cast %add3A_161 : vector<1x16xf32> to vector<1x16xf32>
      tpu.vector_store %arg18[%swap3A_162, %swap3A_163], %swap3A_166 {strides = array<i32>} : memref<64x128xf32, #tpu.memory_space<vmem>>, vector<1x16xf32>,
      %mul3A_167 = arith.mulf %get3A_156, %get3A_160 : vector<1x16xf32>
      %swap3A_168 = arith.index_cast %add3A_134 : i32 to index
      %swap3A_169 = arith.constant 80 : index
      %swap3A_170 = tpu.vector_load %arg18[%swap3A_168, %swap3A_169] {strides = array<i32>} : memref<64x128xf32, #tpu.memory_space<vmem>>, vector<1x16xf32>,
      %swap3A_171 = vector.shape_cast %swap3A_170 : vector<1x16xf32> to vector<1x16xf32>
      %swap3A_172 = vector.shape_cast %mul3A_167 : vector<1x16xf32> to vector<1x16xf32>
      tpu.vector_store %arg18[%swap3A_168, %swap3A_169], %swap3A_172 {strides = array<i32>} : memref<64x128xf32, #tpu.memory_space<vmem>>, vector<1x16xf32>,
      %get3A_173 = arith.index_cast %add3A_134 : i32 to index
      %get3A_174 = arith.constant 32 : index
      %get3A_175 = tpu.vector_load %arg16[%get3A_173, %get3A_174] {strides = array<i32>} : memref<64x128xf32, #tpu.memory_space<vmem>>, vector<1x16xf32>,
      %get3A_176 = vector.shape_cast %get3A_175 : vector<1x16xf32> to vector<1x16xf32>
      %get3A_177 = arith.index_cast %add3A_134 : i32 to index
      %get3A_178 = arith.constant 32 : index
      %get3A_179 = tpu.vector_load %arg17[%get3A_177, %get3A_178] {strides = array<i32>} : memref<64x128xf32, #tpu.memory_space<vmem>>, vector<1x16xf32>,
      %get3A_180 = vector.shape_cast %get3A_179 : vector<1x16xf32> to vector<1x16xf32>
      %add3A_181 = arith.addf %get3A_176, %get3A_180 : vector<1x16xf32>
      %swap3A_182 = arith.index_cast %add3A_134 : i32 to index
      %swap3A_183 = arith.constant 32 : index
      %swap3A_184 = tpu.vector_load %arg18[%swap3A_182, %swap3A_183] {strides = array<i32>} : memref<64x128xf32, #tpu.memory_space<vmem>>, vector<1x16xf32>,
      %swap3A_185 = vector.shape_cast %swap3A_184 : vector<1x16xf32> to vector<1x16xf32>
      %swap3A_186 = vector.shape_cast %add3A_181 : vector<1x16xf32> to vector<1x16xf32>
      tpu.vector_store %arg18[%swap3A_182, %swap3A_183], %swap3A_186 {strides = array<i32>} : memref<64x128xf32, #tpu.memory_space<vmem>>, vector<1x16xf32>,
      %mul3A_187 = arith.mulf %get3A_176, %get3A_180 : vector<1x16xf32>
      %swap3A_188 = arith.index_cast %add3A_134 : i32 to index
      %swap3A_189 = arith.constant 96 : index
      %swap3A_190 = tpu.vector_load %arg18[%swap3A_188, %swap3A_189] {strides = array<i32>} : memref<64x128xf32, #tpu.memory_space<vmem>>, vector<1x16xf32>,
      %swap3A_191 = vector.shape_cast %swap3A_190 : vector<1x16xf32> to vector<1x16xf32>
      %swap3A_192 = vector.shape_cast %mul3A_187 : vector<1x16xf32> to vector<1x16xf32>
      tpu.vector_store %arg18[%swap3A_188, %swap3A_189], %swap3A_192 {strides = array<i32>} : memref<64x128xf32, #tpu.memory_space<vmem>>, vector<1x16xf32>,
      %get3A_193 = arith.index_cast %add3A_134 : i32 to index
      %get3A_194 = arith.constant 48 : index
      %get3A_195 = tpu.vector_load %arg16[%get3A_193, %get3A_194] {strides = array<i32>} : memref<64x128xf32, #tpu.memory_space<vmem>>, vector<1x16xf32>,
      %get3A_196 = vector.shape_cast %get3A_195 : vector<1x16xf32> to vector<1x16xf32>
      %get3A_197 = arith.index_cast %add3A_134 : i32 to index
      %get3A_198 = arith.constant 48 : index
      %get3A_199 = tpu.vector_load %arg17[%get3A_197, %get3A_198] {strides = array<i32>} : memref<64x128xf32, #tpu.memory_space<vmem>>, vector<1x16xf32>,
      %get3A_200 = vector.shape_cast %get3A_199 : vector<1x16xf32> to vector<1x16xf32>
      %add3A_201 = arith.addf %get3A_196, %get3A_200 : vector<1x16xf32>
      %swap3A_202 = arith.index_cast %add3A_134 : i32 to index
      %swap3A_203 = arith.constant 48 : index
      %swap3A_204 = tpu.vector_load %arg18[%swap3A_202, %swap3A_203] {strides = array<i32>} : memref<64x128xf32, #tpu.memory_space<vmem>>, vector<1x16xf32>,
      %swap3A_205 = vector.shape_cast %swap3A_204 : vector<1x16xf32> to vector<1x16xf32>
      %swap3A_206 = vector.shape_cast %add3A_201 : vector<1x16xf32> to vector<1x16xf32>
      tpu.vector_store %arg18[%swap3A_202, %swap3A_203], %swap3A_206 {strides = array<i32>} : memref<64x128xf32, #tpu.memory_space<vmem>>, vector<1x16xf32>,
      %mul3A_207 = arith.mulf %get3A_196, %get3A_200 : vector<1x16xf32>
      %swap3A_208 = arith.index_cast %add3A_134 : i32 to index
      %swap3A_209 = arith.constant 112 : index
      %swap3A_210 = tpu.vector_load %arg18[%swap3A_208, %swap3A_209] {strides = array<i32>} : memref<64x128xf32, #tpu.memory_space<vmem>>, vector<1x16xf32>,
      %swap3A_211 = vector.shape_cast %swap3A_210 : vector<1x16xf32> to vector<1x16xf32>
      %swap3A_212 = vector.shape_cast %mul3A_207 : vector<1x16xf32> to vector<1x16xf32>
      tpu.vector_store %arg18[%swap3A_208, %swap3A_209], %swap3A_212 {strides = array<i32>} : memref<64x128xf32, #tpu.memory_space<vmem>>, vector<1x16xf32>,
    }
    %scan3A_68 = arith.constant 64 : i32
    "tpu.region"() ({
      %run_scoped3A = tpu.sem_alloc : memref<!tpu.dma_semaphore, #tpu.memory_space<semaphore_mem>>
      %dma_start3A_130 = arith.constant 0 : i32
      %dma_start3A_131 = tpu.memref_slice %arg9[%add3A_49, %dma_start3A_130] : memref<8192x128xf32, #tpu.memory_space<hbm>> -> memref<64x128xf32, #tpu.memory_space<hbm>>
      %dma_start3A_132 = arith.constant 0 : i32
      %dma_start3A_133 = tpu.memref_slice %arg9[%add3A_49, %dma_start3A_132] : memref<8192x128xf32, #tpu.memory_space<hbm>> -> memref<64x128xf32, #tpu.memory_space<hbm>>
      tpu.enqueue_dma source(%arg18 : memref<64x128xf32, #tpu.memory_space<vmem>>) target(%dma_start3A_133 : memref<64x128xf32, #tpu.memory_space<hbm>>) target_semaphore(%run_scoped3A : memref<!tpu.dma_semaphore, #tpu.memory_space<semaphore_mem>>)
      %dma_wait3A_134 = arith.constant 0 : i32
      %dma_wait3A_135 = tpu.memref_slice %arg9[%add3A_49, %dma_wait3A_134] : memref<8192x128xf32, #tpu.memory_space<hbm>> -> memref<64x128xf32, #tpu.memory_space<hbm>>
      %dma_wait3A_136 = arith.constant 0 : i32
      %dma_wait3A_137 = tpu.memref_slice %arg9[%add3A_49, %dma_wait3A_136] : memref<8192x128xf32, #tpu.memory_space<hbm>> -> memref<64x128xf32, #tpu.memory_space<hbm>>
      tpu.wait_dma2 semaphore(%run_scoped3A : memref<!tpu.dma_semaphore, #tpu.memory_space<semaphore_mem>>) src(%arg18 : memref<64x128xf32, #tpu.memory_space<vmem>>) dst(%dma_wait3A_137 : memref<64x128xf32, #tpu.memory_space<hbm>>)
      tpu.yield
    }) : () -> ()
    %add3A_69 = arith.constant 64 : i32
    %add3A_70 = arith.addi %add3A_47, %add3A_69 : i32
    "tpu.region"() ({
      %run_scoped3A = tpu.sem_alloc : memref<!tpu.dma_semaphore, #tpu.memory_space<semaphore_mem>>
      %dma_start3A_130 = tpu.memref_slice %arg5[%add3A_70] : memref<16384xi32, #tpu.memory_space<hbm>> -> memref<64xi32, #tpu.memory_space<hbm>>
      %dma_start3A_131 = tpu.memref_slice %arg5[%add3A_70] : memref<16384xi32, #tpu.memory_space<hbm>> -> memref<64xi32, #tpu.memory_space<hbm>>
      tpu.enqueue_dma source(%dma_start3A_131 : memref<64xi32, #tpu.memory_space<hbm>>) target(%arg14 : memref<64xi32, #tpu.memory_space<vmem>>) target_semaphore(%run_scoped3A : memref<!tpu.dma_semaphore, #tpu.memory_space<semaphore_mem>>)
      %dma_wait3A_132 = tpu.memref_slice %arg5[%add3A_70] : memref<16384xi32, #tpu.memory_space<hbm>> -> memref<64xi32, #tpu.memory_space<hbm>>
      %dma_wait3A_133 = tpu.memref_slice %arg5[%add3A_70] : memref<16384xi32, #tpu.memory_space<hbm>> -> memref<64xi32, #tpu.memory_space<hbm>>
      tpu.wait_dma2 semaphore(%run_scoped3A : memref<!tpu.dma_semaphore, #tpu.memory_space<semaphore_mem>>) src(%dma_wait3A_133 : memref<64xi32, #tpu.memory_space<hbm>>) dst(%arg14 : memref<64xi32, #tpu.memory_space<vmem>>)
      tpu.yield
    }) : () -> ()
    %dma_start3A_71 = arith.constant 0 : i32
    %dma_start3A_72 = arith.constant 0 : i32
    %dma_start3A_73 = tpu.memref_slice %arg4[%dma_start3A_71, %dma_start3A_72] : memref<1000x128xf32, #tpu.memory_space<hbm>> -> memref<1000x128xf32, #tpu.memory_space<hbm>>
    tpu.enqueue_indirect_dma source(%dma_start3A_73 : memref<1000x128xf32, #tpu.memory_space<hbm>>) target(%arg16 : memref<64x128xf32, #tpu.memory_space<vmem>>) offsets(%arg14 : memref<64xi32, #tpu.memory_space<vmem>>) semaphore(%arg21 : memref<!tpu.dma_semaphore, #tpu.memory_space<semaphore_mem>>)
    %add3A_74 = arith.constant 64 : i32
    %add3A_75 = arith.addi %add3A_47, %add3A_74 : i32
    "tpu.region"() ({
      %run_scoped3A = tpu.sem_alloc : memref<!tpu.dma_semaphore, #tpu.memory_space<semaphore_mem>>
      %dma_start3A_130 = tpu.memref_slice %arg7[%add3A_75] : memref<16384xi32, #tpu.memory_space<hbm>> -> memref<64xi32, #tpu.memory_space<hbm>>
      %dma_start3A_131 = tpu.memref_slice %arg7[%add3A_75] : memref<16384xi32, #tpu.memory_space<hbm>> -> memref<64xi32, #tpu.memory_space<hbm>>
      tpu.enqueue_dma source(%dma_start3A_131 : memref<64xi32, #tpu.memory_space<hbm>>) target(%arg15 : memref<64xi32, #tpu.memory_space<vmem>>) target_semaphore(%run_scoped3A : memref<!tpu.dma_semaphore, #tpu.memory_space<semaphore_mem>>)
      %dma_wait3A_132 = tpu.memref_slice %arg7[%add3A_75] : memref<16384xi32, #tpu.memory_space<hbm>> -> memref<64xi32, #tpu.memory_space<hbm>>
      %dma_wait3A_133 = tpu.memref_slice %arg7[%add3A_75] : memref<16384xi32, #tpu.memory_space<hbm>> -> memref<64xi32, #tpu.memory_space<hbm>>
      tpu.wait_dma2 semaphore(%run_scoped3A : memref<!tpu.dma_semaphore, #tpu.memory_space<semaphore_mem>>) src(%dma_wait3A_133 : memref<64xi32, #tpu.memory_space<hbm>>) dst(%arg15 : memref<64xi32, #tpu.memory_space<vmem>>)
      tpu.yield
    }) : () -> ()
    %dma_start3A_76 = arith.constant 0 : i32
    %dma_start3A_77 = arith.constant 0 : i32
    %dma_start3A_78 = tpu.memref_slice %arg6[%dma_start3A_76, %dma_start3A_77] : memref<1000x128xf32, #tpu.memory_space<hbm>> -> memref<1000x128xf32, #tpu.memory_space<hbm>>
    tpu.enqueue_indirect_dma source(%dma_start3A_78 : memref<1000x128xf32, #tpu.memory_space<hbm>>) target(%arg17 : memref<64x128xf32, #tpu.memory_space<vmem>>) offsets(%arg15 : memref<64xi32, #tpu.memory_space<vmem>>) semaphore(%arg22 : memref<!tpu.dma_semaphore, #tpu.memory_space<semaphore_mem>>)
    %add3A_79 = arith.constant 128 : i32
    %add3A_80 = arith.addi %add3A_4, %add3A_79 : i32
    %add3A_81 = arith.constant 128 : i32
    %add3A_82 = arith.addi %mul3A_6, %add3A_81 : i32
    %add3A_83 = arith.constant 64 : i32
    %add3A_84 = arith.addi %add3A_80, %add3A_83 : i32
    "tpu.region"() ({
      %run_scoped3A = tpu.sem_alloc : memref<!tpu.dma_semaphore, #tpu.memory_space<semaphore_mem>>
      %dma_start3A_130 = tpu.memref_slice %arg3[%add3A_84] : memref<16384xi32, #tpu.memory_space<hbm>> -> memref<64xi32, #tpu.memory_space<hbm>>
      %dma_start3A_131 = tpu.memref_slice %arg3[%add3A_84] : memref<16384xi32, #tpu.memory_space<hbm>> -> memref<64xi32, #tpu.memory_space<hbm>>
      tpu.enqueue_dma source(%dma_start3A_131 : memref<64xi32, #tpu.memory_space<hbm>>) target(%arg11 : memref<64xi32, #tpu.memory_space<vmem>>) target_semaphore(%run_scoped3A : memref<!tpu.dma_semaphore, #tpu.memory_space<semaphore_mem>>)
      %dma_wait3A_132 = tpu.memref_slice %arg3[%add3A_84] : memref<16384xi32, #tpu.memory_space<hbm>> -> memref<64xi32, #tpu.memory_space<hbm>>
      %dma_wait3A_133 = tpu.memref_slice %arg3[%add3A_84] : memref<16384xi32, #tpu.memory_space<hbm>> -> memref<64xi32, #tpu.memory_space<hbm>>
      tpu.wait_dma2 semaphore(%run_scoped3A : memref<!tpu.dma_semaphore, #tpu.memory_space<semaphore_mem>>) src(%dma_wait3A_133 : memref<64xi32, #tpu.memory_space<hbm>>) dst(%arg11 : memref<64xi32, #tpu.memory_space<vmem>>)
      tpu.yield
    }) : () -> ()
    %dma_start3A_85 = arith.constant 0 : i32
    %dma_start3A_86 = arith.constant 0 : i32
    %dma_start3A_87 = tpu.memref_slice %arg2[%dma_start3A_85, %dma_start3A_86] : memref<100000x768xf32, #tpu.memory_space<hbm>> -> memref<100000x768xf32, #tpu.memory_space<hbm>>
    tpu.enqueue_indirect_dma source(%dma_start3A_87 : memref<100000x768xf32, #tpu.memory_space<hbm>>) target(%arg13 : memref<64x768xf32, #tpu.memory_space<vmem>>) offsets(%arg11 : memref<64xi32, #tpu.memory_space<vmem>>) semaphore(%arg20 : memref<!tpu.dma_semaphore, #tpu.memory_space<semaphore_mem>>)
    %dma_wait3A_88 = arith.constant 0 : i32
    %dma_wait3A_89 = arith.constant 0 : i32
    %dma_wait3A_90 = tpu.memref_slice %arg2[%dma_wait3A_88, %dma_wait3A_89] : memref<100000x768xf32, #tpu.memory_space<hbm>> -> memref<100000x768xf32, #tpu.memory_space<hbm>>
    tpu.wait_indirect_dma semaphore(%arg19 : memref<!tpu.dma_semaphore, #tpu.memory_space<semaphore_mem>>) src(%dma_wait3A_90 : memref<100000x768xf32, #tpu.memory_space<hbm>>) dst(%arg12 : memref<64x768xf32, #tpu.memory_space<vmem>>)
    "tpu.region"() ({
      %run_scoped3A = tpu.sem_alloc : memref<!tpu.dma_semaphore, #tpu.memory_space<semaphore_mem>>
      %dma_start3A_130 = arith.constant 0 : i32
      %dma_start3A_131 = tpu.memref_slice %arg8[%add3A_82, %dma_start3A_130] : memref<8192x768xf32, #tpu.memory_space<hbm>> -> memref<64x768xf32, #tpu.memory_space<hbm>>
      %dma_start3A_132 = arith.constant 0 : i32
      %dma_start3A_133 = tpu.memref_slice %arg8[%add3A_82, %dma_start3A_132] : memref<8192x768xf32, #tpu.memory_space<hbm>> -> memref<64x768xf32, #tpu.memory_space<hbm>>
      tpu.enqueue_dma source(%arg12 : memref<64x768xf32, #tpu.memory_space<vmem>>) target(%dma_start3A_133 : memref<64x768xf32, #tpu.memory_space<hbm>>) target_semaphore(%run_scoped3A : memref<!tpu.dma_semaphore, #tpu.memory_space<semaphore_mem>>)
      %dma_wait3A_134 = arith.constant 0 : i32
      %dma_wait3A_135 = tpu.memref_slice %arg8[%add3A_82, %dma_wait3A_134] : memref<8192x768xf32, #tpu.memory_space<hbm>> -> memref<64x768xf32, #tpu.memory_space<hbm>>
      %dma_wait3A_136 = arith.constant 0 : i32
      %dma_wait3A_137 = tpu.memref_slice %arg8[%add3A_82, %dma_wait3A_136] : memref<8192x768xf32, #tpu.memory_space<hbm>> -> memref<64x768xf32, #tpu.memory_space<hbm>>
      tpu.wait_dma2 semaphore(%run_scoped3A : memref<!tpu.dma_semaphore, #tpu.memory_space<semaphore_mem>>) src(%arg12 : memref<64x768xf32, #tpu.memory_space<vmem>>) dst(%dma_wait3A_137 : memref<64x768xf32, #tpu.memory_space<hbm>>)
      tpu.yield
    }) : () -> ()
    %dma_wait3A_91 = arith.constant 0 : i32
    %dma_wait3A_92 = arith.constant 0 : i32
    %dma_wait3A_93 = tpu.memref_slice %arg4[%dma_wait3A_91, %dma_wait3A_92] : memref<1000x128xf32, #tpu.memory_space<hbm>> -> memref<1000x128xf32, #tpu.memory_space<hbm>>
    tpu.wait_indirect_dma semaphore(%arg21 : memref<!tpu.dma_semaphore, #tpu.memory_space<semaphore_mem>>) src(%dma_wait3A_93 : memref<1000x128xf32, #tpu.memory_space<hbm>>) dst(%arg16 : memref<64x128xf32, #tpu.memory_space<vmem>>)
    %dma_wait3A_94 = arith.constant 0 : i32
    %dma_wait3A_95 = arith.constant 0 : i32
    %dma_wait3A_96 = tpu.memref_slice %arg6[%dma_wait3A_94, %dma_wait3A_95] : memref<1000x128xf32, #tpu.memory_space<hbm>> -> memref<1000x128xf32, #tpu.memory_space<hbm>>
    tpu.wait_indirect_dma semaphore(%arg22 : memref<!tpu.dma_semaphore, #tpu.memory_space<semaphore_mem>>) src(%dma_wait3A_96 : memref<1000x128xf32, #tpu.memory_space<hbm>>) dst(%arg17 : memref<64x128xf32, #tpu.memory_space<vmem>>)
    %scan3A_97 = arith.constant 0 : i32
    %scan3A_98 = arith.constant 64 : i32
    %scan3A_99 = arith.addi %scan3A_97, %scan3A_98 : i32
    %scan3A_100 = arith.constant 1 : i32
    scf.for %scan3A_130 = %scan3A_97 to %scan3A_99 step %scan3A_100  : i32 {
      %mul3A_131 = arith.constant 1 : i32
      %mul3A_132 = arith.muli %scan3A_130, %mul3A_131 : i32
      %add3A_133 = arith.constant 0 : i32
      %add3A_134 = arith.addi %add3A_133, %mul3A_132 : i32
      %get3A = arith.index_cast %add3A_134 : i32 to index
      %get3A_135 = arith.constant 0 : index
      %get3A_136 = tpu.vector_load %arg16[%get3A, %get3A_135] {strides = array<i32>} : memref<64x128xf32, #tpu.memory_space<vmem>>, vector<1x16xf32>,
      %get3A_137 = vector.shape_cast %get3A_136 : vector<1x16xf32> to vector<1x16xf32>
      %get3A_138 = arith.index_cast %add3A_134 : i32 to index
      %get3A_139 = arith.constant 0 : index
      %get3A_140 = tpu.vector_load %arg17[%get3A_138, %get3A_139] {strides = array<i32>} : memref<64x128xf32, #tpu.memory_space<vmem>>, vector<1x16xf32>,
      %get3A_141 = vector.shape_cast %get3A_140 : vector<1x16xf32> to vector<1x16xf32>
      %add3A_142 = arith.addf %get3A_137, %get3A_141 : vector<1x16xf32>
      %swap3A = arith.index_cast %add3A_134 : i32 to index
      %swap3A_143 = arith.constant 0 : index
      %swap3A_144 = tpu.vector_load %arg18[%swap3A, %swap3A_143] {strides = array<i32>} : memref<64x128xf32, #tpu.memory_space<vmem>>, vector<1x16xf32>,
      %swap3A_145 = vector.shape_cast %swap3A_144 : vector<1x16xf32> to vector<1x16xf32>
      %swap3A_146 = vector.shape_cast %add3A_142 : vector<1x16xf32> to vector<1x16xf32>
      tpu.vector_store %arg18[%swap3A, %swap3A_143], %swap3A_146 {strides = array<i32>} : memref<64x128xf32, #tpu.memory_space<vmem>>, vector<1x16xf32>,
      %mul3A_147 = arith.mulf %get3A_137, %get3A_141 : vector<1x16xf32>
      %swap3A_148 = arith.index_cast %add3A_134 : i32 to index
      %swap3A_149 = arith.constant 64 : index
      %swap3A_150 = tpu.vector_load %arg18[%swap3A_148, %swap3A_149] {strides = array<i32>} : memref<64x128xf32, #tpu.memory_space<vmem>>, vector<1x16xf32>,
      %swap3A_151 = vector.shape_cast %swap3A_150 : vector<1x16xf32> to vector<1x16xf32>
      %swap3A_152 = vector.shape_cast %mul3A_147 : vector<1x16xf32> to vector<1x16xf32>
      tpu.vector_store %arg18[%swap3A_148, %swap3A_149], %swap3A_152 {strides = array<i32>} : memref<64x128xf32, #tpu.memory_space<vmem>>, vector<1x16xf32>,
      %get3A_153 = arith.index_cast %add3A_134 : i32 to index
      %get3A_154 = arith.constant 16 : index
      %get3A_155 = tpu.vector_load %arg16[%get3A_153, %get3A_154] {strides = array<i32>} : memref<64x128xf32, #tpu.memory_space<vmem>>, vector<1x16xf32>,
      %get3A_156 = vector.shape_cast %get3A_155 : vector<1x16xf32> to vector<1x16xf32>
      %get3A_157 = arith.index_cast %add3A_134 : i32 to index
      %get3A_158 = arith.constant 16 : index
      %get3A_159 = tpu.vector_load %arg17[%get3A_157, %get3A_158] {strides = array<i32>} : memref<64x128xf32, #tpu.memory_space<vmem>>, vector<1x16xf32>,
      %get3A_160 = vector.shape_cast %get3A_159 : vector<1x16xf32> to vector<1x16xf32>
      %add3A_161 = arith.addf %get3A_156, %get3A_160 : vector<1x16xf32>
      %swap3A_162 = arith.index_cast %add3A_134 : i32 to index
      %swap3A_163 = arith.constant 16 : index
      %swap3A_164 = tpu.vector_load %arg18[%swap3A_162, %swap3A_163] {strides = array<i32>} : memref<64x128xf32, #tpu.memory_space<vmem>>, vector<1x16xf32>,
      %swap3A_165 = vector.shape_cast %swap3A_164 : vector<1x16xf32> to vector<1x16xf32>
      %swap3A_166 = vector.shape_cast %add3A_161 : vector<1x16xf32> to vector<1x16xf32>
      tpu.vector_store %arg18[%swap3A_162, %swap3A_163], %swap3A_166 {strides = array<i32>} : memref<64x128xf32, #tpu.memory_space<vmem>>, vector<1x16xf32>,
      %mul3A_167 = arith.mulf %get3A_156, %get3A_160 : vector<1x16xf32>
      %swap3A_168 = arith.index_cast %add3A_134 : i32 to index
      %swap3A_169 = arith.constant 80 : index
      %swap3A_170 = tpu.vector_load %arg18[%swap3A_168, %swap3A_169] {strides = array<i32>} : memref<64x128xf32, #tpu.memory_space<vmem>>, vector<1x16xf32>,
      %swap3A_171 = vector.shape_cast %swap3A_170 : vector<1x16xf32> to vector<1x16xf32>
      %swap3A_172 = vector.shape_cast %mul3A_167 : vector<1x16xf32> to vector<1x16xf32>
      tpu.vector_store %arg18[%swap3A_168, %swap3A_169], %swap3A_172 {strides = array<i32>} : memref<64x128xf32, #tpu.memory_space<vmem>>, vector<1x16xf32>,
      %get3A_173 = arith.index_cast %add3A_134 : i32 to index
      %get3A_174 = arith.constant 32 : index
      %get3A_175 = tpu.vector_load %arg16[%get3A_173, %get3A_174] {strides = array<i32>} : memref<64x128xf32, #tpu.memory_space<vmem>>, vector<1x16xf32>,
      %get3A_176 = vector.shape_cast %get3A_175 : vector<1x16xf32> to vector<1x16xf32>
      %get3A_177 = arith.index_cast %add3A_134 : i32 to index
      %get3A_178 = arith.constant 32 : index
      %get3A_179 = tpu.vector_load %arg17[%get3A_177, %get3A_178] {strides = array<i32>} : memref<64x128xf32, #tpu.memory_space<vmem>>, vector<1x16xf32>,
      %get3A_180 = vector.shape_cast %get3A_179 : vector<1x16xf32> to vector<1x16xf32>
      %add3A_181 = arith.addf %get3A_176, %get3A_180 : vector<1x16xf32>
      %swap3A_182 = arith.index_cast %add3A_134 : i32 to index
      %swap3A_183 = arith.constant 32 : index
      %swap3A_184 = tpu.vector_load %arg18[%swap3A_182, %swap3A_183] {strides = array<i32>} : memref<64x128xf32, #tpu.memory_space<vmem>>, vector<1x16xf32>,
      %swap3A_185 = vector.shape_cast %swap3A_184 : vector<1x16xf32> to vector<1x16xf32>
      %swap3A_186 = vector.shape_cast %add3A_181 : vector<1x16xf32> to vector<1x16xf32>
      tpu.vector_store %arg18[%swap3A_182, %swap3A_183], %swap3A_186 {strides = array<i32>} : memref<64x128xf32, #tpu.memory_space<vmem>>, vector<1x16xf32>,
      %mul3A_187 = arith.mulf %get3A_176, %get3A_180 : vector<1x16xf32>
      %swap3A_188 = arith.index_cast %add3A_134 : i32 to index
      %swap3A_189 = arith.constant 96 : index
      %swap3A_190 = tpu.vector_load %arg18[%swap3A_188, %swap3A_189] {strides = array<i32>} : memref<64x128xf32, #tpu.memory_space<vmem>>, vector<1x16xf32>,
      %swap3A_191 = vector.shape_cast %swap3A_190 : vector<1x16xf32> to vector<1x16xf32>
      %swap3A_192 = vector.shape_cast %mul3A_187 : vector<1x16xf32> to vector<1x16xf32>
      tpu.vector_store %arg18[%swap3A_188, %swap3A_189], %swap3A_192 {strides = array<i32>} : memref<64x128xf32, #tpu.memory_space<vmem>>, vector<1x16xf32>,
      %get3A_193 = arith.index_cast %add3A_134 : i32 to index
      %get3A_194 = arith.constant 48 : index
      %get3A_195 = tpu.vector_load %arg16[%get3A_193, %get3A_194] {strides = array<i32>} : memref<64x128xf32, #tpu.memory_space<vmem>>, vector<1x16xf32>,
      %get3A_196 = vector.shape_cast %get3A_195 : vector<1x16xf32> to vector<1x16xf32>
      %get3A_197 = arith.index_cast %add3A_134 : i32 to index
      %get3A_198 = arith.constant 48 : index
      %get3A_199 = tpu.vector_load %arg17[%get3A_197, %get3A_198] {strides = array<i32>} : memref<64x128xf32, #tpu.memory_space<vmem>>, vector<1x16xf32>,
      %get3A_200 = vector.shape_cast %get3A_199 : vector<1x16xf32> to vector<1x16xf32>
      %add3A_201 = arith.addf %get3A_196, %get3A_200 : vector<1x16xf32>
      %swap3A_202 = arith.index_cast %add3A_134 : i32 to index
      %swap3A_203 = arith.constant 48 : index
      %swap3A_204 = tpu.vector_load %arg18[%swap3A_202, %swap3A_203] {strides = array<i32>} : memref<64x128xf32, #tpu.memory_space<vmem>>, vector<1x16xf32>,
      %swap3A_205 = vector.shape_cast %swap3A_204 : vector<1x16xf32> to vector<1x16xf32>
      %swap3A_206 = vector.shape_cast %add3A_201 : vector<1x16xf32> to vector<1x16xf32>
      tpu.vector_store %arg18[%swap3A_202, %swap3A_203], %swap3A_206 {strides = array<i32>} : memref<64x128xf32, #tpu.memory_space<vmem>>, vector<1x16xf32>,
      %mul3A_207 = arith.mulf %get3A_196, %get3A_200 : vector<1x16xf32>
      %swap3A_208 = arith.index_cast %add3A_134 : i32 to index
      %swap3A_209 = arith.constant 112 : index
      %swap3A_210 = tpu.vector_load %arg18[%swap3A_208, %swap3A_209] {strides = array<i32>} : memref<64x128xf32, #tpu.memory_space<vmem>>, vector<1x16xf32>,
      %swap3A_211 = vector.shape_cast %swap3A_210 : vector<1x16xf32> to vector<1x16xf32>
      %swap3A_212 = vector.shape_cast %mul3A_207 : vector<1x16xf32> to vector<1x16xf32>
      tpu.vector_store %arg18[%swap3A_208, %swap3A_209], %swap3A_212 {strides = array<i32>} : memref<64x128xf32, #tpu.memory_space<vmem>>, vector<1x16xf32>,
    }
    %scan3A_101 = arith.constant 64 : i32
    "tpu.region"() ({
      %run_scoped3A = tpu.sem_alloc : memref<!tpu.dma_semaphore, #tpu.memory_space<semaphore_mem>>
      %dma_start3A_130 = arith.constant 0 : i32
      %dma_start3A_131 = tpu.memref_slice %arg9[%add3A_82, %dma_start3A_130] : memref<8192x128xf32, #tpu.memory_space<hbm>> -> memref<64x128xf32, #tpu.memory_space<hbm>>
      %dma_start3A_132 = arith.constant 0 : i32
      %dma_start3A_133 = tpu.memref_slice %arg9[%add3A_82, %dma_start3A_132] : memref<8192x128xf32, #tpu.memory_space<hbm>> -> memref<64x128xf32, #tpu.memory_space<hbm>>
      tpu.enqueue_dma source(%arg18 : memref<64x128xf32, #tpu.memory_space<vmem>>) target(%dma_start3A_133 : memref<64x128xf32, #tpu.memory_space<hbm>>) target_semaphore(%run_scoped3A : memref<!tpu.dma_semaphore, #tpu.memory_space<semaphore_mem>>)
      %dma_wait3A_134 = arith.constant 0 : i32
      %dma_wait3A_135 = tpu.memref_slice %arg9[%add3A_82, %dma_wait3A_134] : memref<8192x128xf32, #tpu.memory_space<hbm>> -> memref<64x128xf32, #tpu.memory_space<hbm>>
      %dma_wait3A_136 = arith.constant 0 : i32
      %dma_wait3A_137 = tpu.memref_slice %arg9[%add3A_82, %dma_wait3A_136] : memref<8192x128xf32, #tpu.memory_space<hbm>> -> memref<64x128xf32, #tpu.memory_space<hbm>>
      tpu.wait_dma2 semaphore(%run_scoped3A : memref<!tpu.dma_semaphore, #tpu.memory_space<semaphore_mem>>) src(%arg18 : memref<64x128xf32, #tpu.memory_space<vmem>>) dst(%dma_wait3A_137 : memref<64x128xf32, #tpu.memory_space<hbm>>)
      tpu.yield
    }) : () -> ()
    %add3A_102 = arith.constant 64 : i32
    %add3A_103 = arith.addi %add3A_80, %add3A_102 : i32
    "tpu.region"() ({
      %run_scoped3A = tpu.sem_alloc : memref<!tpu.dma_semaphore, #tpu.memory_space<semaphore_mem>>
      %dma_start3A_130 = tpu.memref_slice %arg5[%add3A_103] : memref<16384xi32, #tpu.memory_space<hbm>> -> memref<64xi32, #tpu.memory_space<hbm>>
      %dma_start3A_131 = tpu.memref_slice %arg5[%add3A_103] : memref<16384xi32, #tpu.memory_space<hbm>> -> memref<64xi32, #tpu.memory_space<hbm>>
      tpu.enqueue_dma source(%dma_start3A_131 : memref<64xi32, #tpu.memory_space<hbm>>) target(%arg14 : memref<64xi32, #tpu.memory_space<vmem>>) target_semaphore(%run_scoped3A : memref<!tpu.dma_semaphore, #tpu.memory_space<semaphore_mem>>)
      %dma_wait3A_132 = tpu.memref_slice %arg5[%add3A_103] : memref<16384xi32, #tpu.memory_space<hbm>> -> memref<64xi32, #tpu.memory_space<hbm>>
      %dma_wait3A_133 = tpu.memref_slice %arg5[%add3A_103] : memref<16384xi32, #tpu.memory_space<hbm>> -> memref<64xi32, #tpu.memory_space<hbm>>
      tpu.wait_dma2 semaphore(%run_scoped3A : memref<!tpu.dma_semaphore, #tpu.memory_space<semaphore_mem>>) src(%dma_wait3A_133 : memref<64xi32, #tpu.memory_space<hbm>>) dst(%arg14 : memref<64xi32, #tpu.memory_space<vmem>>)
      tpu.yield
    }) : () -> ()
    %dma_start3A_104 = arith.constant 0 : i32
    %dma_start3A_105 = arith.constant 0 : i32
    %dma_start3A_106 = tpu.memref_slice %arg4[%dma_start3A_104, %dma_start3A_105] : memref<1000x128xf32, #tpu.memory_space<hbm>> -> memref<1000x128xf32, #tpu.memory_space<hbm>>
    tpu.enqueue_indirect_dma source(%dma_start3A_106 : memref<1000x128xf32, #tpu.memory_space<hbm>>) target(%arg16 : memref<64x128xf32, #tpu.memory_space<vmem>>) offsets(%arg14 : memref<64xi32, #tpu.memory_space<vmem>>) semaphore(%arg21 : memref<!tpu.dma_semaphore, #tpu.memory_space<semaphore_mem>>)
    %add3A_107 = arith.constant 64 : i32
    %add3A_108 = arith.addi %add3A_80, %add3A_107 : i32
    "tpu.region"() ({
      %run_scoped3A = tpu.sem_alloc : memref<!tpu.dma_semaphore, #tpu.memory_space<semaphore_mem>>
      %dma_start3A_130 = tpu.memref_slice %arg7[%add3A_108] : memref<16384xi32, #tpu.memory_space<hbm>> -> memref<64xi32, #tpu.memory_space<hbm>>
      %dma_start3A_131 = tpu.memref_slice %arg7[%add3A_108] : memref<16384xi32, #tpu.memory_space<hbm>> -> memref<64xi32, #tpu.memory_space<hbm>>
      tpu.enqueue_dma source(%dma_start3A_131 : memref<64xi32, #tpu.memory_space<hbm>>) target(%arg15 : memref<64xi32, #tpu.memory_space<vmem>>) target_semaphore(%run_scoped3A : memref<!tpu.dma_semaphore, #tpu.memory_space<semaphore_mem>>)
      %dma_wait3A_132 = tpu.memref_slice %arg7[%add3A_108] : memref<16384xi32, #tpu.memory_space<hbm>> -> memref<64xi32, #tpu.memory_space<hbm>>
      %dma_wait3A_133 = tpu.memref_slice %arg7[%add3A_108] : memref<16384xi32, #tpu.memory_space<hbm>> -> memref<64xi32, #tpu.memory_space<hbm>>
      tpu.wait_dma2 semaphore(%run_scoped3A : memref<!tpu.dma_semaphore, #tpu.memory_space<semaphore_mem>>) src(%dma_wait3A_133 : memref<64xi32, #tpu.memory_space<hbm>>) dst(%arg15 : memref<64xi32, #tpu.memory_space<vmem>>)
      tpu.yield
    }) : () -> ()
    %dma_start3A_109 = arith.constant 0 : i32
    %dma_start3A_110 = arith.constant 0 : i32
    %dma_start3A_111 = tpu.memref_slice %arg6[%dma_start3A_109, %dma_start3A_110] : memref<1000x128xf32, #tpu.memory_space<hbm>> -> memref<1000x128xf32, #tpu.memory_space<hbm>>
    tpu.enqueue_indirect_dma source(%dma_start3A_111 : memref<1000x128xf32, #tpu.memory_space<hbm>>) target(%arg17 : memref<64x128xf32, #tpu.memory_space<vmem>>) offsets(%arg15 : memref<64xi32, #tpu.memory_space<vmem>>) semaphore(%arg22 : memref<!tpu.dma_semaphore, #tpu.memory_space<semaphore_mem>>)
    %add3A_112 = arith.constant 192 : i32
    %add3A_113 = arith.addi %add3A_4, %add3A_112 : i32
    %add3A_114 = arith.constant 192 : i32
    %add3A_115 = arith.addi %mul3A_6, %add3A_114 : i32
    %dma_wait3A_116 = arith.constant 0 : i32
    %dma_wait3A_117 = arith.constant 0 : i32
    %dma_wait3A_118 = tpu.memref_slice %arg2[%dma_wait3A_116, %dma_wait3A_117] : memref<100000x768xf32, #tpu.memory_space<hbm>> -> memref<100000x768xf32, #tpu.memory_space<hbm>>
    tpu.wait_indirect_dma semaphore(%arg20 : memref<!tpu.dma_semaphore, #tpu.memory_space<semaphore_mem>>) src(%dma_wait3A_118 : memref<100000x768xf32, #tpu.memory_space<hbm>>) dst(%arg13 : memref<64x768xf32, #tpu.memory_space<vmem>>)
    "tpu.region"() ({
      %run_scoped3A = tpu.sem_alloc : memref<!tpu.dma_semaphore, #tpu.memory_space<semaphore_mem>>
      %dma_start3A_130 = arith.constant 0 : i32
      %dma_start3A_131 = tpu.memref_slice %arg8[%add3A_115, %dma_start3A_130] : memref<8192x768xf32, #tpu.memory_space<hbm>> -> memref<64x768xf32, #tpu.memory_space<hbm>>
      %dma_start3A_132 = arith.constant 0 : i32
      %dma_start3A_133 = tpu.memref_slice %arg8[%add3A_115, %dma_start3A_132] : memref<8192x768xf32, #tpu.memory_space<hbm>> -> memref<64x768xf32, #tpu.memory_space<hbm>>
      tpu.enqueue_dma source(%arg13 : memref<64x768xf32, #tpu.memory_space<vmem>>) target(%dma_start3A_133 : memref<64x768xf32, #tpu.memory_space<hbm>>) target_semaphore(%run_scoped3A : memref<!tpu.dma_semaphore, #tpu.memory_space<semaphore_mem>>)
      %dma_wait3A_134 = arith.constant 0 : i32
      %dma_wait3A_135 = tpu.memref_slice %arg8[%add3A_115, %dma_wait3A_134] : memref<8192x768xf32, #tpu.memory_space<hbm>> -> memref<64x768xf32, #tpu.memory_space<hbm>>
      %dma_wait3A_136 = arith.constant 0 : i32
      %dma_wait3A_137 = tpu.memref_slice %arg8[%add3A_115, %dma_wait3A_136] : memref<8192x768xf32, #tpu.memory_space<hbm>> -> memref<64x768xf32, #tpu.memory_space<hbm>>
      tpu.wait_dma2 semaphore(%run_scoped3A : memref<!tpu.dma_semaphore, #tpu.memory_space<semaphore_mem>>) src(%arg13 : memref<64x768xf32, #tpu.memory_space<vmem>>) dst(%dma_wait3A_137 : memref<64x768xf32, #tpu.memory_space<hbm>>)
      tpu.yield
    }) : () -> ()
    %dma_wait3A_119 = arith.constant 0 : i32
    %dma_wait3A_120 = arith.constant 0 : i32
    %dma_wait3A_121 = tpu.memref_slice %arg4[%dma_wait3A_119, %dma_wait3A_120] : memref<1000x128xf32, #tpu.memory_space<hbm>> -> memref<1000x128xf32, #tpu.memory_space<hbm>>
    tpu.wait_indirect_dma semaphore(%arg21 : memref<!tpu.dma_semaphore, #tpu.memory_space<semaphore_mem>>) src(%dma_wait3A_121 : memref<1000x128xf32, #tpu.memory_space<hbm>>) dst(%arg16 : memref<64x128xf32, #tpu.memory_space<vmem>>)
    %dma_wait3A_122 = arith.constant 0 : i32
    %dma_wait3A_123 = arith.constant 0 : i32
    %dma_wait3A_124 = tpu.memref_slice %arg6[%dma_wait3A_122, %dma_wait3A_123] : memref<1000x128xf32, #tpu.memory_space<hbm>> -> memref<1000x128xf32, #tpu.memory_space<hbm>>
    tpu.wait_indirect_dma semaphore(%arg22 : memref<!tpu.dma_semaphore, #tpu.memory_space<semaphore_mem>>) src(%dma_wait3A_124 : memref<1000x128xf32, #tpu.memory_space<hbm>>) dst(%arg17 : memref<64x128xf32, #tpu.memory_space<vmem>>)
    %scan3A_125 = arith.constant 0 : i32
    %scan3A_126 = arith.constant 64 : i32
    %scan3A_127 = arith.addi %scan3A_125, %scan3A_126 : i32
    %scan3A_128 = arith.constant 1 : i32
    scf.for %scan3A_130 = %scan3A_125 to %scan3A_127 step %scan3A_128  : i32 {
      %mul3A_131 = arith.constant 1 : i32
      %mul3A_132 = arith.muli %scan3A_130, %mul3A_131 : i32
      %add3A_133 = arith.constant 0 : i32
      %add3A_134 = arith.addi %add3A_133, %mul3A_132 : i32
      %get3A = arith.index_cast %add3A_134 : i32 to index
      %get3A_135 = arith.constant 0 : index
      %get3A_136 = tpu.vector_load %arg16[%get3A, %get3A_135] {strides = array<i32>} : memref<64x128xf32, #tpu.memory_space<vmem>>, vector<1x16xf32>,
      %get3A_137 = vector.shape_cast %get3A_136 : vector<1x16xf32> to vector<1x16xf32>
      %get3A_138 = arith.index_cast %add3A_134 : i32 to index
      %get3A_139 = arith.constant 0 : index
      %get3A_140 = tpu.vector_load %arg17[%get3A_138, %get3A_139] {strides = array<i32>} : memref<64x128xf32, #tpu.memory_space<vmem>>, vector<1x16xf32>,
      %get3A_141 = vector.shape_cast %get3A_140 : vector<1x16xf32> to vector<1x16xf32>
      %add3A_142 = arith.addf %get3A_137, %get3A_141 : vector<1x16xf32>
      %swap3A = arith.index_cast %add3A_134 : i32 to index
      %swap3A_143 = arith.constant 0 : index
      %swap3A_144 = tpu.vector_load %arg18[%swap3A, %swap3A_143] {strides = array<i32>} : memref<64x128xf32, #tpu.memory_space<vmem>>, vector<1x16xf32>,
      %swap3A_145 = vector.shape_cast %swap3A_144 : vector<1x16xf32> to vector<1x16xf32>
      %swap3A_146 = vector.shape_cast %add3A_142 : vector<1x16xf32> to vector<1x16xf32>
      tpu.vector_store %arg18[%swap3A, %swap3A_143], %swap3A_146 {strides = array<i32>} : memref<64x128xf32, #tpu.memory_space<vmem>>, vector<1x16xf32>,
      %mul3A_147 = arith.mulf %get3A_137, %get3A_141 : vector<1x16xf32>
      %swap3A_148 = arith.index_cast %add3A_134 : i32 to index
      %swap3A_149 = arith.constant 64 : index
      %swap3A_150 = tpu.vector_load %arg18[%swap3A_148, %swap3A_149] {strides = array<i32>} : memref<64x128xf32, #tpu.memory_space<vmem>>, vector<1x16xf32>,
      %swap3A_151 = vector.shape_cast %swap3A_150 : vector<1x16xf32> to vector<1x16xf32>
      %swap3A_152 = vector.shape_cast %mul3A_147 : vector<1x16xf32> to vector<1x16xf32>
      tpu.vector_store %arg18[%swap3A_148, %swap3A_149], %swap3A_152 {strides = array<i32>} : memref<64x128xf32, #tpu.memory_space<vmem>>, vector<1x16xf32>,
      %get3A_153 = arith.index_cast %add3A_134 : i32 to index
      %get3A_154 = arith.constant 16 : index
      %get3A_155 = tpu.vector_load %arg16[%get3A_153, %get3A_154] {strides = array<i32>} : memref<64x128xf32, #tpu.memory_space<vmem>>, vector<1x16xf32>,
      %get3A_156 = vector.shape_cast %get3A_155 : vector<1x16xf32> to vector<1x16xf32>
      %get3A_157 = arith.index_cast %add3A_134 : i32 to index
      %get3A_158 = arith.constant 16 : index
      %get3A_159 = tpu.vector_load %arg17[%get3A_157, %get3A_158] {strides = array<i32>} : memref<64x128xf32, #tpu.memory_space<vmem>>, vector<1x16xf32>,
      %get3A_160 = vector.shape_cast %get3A_159 : vector<1x16xf32> to vector<1x16xf32>
      %add3A_161 = arith.addf %get3A_156, %get3A_160 : vector<1x16xf32>
      %swap3A_162 = arith.index_cast %add3A_134 : i32 to index
      %swap3A_163 = arith.constant 16 : index
      %swap3A_164 = tpu.vector_load %arg18[%swap3A_162, %swap3A_163] {strides = array<i32>} : memref<64x128xf32, #tpu.memory_space<vmem>>, vector<1x16xf32>,
      %swap3A_165 = vector.shape_cast %swap3A_164 : vector<1x16xf32> to vector<1x16xf32>
      %swap3A_166 = vector.shape_cast %add3A_161 : vector<1x16xf32> to vector<1x16xf32>
      tpu.vector_store %arg18[%swap3A_162, %swap3A_163], %swap3A_166 {strides = array<i32>} : memref<64x128xf32, #tpu.memory_space<vmem>>, vector<1x16xf32>,
      %mul3A_167 = arith.mulf %get3A_156, %get3A_160 : vector<1x16xf32>
      %swap3A_168 = arith.index_cast %add3A_134 : i32 to index
      %swap3A_169 = arith.constant 80 : index
      %swap3A_170 = tpu.vector_load %arg18[%swap3A_168, %swap3A_169] {strides = array<i32>} : memref<64x128xf32, #tpu.memory_space<vmem>>, vector<1x16xf32>,
      %swap3A_171 = vector.shape_cast %swap3A_170 : vector<1x16xf32> to vector<1x16xf32>
      %swap3A_172 = vector.shape_cast %mul3A_167 : vector<1x16xf32> to vector<1x16xf32>
      tpu.vector_store %arg18[%swap3A_168, %swap3A_169], %swap3A_172 {strides = array<i32>} : memref<64x128xf32, #tpu.memory_space<vmem>>, vector<1x16xf32>,
      %get3A_173 = arith.index_cast %add3A_134 : i32 to index
      %get3A_174 = arith.constant 32 : index
      %get3A_175 = tpu.vector_load %arg16[%get3A_173, %get3A_174] {strides = array<i32>} : memref<64x128xf32, #tpu.memory_space<vmem>>, vector<1x16xf32>,
      %get3A_176 = vector.shape_cast %get3A_175 : vector<1x16xf32> to vector<1x16xf32>
      %get3A_177 = arith.index_cast %add3A_134 : i32 to index
      %get3A_178 = arith.constant 32 : index
      %get3A_179 = tpu.vector_load %arg17[%get3A_177, %get3A_178] {strides = array<i32>} : memref<64x128xf32, #tpu.memory_space<vmem>>, vector<1x16xf32>,
      %get3A_180 = vector.shape_cast %get3A_179 : vector<1x16xf32> to vector<1x16xf32>
      %add3A_181 = arith.addf %get3A_176, %get3A_180 : vector<1x16xf32>
      %swap3A_182 = arith.index_cast %add3A_134 : i32 to index
      %swap3A_183 = arith.constant 32 : index
      %swap3A_184 = tpu.vector_load %arg18[%swap3A_182, %swap3A_183] {strides = array<i32>} : memref<64x128xf32, #tpu.memory_space<vmem>>, vector<1x16xf32>,
      %swap3A_185 = vector.shape_cast %swap3A_184 : vector<1x16xf32> to vector<1x16xf32>
      %swap3A_186 = vector.shape_cast %add3A_181 : vector<1x16xf32> to vector<1x16xf32>
      tpu.vector_store %arg18[%swap3A_182, %swap3A_183], %swap3A_186 {strides = array<i32>} : memref<64x128xf32, #tpu.memory_space<vmem>>, vector<1x16xf32>,
      %mul3A_187 = arith.mulf %get3A_176, %get3A_180 : vector<1x16xf32>
      %swap3A_188 = arith.index_cast %add3A_134 : i32 to index
      %swap3A_189 = arith.constant 96 : index
      %swap3A_190 = tpu.vector_load %arg18[%swap3A_188, %swap3A_189] {strides = array<i32>} : memref<64x128xf32, #tpu.memory_space<vmem>>, vector<1x16xf32>,
      %swap3A_191 = vector.shape_cast %swap3A_190 : vector<1x16xf32> to vector<1x16xf32>
      %swap3A_192 = vector.shape_cast %mul3A_187 : vector<1x16xf32> to vector<1x16xf32>
      tpu.vector_store %arg18[%swap3A_188, %swap3A_189], %swap3A_192 {strides = array<i32>} : memref<64x128xf32, #tpu.memory_space<vmem>>, vector<1x16xf32>,
      %get3A_193 = arith.index_cast %add3A_134 : i32 to index
      %get3A_194 = arith.constant 48 : index
      %get3A_195 = tpu.vector_load %arg16[%get3A_193, %get3A_194] {strides = array<i32>} : memref<64x128xf32, #tpu.memory_space<vmem>>, vector<1x16xf32>,
      %get3A_196 = vector.shape_cast %get3A_195 : vector<1x16xf32> to vector<1x16xf32>
      %get3A_197 = arith.index_cast %add3A_134 : i32 to index
      %get3A_198 = arith.constant 48 : index
      %get3A_199 = tpu.vector_load %arg17[%get3A_197, %get3A_198] {strides = array<i32>} : memref<64x128xf32, #tpu.memory_space<vmem>>, vector<1x16xf32>,
      %get3A_200 = vector.shape_cast %get3A_199 : vector<1x16xf32> to vector<1x16xf32>
      %add3A_201 = arith.addf %get3A_196, %get3A_200 : vector<1x16xf32>
      %swap3A_202 = arith.index_cast %add3A_134 : i32 to index
      %swap3A_203 = arith.constant 48 : index
      %swap3A_204 = tpu.vector_load %arg18[%swap3A_202, %swap3A_203] {strides = array<i32>} : memref<64x128xf32, #tpu.memory_space<vmem>>, vector<1x16xf32>,
      %swap3A_205 = vector.shape_cast %swap3A_204 : vector<1x16xf32> to vector<1x16xf32>
      %swap3A_206 = vector.shape_cast %add3A_201 : vector<1x16xf32> to vector<1x16xf32>
      tpu.vector_store %arg18[%swap3A_202, %swap3A_203], %swap3A_206 {strides = array<i32>} : memref<64x128xf32, #tpu.memory_space<vmem>>, vector<1x16xf32>,
      %mul3A_207 = arith.mulf %get3A_196, %get3A_200 : vector<1x16xf32>
      %swap3A_208 = arith.index_cast %add3A_134 : i32 to index
      %swap3A_209 = arith.constant 112 : index
      %swap3A_210 = tpu.vector_load %arg18[%swap3A_208, %swap3A_209] {strides = array<i32>} : memref<64x128xf32, #tpu.memory_space<vmem>>, vector<1x16xf32>,
      %swap3A_211 = vector.shape_cast %swap3A_210 : vector<1x16xf32> to vector<1x16xf32>
      %swap3A_212 = vector.shape_cast %mul3A_207 : vector<1x16xf32> to vector<1x16xf32>
      tpu.vector_store %arg18[%swap3A_208, %swap3A_209], %swap3A_212 {strides = array<i32>} : memref<64x128xf32, #tpu.memory_space<vmem>>, vector<1x16xf32>,
    }
    %scan3A_129 = arith.constant 64 : i32
    "tpu.region"() ({
      %run_scoped3A = tpu.sem_alloc : memref<!tpu.dma_semaphore, #tpu.memory_space<semaphore_mem>>
      %dma_start3A_130 = arith.constant 0 : i32
      %dma_start3A_131 = tpu.memref_slice %arg9[%add3A_115, %dma_start3A_130] : memref<8192x128xf32, #tpu.memory_space<hbm>> -> memref<64x128xf32, #tpu.memory_space<hbm>>
      %dma_start3A_132 = arith.constant 0 : i32
      %dma_start3A_133 = tpu.memref_slice %arg9[%add3A_115, %dma_start3A_132] : memref<8192x128xf32, #tpu.memory_space<hbm>> -> memref<64x128xf32, #tpu.memory_space<hbm>>
      tpu.enqueue_dma source(%arg18 : memref<64x128xf32, #tpu.memory_space<vmem>>) target(%dma_start3A_133 : memref<64x128xf32, #tpu.memory_space<hbm>>) target_semaphore(%run_scoped3A : memref<!tpu.dma_semaphore, #tpu.memory_space<semaphore_mem>>)
      %dma_wait3A_134 = arith.constant 0 : i32
      %dma_wait3A_135 = tpu.memref_slice %arg9[%add3A_115, %dma_wait3A_134] : memref<8192x128xf32, #tpu.memory_space<hbm>> -> memref<64x128xf32, #tpu.memory_space<hbm>>
      %dma_wait3A_136 = arith.constant 0 : i32
      %dma_wait3A_137 = tpu.memref_slice %arg9[%add3A_115, %dma_wait3A_136] : memref<8192x128xf32, #tpu.memory_space<hbm>> -> memref<64x128xf32, #tpu.memory_space<hbm>>
      tpu.wait_dma2 semaphore(%run_scoped3A : memref<!tpu.dma_semaphore, #tpu.memory_space<semaphore_mem>>) src(%arg18 : memref<64x128xf32, #tpu.memory_space<vmem>>) dst(%dma_wait3A_137 : memref<64x128xf32, #tpu.memory_space<hbm>>)
      tpu.yield
    }) : () -> ()
    return
  }
}

#map = affine_map<(d0, d1) -> (0, 0)>
#map1 = affine_map<(d0, d1) -> (0)>
module attributes {stable_mosaic.version = 14 : i64} {
  func.func @k(%arg0: i32, %arg1: i32, %arg2: memref<100000x768xf32, #tpu.memory_space<hbm>>, %arg3: memref<16384xi32, #tpu.memory_space<hbm>>, %arg4: memref<1000x128xf32, #tpu.memory_space<hbm>>, %arg5: memref<16384xi32, #tpu.memory_space<hbm>>, %arg6: memref<1000x128xf32, #tpu.memory_space<hbm>>, %arg7: memref<16384xi32, #tpu.memory_space<hbm>>, %arg8: memref<8192x768xf32, #tpu.memory_space<hbm>>, %arg9: memref<8192x128xf32, #tpu.memory_space<hbm>>, %arg10: memref<64xi32, #tpu.memory_space<vmem>>, %arg11: memref<64xi32, #tpu.memory_space<vmem>>, %arg12: memref<64x768xf32, #tpu.memory_space<vmem>>, %arg13: memref<64x768xf32, #tpu.memory_space<vmem>>, %arg14: memref<64xi32, #tpu.memory_space<vmem>>, %arg15: memref<64xi32, #tpu.memory_space<vmem>>, %arg16: memref<64x128xf32, #tpu.memory_space<vmem>>, %arg17: memref<64x128xf32, #tpu.memory_space<vmem>>, %arg18: memref<64x128xf32, #tpu.memory_space<vmem>>, %arg19: memref<!tpu.dma_semaphore, #tpu.memory_space<semaphore_mem>>, %arg20: memref<!tpu.dma_semaphore, #tpu.memory_space<semaphore_mem>>, %arg21: memref<!tpu.dma_semaphore, #tpu.memory_space<semaphore_mem>>, %arg22: memref<!tpu.dma_semaphore, #tpu.memory_space<semaphore_mem>>) attributes {dimension_semantics = [#tpu.dimension_semantics<core_parallel>, #tpu.dimension_semantics<subcore_parallel>], iteration_bounds = array<i64: 2, 16>, scalar_prefetch = 0 : i64, scratch_operands = 13 : i64, tpu.core_type = #tpu.core_type<sc_vector_subcore>, window_params = [{transform_indices = #map}, {transform_indices = #map1}, {transform_indices = #map}, {transform_indices = #map1}, {transform_indices = #map}, {transform_indices = #map1}, {transform_indices = #map}, {transform_indices = #map}]} {
    %mul3A = arith.constant 2 : i32
    %mul3A_0 = arith.muli %arg1, %mul3A : i32
    %add3A = arith.addi %mul3A_0, %arg0 : i32
    %mul3A_1 = arith.constant 256 : i32
    %mul3A_2 = arith.muli %add3A, %mul3A_1 : i32
    %add3A_3 = arith.constant 0 : i32
    %add3A_4 = arith.addi %add3A_3, %mul3A_2 : i32
    %mul3A_5 = arith.constant 256 : i32
    %mul3A_6 = arith.muli %add3A, %mul3A_5 : i32
    "tpu.region"() ({
      %run_scoped3A = tpu.sem_alloc : memref<!tpu.dma_semaphore, #tpu.memory_space<semaphore_mem>>
      %dma_start3A_130 = tpu.memref_slice %arg3[%add3A_4] : memref<16384xi32, #tpu.memory_space<hbm>> -> memref<64xi32, #tpu.memory_space<hbm>>
      %dma_start3A_131 = tpu.memref_slice %arg3[%add3A_4] : memref<16384xi32, #tpu.memory_space<hbm>> -> memref<64xi32, #tpu.memory_space<hbm>>
      tpu.enqueue_dma source(%dma_start3A_131 : memref<64xi32, #tpu.memory_space<hbm>>) target(%arg10 : memref<64xi32, #tpu.memory_space<vmem>>) target_semaphore(%run_scoped3A : memref<!tpu.dma_semaphore, #tpu.memory_space<semaphore_mem>>)
      %dma_wait3A_132 = tpu.memref_slice %arg3[%add3A_4] : memref<16384xi32, #tpu.memory_space<hbm>> -> memref<64xi32, #tpu.memory_space<hbm>>
      %dma_wait3A_133 = tpu.memref_slice %arg3[%add3A_4] : memref<16384xi32, #tpu.memory_space<hbm>> -> memref<64xi32, #tpu.memory_space<hbm>>
      tpu.wait_dma2 semaphore(%run_scoped3A : memref<!tpu.dma_semaphore, #tpu.memory_space<semaphore_mem>>) src(%dma_wait3A_133 : memref<64xi32, #tpu.memory_space<hbm>>) dst(%arg10 : memref<64xi32, #tpu.memory_space<vmem>>)
      tpu.yield
    }) : () -> ()
    %dma_start3A = arith.constant 0 : i32
    %dma_start3A_7 = arith.constant 0 : i32
    %dma_start3A_8 = tpu.memref_slice %arg2[%dma_start3A, %dma_start3A_7] : memref<100000x768xf32, #tpu.memory_space<hbm>> -> memref<100000x768xf32, #tpu.memory_space<hbm>>
    tpu.enqueue_indirect_dma source(%dma_start3A_8 : memref<100000x768xf32, #tpu.memory_space<hbm>>) target(%arg12 : memref<64x768xf32, #tpu.memory_space<vmem>>) offsets(%arg10 : memref<64xi32, #tpu.memory_space<vmem>>) semaphore(%arg19 : memref<!tpu.dma_semaphore, #tpu.memory_space<semaphore_mem>>)
    "tpu.region"() ({
      %run_scoped3A = tpu.sem_alloc : memref<!tpu.dma_semaphore, #tpu.memory_space<semaphore_mem>>
      %dma_start3A_130 = tpu.memref_slice %arg5[%add3A_4] : memref<16384xi32, #tpu.memory_space<hbm>> -> memref<64xi32, #tpu.memory_space<hbm>>
      %dma_start3A_131 = tpu.memref_slice %arg5[%add3A_4] : memref<16384xi32, #tpu.memory_space<hbm>> -> memref<64xi32, #tpu.memory_space<hbm>>
      tpu.enqueue_dma source(%dma_start3A_131 : memref<64xi32, #tpu.memory_space<hbm>>) target(%arg14 : memref<64xi32, #tpu.memory_space<vmem>>) target_semaphore(%run_scoped3A : memref<!tpu.dma_semaphore, #tpu.memory_space<semaphore_mem>>)
      %dma_wait3A_132 = tpu.memref_slice %arg5[%add3A_4] : memref<16384xi32, #tpu.memory_space<hbm>> -> memref<64xi32, #tpu.memory_space<hbm>>
      %dma_wait3A_133 = tpu.memref_slice %arg5[%add3A_4] : memref<16384xi32, #tpu.memory_space<hbm>> -> memref<64xi32, #tpu.memory_space<hbm>>
      tpu.wait_dma2 semaphore(%run_scoped3A : memref<!tpu.dma_semaphore, #tpu.memory_space<semaphore_mem>>) src(%dma_wait3A_133 : memref<64xi32, #tpu.memory_space<hbm>>) dst(%arg14 : memref<64xi32, #tpu.memory_space<vmem>>)
      tpu.yield
    }) : () -> ()
    %dma_start3A_9 = arith.constant 0 : i32
    %dma_start3A_10 = arith.constant 0 : i32
    %dma_start3A_11 = tpu.memref_slice %arg4[%dma_start3A_9, %dma_start3A_10] : memref<1000x128xf32, #tpu.memory_space<hbm>> -> memref<1000x128xf32, #tpu.memory_space<hbm>>
    tpu.enqueue_indirect_dma source(%dma_start3A_11 : memref<1000x128xf32, #tpu.memory_space<hbm>>) target(%arg16 : memref<64x128xf32, #tpu.memory_space<vmem>>) offsets(%arg14 : memref<64xi32, #tpu.memory_space<vmem>>) semaphore(%arg21 : memref<!tpu.dma_semaphore, #tpu.memory_space<semaphore_mem>>)
    "tpu.region"() ({
      %run_scoped3A = tpu.sem_alloc : memref<!tpu.dma_semaphore, #tpu.memory_space<semaphore_mem>>
      %dma_start3A_130 = tpu.memref_slice %arg7[%add3A_4] : memref<16384xi32, #tpu.memory_space<hbm>> -> memref<64xi32, #tpu.memory_space<hbm>>
      %dma_start3A_131 = tpu.memref_slice %arg7[%add3A_4] : memref<16384xi32, #tpu.memory_space<hbm>> -> memref<64xi32, #tpu.memory_space<hbm>>
      tpu.enqueue_dma source(%dma_start3A_131 : memref<64xi32, #tpu.memory_space<hbm>>) target(%arg15 : memref<64xi32, #tpu.memory_space<vmem>>) target_semaphore(%run_scoped3A : memref<!tpu.dma_semaphore, #tpu.memory_space<semaphore_mem>>)
      %dma_wait3A_132 = tpu.memref_slice %arg7[%add3A_4] : memref<16384xi32, #tpu.memory_space<hbm>> -> memref<64xi32, #tpu.memory_space<hbm>>
      %dma_wait3A_133 = tpu.memref_slice %arg7[%add3A_4] : memref<16384xi32, #tpu.memory_space<hbm>> -> memref<64xi32, #tpu.memory_space<hbm>>
      tpu.wait_dma2 semaphore(%run_scoped3A : memref<!tpu.dma_semaphore, #tpu.memory_space<semaphore_mem>>) src(%dma_wait3A_133 : memref<64xi32, #tpu.memory_space<hbm>>) dst(%arg15 : memref<64xi32, #tpu.memory_space<vmem>>)
      tpu.yield
    }) : () -> ()
    %dma_start3A_12 = arith.constant 0 : i32
    %dma_start3A_13 = arith.constant 0 : i32
    %dma_start3A_14 = tpu.memref_slice %arg6[%dma_start3A_12, %dma_start3A_13] : memref<1000x128xf32, #tpu.memory_space<hbm>> -> memref<1000x128xf32, #tpu.memory_space<hbm>>
    tpu.enqueue_indirect_dma source(%dma_start3A_14 : memref<1000x128xf32, #tpu.memory_space<hbm>>) target(%arg17 : memref<64x128xf32, #tpu.memory_space<vmem>>) offsets(%arg15 : memref<64xi32, #tpu.memory_space<vmem>>) semaphore(%arg22 : memref<!tpu.dma_semaphore, #tpu.memory_space<semaphore_mem>>)
    %add3A_15 = arith.constant 0 : i32
    %add3A_16 = arith.addi %add3A_4, %add3A_15 : i32
    %add3A_17 = arith.constant 0 : i32
    %add3A_18 = arith.addi %mul3A_6, %add3A_17 : i32
    %add3A_19 = arith.constant 64 : i32
    %add3A_20 = arith.addi %add3A_16, %add3A_19 : i32
    "tpu.region"() ({
      %run_scoped3A = tpu.sem_alloc : memref<!tpu.dma_semaphore, #tpu.memory_space<semaphore_mem>>
      %dma_start3A_130 = tpu.memref_slice %arg3[%add3A_20] : memref<16384xi32, #tpu.memory_space<hbm>> -> memref<64xi32, #tpu.memory_space<hbm>>
      %dma_start3A_131 = tpu.memref_slice %arg3[%add3A_20] : memref<16384xi32, #tpu.memory_space<hbm>> -> memref<64xi32, #tpu.memory_space<hbm>>
      tpu.enqueue_dma source(%dma_start3A_131 : memref<64xi32, #tpu.memory_space<hbm>>) target(%arg11 : memref<64xi32, #tpu.memory_space<vmem>>) target_semaphore(%run_scoped3A : memref<!tpu.dma_semaphore, #tpu.memory_space<semaphore_mem>>)
      %dma_wait3A_132 = tpu.memref_slice %arg3[%add3A_20] : memref<16384xi32, #tpu.memory_space<hbm>> -> memref<64xi32, #tpu.memory_space<hbm>>
      %dma_wait3A_133 = tpu.memref_slice %arg3[%add3A_20] : memref<16384xi32, #tpu.memory_space<hbm>> -> memref<64xi32, #tpu.memory_space<hbm>>
      tpu.wait_dma2 semaphore(%run_scoped3A : memref<!tpu.dma_semaphore, #tpu.memory_space<semaphore_mem>>) src(%dma_wait3A_133 : memref<64xi32, #tpu.memory_space<hbm>>) dst(%arg11 : memref<64xi32, #tpu.memory_space<vmem>>)
      tpu.yield
    }) : () -> ()
    %dma_start3A_21 = arith.constant 0 : i32
    %dma_start3A_22 = arith.constant 0 : i32
    %dma_start3A_23 = tpu.memref_slice %arg2[%dma_start3A_21, %dma_start3A_22] : memref<100000x768xf32, #tpu.memory_space<hbm>> -> memref<100000x768xf32, #tpu.memory_space<hbm>>
    tpu.enqueue_indirect_dma source(%dma_start3A_23 : memref<100000x768xf32, #tpu.memory_space<hbm>>) target(%arg13 : memref<64x768xf32, #tpu.memory_space<vmem>>) offsets(%arg11 : memref<64xi32, #tpu.memory_space<vmem>>) semaphore(%arg20 : memref<!tpu.dma_semaphore, #tpu.memory_space<semaphore_mem>>)
    %dma_wait3A = arith.constant 0 : i32
    %dma_wait3A_24 = arith.constant 0 : i32
    %dma_wait3A_25 = tpu.memref_slice %arg2[%dma_wait3A, %dma_wait3A_24] : memref<100000x768xf32, #tpu.memory_space<hbm>> -> memref<100000x768xf32, #tpu.memory_space<hbm>>
    tpu.wait_indirect_dma semaphore(%arg19 : memref<!tpu.dma_semaphore, #tpu.memory_space<semaphore_mem>>) src(%dma_wait3A_25 : memref<100000x768xf32, #tpu.memory_space<hbm>>) dst(%arg12 : memref<64x768xf32, #tpu.memory_space<vmem>>)
    "tpu.region"() ({
      %run_scoped3A = tpu.sem_alloc : memref<!tpu.dma_semaphore, #tpu.memory_space<semaphore_mem>>
      %dma_start3A_130 = arith.constant 0 : i32
      %dma_start3A_131 = tpu.memref_slice %arg8[%add3A_18, %dma_start3A_130] : memref<8192x768xf32, #tpu.memory_space<hbm>> -> memref<64x768xf32, #tpu.memory_space<hbm>>
      %dma_start3A_132 = arith.constant 0 : i32
      %dma_start3A_133 = tpu.memref_slice %arg8[%add3A_18, %dma_start3A_132] : memref<8192x768xf32, #tpu.memory_space<hbm>> -> memref<64x768xf32, #tpu.memory_space<hbm>>
      tpu.enqueue_dma source(%arg12 : memref<64x768xf32, #tpu.memory_space<vmem>>) target(%dma_start3A_133 : memref<64x768xf32, #tpu.memory_space<hbm>>) target_semaphore(%run_scoped3A : memref<!tpu.dma_semaphore, #tpu.memory_space<semaphore_mem>>)
      %dma_wait3A_134 = arith.constant 0 : i32
      %dma_wait3A_135 = tpu.memref_slice %arg8[%add3A_18, %dma_wait3A_134] : memref<8192x768xf32, #tpu.memory_space<hbm>> -> memref<64x768xf32, #tpu.memory_space<hbm>>
      %dma_wait3A_136 = arith.constant 0 : i32
      %dma_wait3A_137 = tpu.memref_slice %arg8[%add3A_18, %dma_wait3A_136] : memref<8192x768xf32, #tpu.memory_space<hbm>> -> memref<64x768xf32, #tpu.memory_space<hbm>>
      tpu.wait_dma2 semaphore(%run_scoped3A : memref<!tpu.dma_semaphore, #tpu.memory_space<semaphore_mem>>) src(%arg12 : memref<64x768xf32, #tpu.memory_space<vmem>>) dst(%dma_wait3A_137 : memref<64x768xf32, #tpu.memory_space<hbm>>)
      tpu.yield
    }) : () -> ()
    %dma_wait3A_26 = arith.constant 0 : i32
    %dma_wait3A_27 = arith.constant 0 : i32
    %dma_wait3A_28 = tpu.memref_slice %arg4[%dma_wait3A_26, %dma_wait3A_27] : memref<1000x128xf32, #tpu.memory_space<hbm>> -> memref<1000x128xf32, #tpu.memory_space<hbm>>
    tpu.wait_indirect_dma semaphore(%arg21 : memref<!tpu.dma_semaphore, #tpu.memory_space<semaphore_mem>>) src(%dma_wait3A_28 : memref<1000x128xf32, #tpu.memory_space<hbm>>) dst(%arg16 : memref<64x128xf32, #tpu.memory_space<vmem>>)
    %dma_wait3A_29 = arith.constant 0 : i32
    %dma_wait3A_30 = arith.constant 0 : i32
    %dma_wait3A_31 = tpu.memref_slice %arg6[%dma_wait3A_29, %dma_wait3A_30] : memref<1000x128xf32, #tpu.memory_space<hbm>> -> memref<1000x128xf32, #tpu.memory_space<hbm>>
    tpu.wait_indirect_dma semaphore(%arg22 : memref<!tpu.dma_semaphore, #tpu.memory_space<semaphore_mem>>) src(%dma_wait3A_31 : memref<1000x128xf32, #tpu.memory_space<hbm>>) dst(%arg17 : memref<64x128xf32, #tpu.memory_space<vmem>>)
    %scan3A = arith.constant 0 : i32
    %scan3A_32 = arith.constant 64 : i32
    %scan3A_33 = arith.addi %scan3A, %scan3A_32 : i32
    %scan3A_34 = arith.constant 1 : i32
    scf.for %scan3A_130 = %scan3A to %scan3A_33 step %scan3A_34  : i32 {
      %mul3A_131 = arith.constant 1 : i32
      %mul3A_132 = arith.muli %scan3A_130, %mul3A_131 : i32
      %add3A_133 = arith.constant 0 : i32
      %add3A_134 = arith.addi %add3A_133, %mul3A_132 : i32
      %get3A = arith.index_cast %add3A_134 : i32 to index
      %get3A_135 = arith.constant 0 : index
      %get3A_136 = tpu.vector_load %arg16[%get3A, %get3A_135] {strides = array<i32>} : memref<64x128xf32, #tpu.memory_space<vmem>>, vector<1x16xf32>,
      %get3A_137 = vector.shape_cast %get3A_136 : vector<1x16xf32> to vector<1x16xf32>
      %get3A_138 = arith.index_cast %add3A_134 : i32 to index
      %get3A_139 = arith.constant 0 : index
      %get3A_140 = tpu.vector_load %arg17[%get3A_138, %get3A_139] {strides = array<i32>} : memref<64x128xf32, #tpu.memory_space<vmem>>, vector<1x16xf32>,
      %get3A_141 = vector.shape_cast %get3A_140 : vector<1x16xf32> to vector<1x16xf32>
      %add3A_142 = arith.addf %get3A_137, %get3A_141 : vector<1x16xf32>
      %swap3A = arith.index_cast %add3A_134 : i32 to index
      %swap3A_143 = arith.constant 0 : index
      %swap3A_144 = tpu.vector_load %arg18[%swap3A, %swap3A_143] {strides = array<i32>} : memref<64x128xf32, #tpu.memory_space<vmem>>, vector<1x16xf32>,
      %swap3A_145 = vector.shape_cast %swap3A_144 : vector<1x16xf32> to vector<1x16xf32>
      %swap3A_146 = vector.shape_cast %add3A_142 : vector<1x16xf32> to vector<1x16xf32>
      tpu.vector_store %arg18[%swap3A, %swap3A_143], %swap3A_146 {strides = array<i32>} : memref<64x128xf32, #tpu.memory_space<vmem>>, vector<1x16xf32>,
      %mul3A_147 = arith.mulf %get3A_137, %get3A_141 : vector<1x16xf32>
      %swap3A_148 = arith.index_cast %add3A_134 : i32 to index
      %swap3A_149 = arith.constant 64 : index
      %swap3A_150 = tpu.vector_load %arg18[%swap3A_148, %swap3A_149] {strides = array<i32>} : memref<64x128xf32, #tpu.memory_space<vmem>>, vector<1x16xf32>,
      %swap3A_151 = vector.shape_cast %swap3A_150 : vector<1x16xf32> to vector<1x16xf32>
      %swap3A_152 = vector.shape_cast %mul3A_147 : vector<1x16xf32> to vector<1x16xf32>
      tpu.vector_store %arg18[%swap3A_148, %swap3A_149], %swap3A_152 {strides = array<i32>} : memref<64x128xf32, #tpu.memory_space<vmem>>, vector<1x16xf32>,
      %get3A_153 = arith.index_cast %add3A_134 : i32 to index
      %get3A_154 = arith.constant 16 : index
      %get3A_155 = tpu.vector_load %arg16[%get3A_153, %get3A_154] {strides = array<i32>} : memref<64x128xf32, #tpu.memory_space<vmem>>, vector<1x16xf32>,
      %get3A_156 = vector.shape_cast %get3A_155 : vector<1x16xf32> to vector<1x16xf32>
      %get3A_157 = arith.index_cast %add3A_134 : i32 to index
      %get3A_158 = arith.constant 16 : index
      %get3A_159 = tpu.vector_load %arg17[%get3A_157, %get3A_158] {strides = array<i32>} : memref<64x128xf32, #tpu.memory_space<vmem>>, vector<1x16xf32>,
      %get3A_160 = vector.shape_cast %get3A_159 : vector<1x16xf32> to vector<1x16xf32>
      %add3A_161 = arith.addf %get3A_156, %get3A_160 : vector<1x16xf32>
      %swap3A_162 = arith.index_cast %add3A_134 : i32 to index
      %swap3A_163 = arith.constant 16 : index
      %swap3A_164 = tpu.vector_load %arg18[%swap3A_162, %swap3A_163] {strides = array<i32>} : memref<64x128xf32, #tpu.memory_space<vmem>>, vector<1x16xf32>,
      %swap3A_165 = vector.shape_cast %swap3A_164 : vector<1x16xf32> to vector<1x16xf32>
      %swap3A_166 = vector.shape_cast %add3A_161 : vector<1x16xf32> to vector<1x16xf32>
      tpu.vector_store %arg18[%swap3A_162, %swap3A_163], %swap3A_166 {strides = array<i32>} : memref<64x128xf32, #tpu.memory_space<vmem>>, vector<1x16xf32>,
      %mul3A_167 = arith.mulf %get3A_156, %get3A_160 : vector<1x16xf32>
      %swap3A_168 = arith.index_cast %add3A_134 : i32 to index
      %swap3A_169 = arith.constant 80 : index
      %swap3A_170 = tpu.vector_load %arg18[%swap3A_168, %swap3A_169] {strides = array<i32>} : memref<64x128xf32, #tpu.memory_space<vmem>>, vector<1x16xf32>,
      %swap3A_171 = vector.shape_cast %swap3A_170 : vector<1x16xf32> to vector<1x16xf32>
      %swap3A_172 = vector.shape_cast %mul3A_167 : vector<1x16xf32> to vector<1x16xf32>
      tpu.vector_store %arg18[%swap3A_168, %swap3A_169], %swap3A_172 {strides = array<i32>} : memref<64x128xf32, #tpu.memory_space<vmem>>, vector<1x16xf32>,
      %get3A_173 = arith.index_cast %add3A_134 : i32 to index
      %get3A_174 = arith.constant 32 : index
      %get3A_175 = tpu.vector_load %arg16[%get3A_173, %get3A_174] {strides = array<i32>} : memref<64x128xf32, #tpu.memory_space<vmem>>, vector<1x16xf32>,
      %get3A_176 = vector.shape_cast %get3A_175 : vector<1x16xf32> to vector<1x16xf32>
      %get3A_177 = arith.index_cast %add3A_134 : i32 to index
      %get3A_178 = arith.constant 32 : index
      %get3A_179 = tpu.vector_load %arg17[%get3A_177, %get3A_178] {strides = array<i32>} : memref<64x128xf32, #tpu.memory_space<vmem>>, vector<1x16xf32>,
      %get3A_180 = vector.shape_cast %get3A_179 : vector<1x16xf32> to vector<1x16xf32>
      %add3A_181 = arith.addf %get3A_176, %get3A_180 : vector<1x16xf32>
      %swap3A_182 = arith.index_cast %add3A_134 : i32 to index
      %swap3A_183 = arith.constant 32 : index
      %swap3A_184 = tpu.vector_load %arg18[%swap3A_182, %swap3A_183] {strides = array<i32>} : memref<64x128xf32, #tpu.memory_space<vmem>>, vector<1x16xf32>,
      %swap3A_185 = vector.shape_cast %swap3A_184 : vector<1x16xf32> to vector<1x16xf32>
      %swap3A_186 = vector.shape_cast %add3A_181 : vector<1x16xf32> to vector<1x16xf32>
      tpu.vector_store %arg18[%swap3A_182, %swap3A_183], %swap3A_186 {strides = array<i32>} : memref<64x128xf32, #tpu.memory_space<vmem>>, vector<1x16xf32>,
      %mul3A_187 = arith.mulf %get3A_176, %get3A_180 : vector<1x16xf32>
      %swap3A_188 = arith.index_cast %add3A_134 : i32 to index
      %swap3A_189 = arith.constant 96 : index
      %swap3A_190 = tpu.vector_load %arg18[%swap3A_188, %swap3A_189] {strides = array<i32>} : memref<64x128xf32, #tpu.memory_space<vmem>>, vector<1x16xf32>,
      %swap3A_191 = vector.shape_cast %swap3A_190 : vector<1x16xf32> to vector<1x16xf32>
      %swap3A_192 = vector.shape_cast %mul3A_187 : vector<1x16xf32> to vector<1x16xf32>
      tpu.vector_store %arg18[%swap3A_188, %swap3A_189], %swap3A_192 {strides = array<i32>} : memref<64x128xf32, #tpu.memory_space<vmem>>, vector<1x16xf32>,
      %get3A_193 = arith.index_cast %add3A_134 : i32 to index
      %get3A_194 = arith.constant 48 : index
      %get3A_195 = tpu.vector_load %arg16[%get3A_193, %get3A_194] {strides = array<i32>} : memref<64x128xf32, #tpu.memory_space<vmem>>, vector<1x16xf32>,
      %get3A_196 = vector.shape_cast %get3A_195 : vector<1x16xf32> to vector<1x16xf32>
      %get3A_197 = arith.index_cast %add3A_134 : i32 to index
      %get3A_198 = arith.constant 48 : index
      %get3A_199 = tpu.vector_load %arg17[%get3A_197, %get3A_198] {strides = array<i32>} : memref<64x128xf32, #tpu.memory_space<vmem>>, vector<1x16xf32>,
      %get3A_200 = vector.shape_cast %get3A_199 : vector<1x16xf32> to vector<1x16xf32>
      %add3A_201 = arith.addf %get3A_196, %get3A_200 : vector<1x16xf32>
      %swap3A_202 = arith.index_cast %add3A_134 : i32 to index
      %swap3A_203 = arith.constant 48 : index
      %swap3A_204 = tpu.vector_load %arg18[%swap3A_202, %swap3A_203] {strides = array<i32>} : memref<64x128xf32, #tpu.memory_space<vmem>>, vector<1x16xf32>,
      %swap3A_205 = vector.shape_cast %swap3A_204 : vector<1x16xf32> to vector<1x16xf32>
      %swap3A_206 = vector.shape_cast %add3A_201 : vector<1x16xf32> to vector<1x16xf32>
      tpu.vector_store %arg18[%swap3A_202, %swap3A_203], %swap3A_206 {strides = array<i32>} : memref<64x128xf32, #tpu.memory_space<vmem>>, vector<1x16xf32>,
      %mul3A_207 = arith.mulf %get3A_196, %get3A_200 : vector<1x16xf32>
      %swap3A_208 = arith.index_cast %add3A_134 : i32 to index
      %swap3A_209 = arith.constant 112 : index
      %swap3A_210 = tpu.vector_load %arg18[%swap3A_208, %swap3A_209] {strides = array<i32>} : memref<64x128xf32, #tpu.memory_space<vmem>>, vector<1x16xf32>,
      %swap3A_211 = vector.shape_cast %swap3A_210 : vector<1x16xf32> to vector<1x16xf32>
      %swap3A_212 = vector.shape_cast %mul3A_207 : vector<1x16xf32> to vector<1x16xf32>
      tpu.vector_store %arg18[%swap3A_208, %swap3A_209], %swap3A_212 {strides = array<i32>} : memref<64x128xf32, #tpu.memory_space<vmem>>, vector<1x16xf32>,
    }
    %scan3A_35 = arith.constant 64 : i32
    "tpu.region"() ({
      %run_scoped3A = tpu.sem_alloc : memref<!tpu.dma_semaphore, #tpu.memory_space<semaphore_mem>>
      %dma_start3A_130 = arith.constant 0 : i32
      %dma_start3A_131 = tpu.memref_slice %arg9[%add3A_18, %dma_start3A_130] : memref<8192x128xf32, #tpu.memory_space<hbm>> -> memref<64x128xf32, #tpu.memory_space<hbm>>
      %dma_start3A_132 = arith.constant 0 : i32
      %dma_start3A_133 = tpu.memref_slice %arg9[%add3A_18, %dma_start3A_132] : memref<8192x128xf32, #tpu.memory_space<hbm>> -> memref<64x128xf32, #tpu.memory_space<hbm>>
      tpu.enqueue_dma source(%arg18 : memref<64x128xf32, #tpu.memory_space<vmem>>) target(%dma_start3A_133 : memref<64x128xf32, #tpu.memory_space<hbm>>) target_semaphore(%run_scoped3A : memref<!tpu.dma_semaphore, #tpu.memory_space<semaphore_mem>>)
      %dma_wait3A_134 = arith.constant 0 : i32
      %dma_wait3A_135 = tpu.memref_slice %arg9[%add3A_18, %dma_wait3A_134] : memref<8192x128xf32, #tpu.memory_space<hbm>> -> memref<64x128xf32, #tpu.memory_space<hbm>>
      %dma_wait3A_136 = arith.constant 0 : i32
      %dma_wait3A_137 = tpu.memref_slice %arg9[%add3A_18, %dma_wait3A_136] : memref<8192x128xf32, #tpu.memory_space<hbm>> -> memref<64x128xf32, #tpu.memory_space<hbm>>
      tpu.wait_dma2 semaphore(%run_scoped3A : memref<!tpu.dma_semaphore, #tpu.memory_space<semaphore_mem>>) src(%arg18 : memref<64x128xf32, #tpu.memory_space<vmem>>) dst(%dma_wait3A_137 : memref<64x128xf32, #tpu.memory_space<hbm>>)
      tpu.yield
    }) : () -> ()
    %add3A_36 = arith.constant 64 : i32
    %add3A_37 = arith.addi %add3A_16, %add3A_36 : i32
    "tpu.region"() ({
      %run_scoped3A = tpu.sem_alloc : memref<!tpu.dma_semaphore, #tpu.memory_space<semaphore_mem>>
      %dma_start3A_130 = tpu.memref_slice %arg5[%add3A_37] : memref<16384xi32, #tpu.memory_space<hbm>> -> memref<64xi32, #tpu.memory_space<hbm>>
      %dma_start3A_131 = tpu.memref_slice %arg5[%add3A_37] : memref<16384xi32, #tpu.memory_space<hbm>> -> memref<64xi32, #tpu.memory_space<hbm>>
      tpu.enqueue_dma source(%dma_start3A_131 : memref<64xi32, #tpu.memory_space<hbm>>) target(%arg14 : memref<64xi32, #tpu.memory_space<vmem>>) target_semaphore(%run_scoped3A : memref<!tpu.dma_semaphore, #tpu.memory_space<semaphore_mem>>)
      %dma_wait3A_132 = tpu.memref_slice %arg5[%add3A_37] : memref<16384xi32, #tpu.memory_space<hbm>> -> memref<64xi32, #tpu.memory_space<hbm>>
      %dma_wait3A_133 = tpu.memref_slice %arg5[%add3A_37] : memref<16384xi32, #tpu.memory_space<hbm>> -> memref<64xi32, #tpu.memory_space<hbm>>
      tpu.wait_dma2 semaphore(%run_scoped3A : memref<!tpu.dma_semaphore, #tpu.memory_space<semaphore_mem>>) src(%dma_wait3A_133 : memref<64xi32, #tpu.memory_space<hbm>>) dst(%arg14 : memref<64xi32, #tpu.memory_space<vmem>>)
      tpu.yield
    }) : () -> ()
    %dma_start3A_38 = arith.constant 0 : i32
    %dma_start3A_39 = arith.constant 0 : i32
    %dma_start3A_40 = tpu.memref_slice %arg4[%dma_start3A_38, %dma_start3A_39] : memref<1000x128xf32, #tpu.memory_space<hbm>> -> memref<1000x128xf32, #tpu.memory_space<hbm>>
    tpu.enqueue_indirect_dma source(%dma_start3A_40 : memref<1000x128xf32, #tpu.memory_space<hbm>>) target(%arg16 : memref<64x128xf32, #tpu.memory_space<vmem>>) offsets(%arg14 : memref<64xi32, #tpu.memory_space<vmem>>) semaphore(%arg21 : memref<!tpu.dma_semaphore, #tpu.memory_space<semaphore_mem>>)
    %add3A_41 = arith.constant 64 : i32
    %add3A_42 = arith.addi %add3A_16, %add3A_41 : i32
    "tpu.region"() ({
      %run_scoped3A = tpu.sem_alloc : memref<!tpu.dma_semaphore, #tpu.memory_space<semaphore_mem>>
      %dma_start3A_130 = tpu.memref_slice %arg7[%add3A_42] : memref<16384xi32, #tpu.memory_space<hbm>> -> memref<64xi32, #tpu.memory_space<hbm>>
      %dma_start3A_131 = tpu.memref_slice %arg7[%add3A_42] : memref<16384xi32, #tpu.memory_space<hbm>> -> memref<64xi32, #tpu.memory_space<hbm>>
      tpu.enqueue_dma source(%dma_start3A_131 : memref<64xi32, #tpu.memory_space<hbm>>) target(%arg15 : memref<64xi32, #tpu.memory_space<vmem>>) target_semaphore(%run_scoped3A : memref<!tpu.dma_semaphore, #tpu.memory_space<semaphore_mem>>)
      %dma_wait3A_132 = tpu.memref_slice %arg7[%add3A_42] : memref<16384xi32, #tpu.memory_space<hbm>> -> memref<64xi32, #tpu.memory_space<hbm>>
      %dma_wait3A_133 = tpu.memref_slice %arg7[%add3A_42] : memref<16384xi32, #tpu.memory_space<hbm>> -> memref<64xi32, #tpu.memory_space<hbm>>
      tpu.wait_dma2 semaphore(%run_scoped3A : memref<!tpu.dma_semaphore, #tpu.memory_space<semaphore_mem>>) src(%dma_wait3A_133 : memref<64xi32, #tpu.memory_space<hbm>>) dst(%arg15 : memref<64xi32, #tpu.memory_space<vmem>>)
      tpu.yield
    }) : () -> ()
    %dma_start3A_43 = arith.constant 0 : i32
    %dma_start3A_44 = arith.constant 0 : i32
    %dma_start3A_45 = tpu.memref_slice %arg6[%dma_start3A_43, %dma_start3A_44] : memref<1000x128xf32, #tpu.memory_space<hbm>> -> memref<1000x128xf32, #tpu.memory_space<hbm>>
    tpu.enqueue_indirect_dma source(%dma_start3A_45 : memref<1000x128xf32, #tpu.memory_space<hbm>>) target(%arg17 : memref<64x128xf32, #tpu.memory_space<vmem>>) offsets(%arg15 : memref<64xi32, #tpu.memory_space<vmem>>) semaphore(%arg22 : memref<!tpu.dma_semaphore, #tpu.memory_space<semaphore_mem>>)
    %add3A_46 = arith.constant 64 : i32
    %add3A_47 = arith.addi %add3A_4, %add3A_46 : i32
    %add3A_48 = arith.constant 64 : i32
    %add3A_49 = arith.addi %mul3A_6, %add3A_48 : i32
    %add3A_50 = arith.constant 64 : i32
    %add3A_51 = arith.addi %add3A_47, %add3A_50 : i32
    "tpu.region"() ({
      %run_scoped3A = tpu.sem_alloc : memref<!tpu.dma_semaphore, #tpu.memory_space<semaphore_mem>>
      %dma_start3A_130 = tpu.memref_slice %arg3[%add3A_51] : memref<16384xi32, #tpu.memory_space<hbm>> -> memref<64xi32, #tpu.memory_space<hbm>>
      %dma_start3A_131 = tpu.memref_slice %arg3[%add3A_51] : memref<16384xi32, #tpu.memory_space<hbm>> -> memref<64xi32, #tpu.memory_space<hbm>>
      tpu.enqueue_dma source(%dma_start3A_131 : memref<64xi32, #tpu.memory_space<hbm>>) target(%arg10 : memref<64xi32, #tpu.memory_space<vmem>>) target_semaphore(%run_scoped3A : memref<!tpu.dma_semaphore, #tpu.memory_space<semaphore_mem>>)
      %dma_wait3A_132 = tpu.memref_slice %arg3[%add3A_51] : memref<16384xi32, #tpu.memory_space<hbm>> -> memref<64xi32, #tpu.memory_space<hbm>>
      %dma_wait3A_133 = tpu.memref_slice %arg3[%add3A_51] : memref<16384xi32, #tpu.memory_space<hbm>> -> memref<64xi32, #tpu.memory_space<hbm>>
      tpu.wait_dma2 semaphore(%run_scoped3A : memref<!tpu.dma_semaphore, #tpu.memory_space<semaphore_mem>>) src(%dma_wait3A_133 : memref<64xi32, #tpu.memory_space<hbm>>) dst(%arg10 : memref<64xi32, #tpu.memory_space<vmem>>)
      tpu.yield
    }) : () -> ()
    %dma_start3A_52 = arith.constant 0 : i32
    %dma_start3A_53 = arith.constant 0 : i32
    %dma_start3A_54 = tpu.memref_slice %arg2[%dma_start3A_52, %dma_start3A_53] : memref<100000x768xf32, #tpu.memory_space<hbm>> -> memref<100000x768xf32, #tpu.memory_space<hbm>>
    tpu.enqueue_indirect_dma source(%dma_start3A_54 : memref<100000x768xf32, #tpu.memory_space<hbm>>) target(%arg12 : memref<64x768xf32, #tpu.memory_space<vmem>>) offsets(%arg10 : memref<64xi32, #tpu.memory_space<vmem>>) semaphore(%arg19 : memref<!tpu.dma_semaphore, #tpu.memory_space<semaphore_mem>>)
    %dma_wait3A_55 = arith.constant 0 : i32
    %dma_wait3A_56 = arith.constant 0 : i32
    %dma_wait3A_57 = tpu.memref_slice %arg2[%dma_wait3A_55, %dma_wait3A_56] : memref<100000x768xf32, #tpu.memory_space<hbm>> -> memref<100000x768xf32, #tpu.memory_space<hbm>>
    tpu.wait_indirect_dma semaphore(%arg20 : memref<!tpu.dma_semaphore, #tpu.memory_space<semaphore_mem>>) src(%dma_wait3A_57 : memref<100000x768xf32, #tpu.memory_space<hbm>>) dst(%arg13 : memref<64x768xf32, #tpu.memory_space<vmem>>)
    "tpu.region"() ({
      %run_scoped3A = tpu.sem_alloc : memref<!tpu.dma_semaphore, #tpu.memory_space<semaphore_mem>>
      %dma_start3A_130 = arith.constant 0 : i32
      %dma_start3A_131 = tpu.memref_slice %arg8[%add3A_49, %dma_start3A_130] : memref<8192x768xf32, #tpu.memory_space<hbm>> -> memref<64x768xf32, #tpu.memory_space<hbm>>
      %dma_start3A_132 = arith.constant 0 : i32
      %dma_start3A_133 = tpu.memref_slice %arg8[%add3A_49, %dma_start3A_132] : memref<8192x768xf32, #tpu.memory_space<hbm>> -> memref<64x768xf32, #tpu.memory_space<hbm>>
      tpu.enqueue_dma source(%arg13 : memref<64x768xf32, #tpu.memory_space<vmem>>) target(%dma_start3A_133 : memref<64x768xf32, #tpu.memory_space<hbm>>) target_semaphore(%run_scoped3A : memref<!tpu.dma_semaphore, #tpu.memory_space<semaphore_mem>>)
      %dma_wait3A_134 = arith.constant 0 : i32
      %dma_wait3A_135 = tpu.memref_slice %arg8[%add3A_49, %dma_wait3A_134] : memref<8192x768xf32, #tpu.memory_space<hbm>> -> memref<64x768xf32, #tpu.memory_space<hbm>>
      %dma_wait3A_136 = arith.constant 0 : i32
      %dma_wait3A_137 = tpu.memref_slice %arg8[%add3A_49, %dma_wait3A_136] : memref<8192x768xf32, #tpu.memory_space<hbm>> -> memref<64x768xf32, #tpu.memory_space<hbm>>
      tpu.wait_dma2 semaphore(%run_scoped3A : memref<!tpu.dma_semaphore, #tpu.memory_space<semaphore_mem>>) src(%arg13 : memref<64x768xf32, #tpu.memory_space<vmem>>) dst(%dma_wait3A_137 : memref<64x768xf32, #tpu.memory_space<hbm>>)
      tpu.yield
    }) : () -> ()
    %dma_wait3A_58 = arith.constant 0 : i32
    %dma_wait3A_59 = arith.constant 0 : i32
    %dma_wait3A_60 = tpu.memref_slice %arg4[%dma_wait3A_58, %dma_wait3A_59] : memref<1000x128xf32, #tpu.memory_space<hbm>> -> memref<1000x128xf32, #tpu.memory_space<hbm>>
    tpu.wait_indirect_dma semaphore(%arg21 : memref<!tpu.dma_semaphore, #tpu.memory_space<semaphore_mem>>) src(%dma_wait3A_60 : memref<1000x128xf32, #tpu.memory_space<hbm>>) dst(%arg16 : memref<64x128xf32, #tpu.memory_space<vmem>>)
    %dma_wait3A_61 = arith.constant 0 : i32
    %dma_wait3A_62 = arith.constant 0 : i32
    %dma_wait3A_63 = tpu.memref_slice %arg6[%dma_wait3A_61, %dma_wait3A_62] : memref<1000x128xf32, #tpu.memory_space<hbm>> -> memref<1000x128xf32, #tpu.memory_space<hbm>>
    tpu.wait_indirect_dma semaphore(%arg22 : memref<!tpu.dma_semaphore, #tpu.memory_space<semaphore_mem>>) src(%dma_wait3A_63 : memref<1000x128xf32, #tpu.memory_space<hbm>>) dst(%arg17 : memref<64x128xf32, #tpu.memory_space<vmem>>)
    %scan3A_64 = arith.constant 0 : i32
    %scan3A_65 = arith.constant 64 : i32
    %scan3A_66 = arith.addi %scan3A_64, %scan3A_65 : i32
    %scan3A_67 = arith.constant 1 : i32
    scf.for %scan3A_130 = %scan3A_64 to %scan3A_66 step %scan3A_67  : i32 {
      %mul3A_131 = arith.constant 1 : i32
      %mul3A_132 = arith.muli %scan3A_130, %mul3A_131 : i32
      %add3A_133 = arith.constant 0 : i32
      %add3A_134 = arith.addi %add3A_133, %mul3A_132 : i32
      %get3A = arith.index_cast %add3A_134 : i32 to index
      %get3A_135 = arith.constant 0 : index
      %get3A_136 = tpu.vector_load %arg16[%get3A, %get3A_135] {strides = array<i32>} : memref<64x128xf32, #tpu.memory_space<vmem>>, vector<1x16xf32>,
      %get3A_137 = vector.shape_cast %get3A_136 : vector<1x16xf32> to vector<1x16xf32>
      %get3A_138 = arith.index_cast %add3A_134 : i32 to index
      %get3A_139 = arith.constant 0 : index
      %get3A_140 = tpu.vector_load %arg17[%get3A_138, %get3A_139] {strides = array<i32>} : memref<64x128xf32, #tpu.memory_space<vmem>>, vector<1x16xf32>,
      %get3A_141 = vector.shape_cast %get3A_140 : vector<1x16xf32> to vector<1x16xf32>
      %add3A_142 = arith.addf %get3A_137, %get3A_141 : vector<1x16xf32>
      %swap3A = arith.index_cast %add3A_134 : i32 to index
      %swap3A_143 = arith.constant 0 : index
      %swap3A_144 = tpu.vector_load %arg18[%swap3A, %swap3A_143] {strides = array<i32>} : memref<64x128xf32, #tpu.memory_space<vmem>>, vector<1x16xf32>,
      %swap3A_145 = vector.shape_cast %swap3A_144 : vector<1x16xf32> to vector<1x16xf32>
      %swap3A_146 = vector.shape_cast %add3A_142 : vector<1x16xf32> to vector<1x16xf32>
      tpu.vector_store %arg18[%swap3A, %swap3A_143], %swap3A_146 {strides = array<i32>} : memref<64x128xf32, #tpu.memory_space<vmem>>, vector<1x16xf32>,
      %mul3A_147 = arith.mulf %get3A_137, %get3A_141 : vector<1x16xf32>
      %swap3A_148 = arith.index_cast %add3A_134 : i32 to index
      %swap3A_149 = arith.constant 64 : index
      %swap3A_150 = tpu.vector_load %arg18[%swap3A_148, %swap3A_149] {strides = array<i32>} : memref<64x128xf32, #tpu.memory_space<vmem>>, vector<1x16xf32>,
      %swap3A_151 = vector.shape_cast %swap3A_150 : vector<1x16xf32> to vector<1x16xf32>
      %swap3A_152 = vector.shape_cast %mul3A_147 : vector<1x16xf32> to vector<1x16xf32>
      tpu.vector_store %arg18[%swap3A_148, %swap3A_149], %swap3A_152 {strides = array<i32>} : memref<64x128xf32, #tpu.memory_space<vmem>>, vector<1x16xf32>,
      %get3A_153 = arith.index_cast %add3A_134 : i32 to index
      %get3A_154 = arith.constant 16 : index
      %get3A_155 = tpu.vector_load %arg16[%get3A_153, %get3A_154] {strides = array<i32>} : memref<64x128xf32, #tpu.memory_space<vmem>>, vector<1x16xf32>,
      %get3A_156 = vector.shape_cast %get3A_155 : vector<1x16xf32> to vector<1x16xf32>
      %get3A_157 = arith.index_cast %add3A_134 : i32 to index
      %get3A_158 = arith.constant 16 : index
      %get3A_159 = tpu.vector_load %arg17[%get3A_157, %get3A_158] {strides = array<i32>} : memref<64x128xf32, #tpu.memory_space<vmem>>, vector<1x16xf32>,
      %get3A_160 = vector.shape_cast %get3A_159 : vector<1x16xf32> to vector<1x16xf32>
      %add3A_161 = arith.addf %get3A_156, %get3A_160 : vector<1x16xf32>
      %swap3A_162 = arith.index_cast %add3A_134 : i32 to index
      %swap3A_163 = arith.constant 16 : index
      %swap3A_164 = tpu.vector_load %arg18[%swap3A_162, %swap3A_163] {strides = array<i32>} : memref<64x128xf32, #tpu.memory_space<vmem>>, vector<1x16xf32>,
      %swap3A_165 = vector.shape_cast %swap3A_164 : vector<1x16xf32> to vector<1x16xf32>
      %swap3A_166 = vector.shape_cast %add3A_161 : vector<1x16xf32> to vector<1x16xf32>
      tpu.vector_store %arg18[%swap3A_162, %swap3A_163], %swap3A_166 {strides = array<i32>} : memref<64x128xf32, #tpu.memory_space<vmem>>, vector<1x16xf32>,
      %mul3A_167 = arith.mulf %get3A_156, %get3A_160 : vector<1x16xf32>
      %swap3A_168 = arith.index_cast %add3A_134 : i32 to index
      %swap3A_169 = arith.constant 80 : index
      %swap3A_170 = tpu.vector_load %arg18[%swap3A_168, %swap3A_169] {strides = array<i32>} : memref<64x128xf32, #tpu.memory_space<vmem>>, vector<1x16xf32>,
      %swap3A_171 = vector.shape_cast %swap3A_170 : vector<1x16xf32> to vector<1x16xf32>
      %swap3A_172 = vector.shape_cast %mul3A_167 : vector<1x16xf32> to vector<1x16xf32>
      tpu.vector_store %arg18[%swap3A_168, %swap3A_169], %swap3A_172 {strides = array<i32>} : memref<64x128xf32, #tpu.memory_space<vmem>>, vector<1x16xf32>,
      %get3A_173 = arith.index_cast %add3A_134 : i32 to index
      %get3A_174 = arith.constant 32 : index
      %get3A_175 = tpu.vector_load %arg16[%get3A_173, %get3A_174] {strides = array<i32>} : memref<64x128xf32, #tpu.memory_space<vmem>>, vector<1x16xf32>,
      %get3A_176 = vector.shape_cast %get3A_175 : vector<1x16xf32> to vector<1x16xf32>
      %get3A_177 = arith.index_cast %add3A_134 : i32 to index
      %get3A_178 = arith.constant 32 : index
      %get3A_179 = tpu.vector_load %arg17[%get3A_177, %get3A_178] {strides = array<i32>} : memref<64x128xf32, #tpu.memory_space<vmem>>, vector<1x16xf32>,
      %get3A_180 = vector.shape_cast %get3A_179 : vector<1x16xf32> to vector<1x16xf32>
      %add3A_181 = arith.addf %get3A_176, %get3A_180 : vector<1x16xf32>
      %swap3A_182 = arith.index_cast %add3A_134 : i32 to index
      %swap3A_183 = arith.constant 32 : index
      %swap3A_184 = tpu.vector_load %arg18[%swap3A_182, %swap3A_183] {strides = array<i32>} : memref<64x128xf32, #tpu.memory_space<vmem>>, vector<1x16xf32>,
      %swap3A_185 = vector.shape_cast %swap3A_184 : vector<1x16xf32> to vector<1x16xf32>
      %swap3A_186 = vector.shape_cast %add3A_181 : vector<1x16xf32> to vector<1x16xf32>
      tpu.vector_store %arg18[%swap3A_182, %swap3A_183], %swap3A_186 {strides = array<i32>} : memref<64x128xf32, #tpu.memory_space<vmem>>, vector<1x16xf32>,
      %mul3A_187 = arith.mulf %get3A_176, %get3A_180 : vector<1x16xf32>
      %swap3A_188 = arith.index_cast %add3A_134 : i32 to index
      %swap3A_189 = arith.constant 96 : index
      %swap3A_190 = tpu.vector_load %arg18[%swap3A_188, %swap3A_189] {strides = array<i32>} : memref<64x128xf32, #tpu.memory_space<vmem>>, vector<1x16xf32>,
      %swap3A_191 = vector.shape_cast %swap3A_190 : vector<1x16xf32> to vector<1x16xf32>
      %swap3A_192 = vector.shape_cast %mul3A_187 : vector<1x16xf32> to vector<1x16xf32>
      tpu.vector_store %arg18[%swap3A_188, %swap3A_189], %swap3A_192 {strides = array<i32>} : memref<64x128xf32, #tpu.memory_space<vmem>>, vector<1x16xf32>,
      %get3A_193 = arith.index_cast %add3A_134 : i32 to index
      %get3A_194 = arith.constant 48 : index
      %get3A_195 = tpu.vector_load %arg16[%get3A_193, %get3A_194] {strides = array<i32>} : memref<64x128xf32, #tpu.memory_space<vmem>>, vector<1x16xf32>,
      %get3A_196 = vector.shape_cast %get3A_195 : vector<1x16xf32> to vector<1x16xf32>
      %get3A_197 = arith.index_cast %add3A_134 : i32 to index
      %get3A_198 = arith.constant 48 : index
      %get3A_199 = tpu.vector_load %arg17[%get3A_197, %get3A_198] {strides = array<i32>} : memref<64x128xf32, #tpu.memory_space<vmem>>, vector<1x16xf32>,
      %get3A_200 = vector.shape_cast %get3A_199 : vector<1x16xf32> to vector<1x16xf32>
      %add3A_201 = arith.addf %get3A_196, %get3A_200 : vector<1x16xf32>
      %swap3A_202 = arith.index_cast %add3A_134 : i32 to index
      %swap3A_203 = arith.constant 48 : index
      %swap3A_204 = tpu.vector_load %arg18[%swap3A_202, %swap3A_203] {strides = array<i32>} : memref<64x128xf32, #tpu.memory_space<vmem>>, vector<1x16xf32>,
      %swap3A_205 = vector.shape_cast %swap3A_204 : vector<1x16xf32> to vector<1x16xf32>
      %swap3A_206 = vector.shape_cast %add3A_201 : vector<1x16xf32> to vector<1x16xf32>
      tpu.vector_store %arg18[%swap3A_202, %swap3A_203], %swap3A_206 {strides = array<i32>} : memref<64x128xf32, #tpu.memory_space<vmem>>, vector<1x16xf32>,
      %mul3A_207 = arith.mulf %get3A_196, %get3A_200 : vector<1x16xf32>
      %swap3A_208 = arith.index_cast %add3A_134 : i32 to index
      %swap3A_209 = arith.constant 112 : index
      %swap3A_210 = tpu.vector_load %arg18[%swap3A_208, %swap3A_209] {strides = array<i32>} : memref<64x128xf32, #tpu.memory_space<vmem>>, vector<1x16xf32>,
      %swap3A_211 = vector.shape_cast %swap3A_210 : vector<1x16xf32> to vector<1x16xf32>
      %swap3A_212 = vector.shape_cast %mul3A_207 : vector<1x16xf32> to vector<1x16xf32>
      tpu.vector_store %arg18[%swap3A_208, %swap3A_209], %swap3A_212 {strides = array<i32>} : memref<64x128xf32, #tpu.memory_space<vmem>>, vector<1x16xf32>,
    }
    %scan3A_68 = arith.constant 64 : i32
    "tpu.region"() ({
      %run_scoped3A = tpu.sem_alloc : memref<!tpu.dma_semaphore, #tpu.memory_space<semaphore_mem>>
      %dma_start3A_130 = arith.constant 0 : i32
      %dma_start3A_131 = tpu.memref_slice %arg9[%add3A_49, %dma_start3A_130] : memref<8192x128xf32, #tpu.memory_space<hbm>> -> memref<64x128xf32, #tpu.memory_space<hbm>>
      %dma_start3A_132 = arith.constant 0 : i32
      %dma_start3A_133 = tpu.memref_slice %arg9[%add3A_49, %dma_start3A_132] : memref<8192x128xf32, #tpu.memory_space<hbm>> -> memref<64x128xf32, #tpu.memory_space<hbm>>
      tpu.enqueue_dma source(%arg18 : memref<64x128xf32, #tpu.memory_space<vmem>>) target(%dma_start3A_133 : memref<64x128xf32, #tpu.memory_space<hbm>>) target_semaphore(%run_scoped3A : memref<!tpu.dma_semaphore, #tpu.memory_space<semaphore_mem>>)
      %dma_wait3A_134 = arith.constant 0 : i32
      %dma_wait3A_135 = tpu.memref_slice %arg9[%add3A_49, %dma_wait3A_134] : memref<8192x128xf32, #tpu.memory_space<hbm>> -> memref<64x128xf32, #tpu.memory_space<hbm>>
      %dma_wait3A_136 = arith.constant 0 : i32
      %dma_wait3A_137 = tpu.memref_slice %arg9[%add3A_49, %dma_wait3A_136] : memref<8192x128xf32, #tpu.memory_space<hbm>> -> memref<64x128xf32, #tpu.memory_space<hbm>>
      tpu.wait_dma2 semaphore(%run_scoped3A : memref<!tpu.dma_semaphore, #tpu.memory_space<semaphore_mem>>) src(%arg18 : memref<64x128xf32, #tpu.memory_space<vmem>>) dst(%dma_wait3A_137 : memref<64x128xf32, #tpu.memory_space<hbm>>)
      tpu.yield
    }) : () -> ()
    %add3A_69 = arith.constant 64 : i32
    %add3A_70 = arith.addi %add3A_47, %add3A_69 : i32
    "tpu.region"() ({
      %run_scoped3A = tpu.sem_alloc : memref<!tpu.dma_semaphore, #tpu.memory_space<semaphore_mem>>
      %dma_start3A_130 = tpu.memref_slice %arg5[%add3A_70] : memref<16384xi32, #tpu.memory_space<hbm>> -> memref<64xi32, #tpu.memory_space<hbm>>
      %dma_start3A_131 = tpu.memref_slice %arg5[%add3A_70] : memref<16384xi32, #tpu.memory_space<hbm>> -> memref<64xi32, #tpu.memory_space<hbm>>
      tpu.enqueue_dma source(%dma_start3A_131 : memref<64xi32, #tpu.memory_space<hbm>>) target(%arg14 : memref<64xi32, #tpu.memory_space<vmem>>) target_semaphore(%run_scoped3A : memref<!tpu.dma_semaphore, #tpu.memory_space<semaphore_mem>>)
      %dma_wait3A_132 = tpu.memref_slice %arg5[%add3A_70] : memref<16384xi32, #tpu.memory_space<hbm>> -> memref<64xi32, #tpu.memory_space<hbm>>
      %dma_wait3A_133 = tpu.memref_slice %arg5[%add3A_70] : memref<16384xi32, #tpu.memory_space<hbm>> -> memref<64xi32, #tpu.memory_space<hbm>>
      tpu.wait_dma2 semaphore(%run_scoped3A : memref<!tpu.dma_semaphore, #tpu.memory_space<semaphore_mem>>) src(%dma_wait3A_133 : memref<64xi32, #tpu.memory_space<hbm>>) dst(%arg14 : memref<64xi32, #tpu.memory_space<vmem>>)
      tpu.yield
    }) : () -> ()
    %dma_start3A_71 = arith.constant 0 : i32
    %dma_start3A_72 = arith.constant 0 : i32
    %dma_start3A_73 = tpu.memref_slice %arg4[%dma_start3A_71, %dma_start3A_72] : memref<1000x128xf32, #tpu.memory_space<hbm>> -> memref<1000x128xf32, #tpu.memory_space<hbm>>
    tpu.enqueue_indirect_dma source(%dma_start3A_73 : memref<1000x128xf32, #tpu.memory_space<hbm>>) target(%arg16 : memref<64x128xf32, #tpu.memory_space<vmem>>) offsets(%arg14 : memref<64xi32, #tpu.memory_space<vmem>>) semaphore(%arg21 : memref<!tpu.dma_semaphore, #tpu.memory_space<semaphore_mem>>)
    %add3A_74 = arith.constant 64 : i32
    %add3A_75 = arith.addi %add3A_47, %add3A_74 : i32
    "tpu.region"() ({
      %run_scoped3A = tpu.sem_alloc : memref<!tpu.dma_semaphore, #tpu.memory_space<semaphore_mem>>
      %dma_start3A_130 = tpu.memref_slice %arg7[%add3A_75] : memref<16384xi32, #tpu.memory_space<hbm>> -> memref<64xi32, #tpu.memory_space<hbm>>
      %dma_start3A_131 = tpu.memref_slice %arg7[%add3A_75] : memref<16384xi32, #tpu.memory_space<hbm>> -> memref<64xi32, #tpu.memory_space<hbm>>
      tpu.enqueue_dma source(%dma_start3A_131 : memref<64xi32, #tpu.memory_space<hbm>>) target(%arg15 : memref<64xi32, #tpu.memory_space<vmem>>) target_semaphore(%run_scoped3A : memref<!tpu.dma_semaphore, #tpu.memory_space<semaphore_mem>>)
      %dma_wait3A_132 = tpu.memref_slice %arg7[%add3A_75] : memref<16384xi32, #tpu.memory_space<hbm>> -> memref<64xi32, #tpu.memory_space<hbm>>
      %dma_wait3A_133 = tpu.memref_slice %arg7[%add3A_75] : memref<16384xi32, #tpu.memory_space<hbm>> -> memref<64xi32, #tpu.memory_space<hbm>>
      tpu.wait_dma2 semaphore(%run_scoped3A : memref<!tpu.dma_semaphore, #tpu.memory_space<semaphore_mem>>) src(%dma_wait3A_133 : memref<64xi32, #tpu.memory_space<hbm>>) dst(%arg15 : memref<64xi32, #tpu.memory_space<vmem>>)
      tpu.yield
    }) : () -> ()
    %dma_start3A_76 = arith.constant 0 : i32
    %dma_start3A_77 = arith.constant 0 : i32
    %dma_start3A_78 = tpu.memref_slice %arg6[%dma_start3A_76, %dma_start3A_77] : memref<1000x128xf32, #tpu.memory_space<hbm>> -> memref<1000x128xf32, #tpu.memory_space<hbm>>
    tpu.enqueue_indirect_dma source(%dma_start3A_78 : memref<1000x128xf32, #tpu.memory_space<hbm>>) target(%arg17 : memref<64x128xf32, #tpu.memory_space<vmem>>) offsets(%arg15 : memref<64xi32, #tpu.memory_space<vmem>>) semaphore(%arg22 : memref<!tpu.dma_semaphore, #tpu.memory_space<semaphore_mem>>)
    %add3A_79 = arith.constant 128 : i32
    %add3A_80 = arith.addi %add3A_4, %add3A_79 : i32
    %add3A_81 = arith.constant 128 : i32
    %add3A_82 = arith.addi %mul3A_6, %add3A_81 : i32
    %add3A_83 = arith.constant 64 : i32
    %add3A_84 = arith.addi %add3A_80, %add3A_83 : i32
    "tpu.region"() ({
      %run_scoped3A = tpu.sem_alloc : memref<!tpu.dma_semaphore, #tpu.memory_space<semaphore_mem>>
      %dma_start3A_130 = tpu.memref_slice %arg3[%add3A_84] : memref<16384xi32, #tpu.memory_space<hbm>> -> memref<64xi32, #tpu.memory_space<hbm>>
      %dma_start3A_131 = tpu.memref_slice %arg3[%add3A_84] : memref<16384xi32, #tpu.memory_space<hbm>> -> memref<64xi32, #tpu.memory_space<hbm>>
      tpu.enqueue_dma source(%dma_start3A_131 : memref<64xi32, #tpu.memory_space<hbm>>) target(%arg11 : memref<64xi32, #tpu.memory_space<vmem>>) target_semaphore(%run_scoped3A : memref<!tpu.dma_semaphore, #tpu.memory_space<semaphore_mem>>)
      %dma_wait3A_132 = tpu.memref_slice %arg3[%add3A_84] : memref<16384xi32, #tpu.memory_space<hbm>> -> memref<64xi32, #tpu.memory_space<hbm>>
      %dma_wait3A_133 = tpu.memref_slice %arg3[%add3A_84] : memref<16384xi32, #tpu.memory_space<hbm>> -> memref<64xi32, #tpu.memory_space<hbm>>
      tpu.wait_dma2 semaphore(%run_scoped3A : memref<!tpu.dma_semaphore, #tpu.memory_space<semaphore_mem>>) src(%dma_wait3A_133 : memref<64xi32, #tpu.memory_space<hbm>>) dst(%arg11 : memref<64xi32, #tpu.memory_space<vmem>>)
      tpu.yield
    }) : () -> ()
    %dma_start3A_85 = arith.constant 0 : i32
    %dma_start3A_86 = arith.constant 0 : i32
    %dma_start3A_87 = tpu.memref_slice %arg2[%dma_start3A_85, %dma_start3A_86] : memref<100000x768xf32, #tpu.memory_space<hbm>> -> memref<100000x768xf32, #tpu.memory_space<hbm>>
    tpu.enqueue_indirect_dma source(%dma_start3A_87 : memref<100000x768xf32, #tpu.memory_space<hbm>>) target(%arg13 : memref<64x768xf32, #tpu.memory_space<vmem>>) offsets(%arg11 : memref<64xi32, #tpu.memory_space<vmem>>) semaphore(%arg20 : memref<!tpu.dma_semaphore, #tpu.memory_space<semaphore_mem>>)
    %dma_wait3A_88 = arith.constant 0 : i32
    %dma_wait3A_89 = arith.constant 0 : i32
    %dma_wait3A_90 = tpu.memref_slice %arg2[%dma_wait3A_88, %dma_wait3A_89] : memref<100000x768xf32, #tpu.memory_space<hbm>> -> memref<100000x768xf32, #tpu.memory_space<hbm>>
    tpu.wait_indirect_dma semaphore(%arg19 : memref<!tpu.dma_semaphore, #tpu.memory_space<semaphore_mem>>) src(%dma_wait3A_90 : memref<100000x768xf32, #tpu.memory_space<hbm>>) dst(%arg12 : memref<64x768xf32, #tpu.memory_space<vmem>>)
    "tpu.region"() ({
      %run_scoped3A = tpu.sem_alloc : memref<!tpu.dma_semaphore, #tpu.memory_space<semaphore_mem>>
      %dma_start3A_130 = arith.constant 0 : i32
      %dma_start3A_131 = tpu.memref_slice %arg8[%add3A_82, %dma_start3A_130] : memref<8192x768xf32, #tpu.memory_space<hbm>> -> memref<64x768xf32, #tpu.memory_space<hbm>>
      %dma_start3A_132 = arith.constant 0 : i32
      %dma_start3A_133 = tpu.memref_slice %arg8[%add3A_82, %dma_start3A_132] : memref<8192x768xf32, #tpu.memory_space<hbm>> -> memref<64x768xf32, #tpu.memory_space<hbm>>
      tpu.enqueue_dma source(%arg12 : memref<64x768xf32, #tpu.memory_space<vmem>>) target(%dma_start3A_133 : memref<64x768xf32, #tpu.memory_space<hbm>>) target_semaphore(%run_scoped3A : memref<!tpu.dma_semaphore, #tpu.memory_space<semaphore_mem>>)
      %dma_wait3A_134 = arith.constant 0 : i32
      %dma_wait3A_135 = tpu.memref_slice %arg8[%add3A_82, %dma_wait3A_134] : memref<8192x768xf32, #tpu.memory_space<hbm>> -> memref<64x768xf32, #tpu.memory_space<hbm>>
      %dma_wait3A_136 = arith.constant 0 : i32
      %dma_wait3A_137 = tpu.memref_slice %arg8[%add3A_82, %dma_wait3A_136] : memref<8192x768xf32, #tpu.memory_space<hbm>> -> memref<64x768xf32, #tpu.memory_space<hbm>>
      tpu.wait_dma2 semaphore(%run_scoped3A : memref<!tpu.dma_semaphore, #tpu.memory_space<semaphore_mem>>) src(%arg12 : memref<64x768xf32, #tpu.memory_space<vmem>>) dst(%dma_wait3A_137 : memref<64x768xf32, #tpu.memory_space<hbm>>)
      tpu.yield
    }) : () -> ()
    %dma_wait3A_91 = arith.constant 0 : i32
    %dma_wait3A_92 = arith.constant 0 : i32
    %dma_wait3A_93 = tpu.memref_slice %arg4[%dma_wait3A_91, %dma_wait3A_92] : memref<1000x128xf32, #tpu.memory_space<hbm>> -> memref<1000x128xf32, #tpu.memory_space<hbm>>
    tpu.wait_indirect_dma semaphore(%arg21 : memref<!tpu.dma_semaphore, #tpu.memory_space<semaphore_mem>>) src(%dma_wait3A_93 : memref<1000x128xf32, #tpu.memory_space<hbm>>) dst(%arg16 : memref<64x128xf32, #tpu.memory_space<vmem>>)
    %dma_wait3A_94 = arith.constant 0 : i32
    %dma_wait3A_95 = arith.constant 0 : i32
    %dma_wait3A_96 = tpu.memref_slice %arg6[%dma_wait3A_94, %dma_wait3A_95] : memref<1000x128xf32, #tpu.memory_space<hbm>> -> memref<1000x128xf32, #tpu.memory_space<hbm>>
    tpu.wait_indirect_dma semaphore(%arg22 : memref<!tpu.dma_semaphore, #tpu.memory_space<semaphore_mem>>) src(%dma_wait3A_96 : memref<1000x128xf32, #tpu.memory_space<hbm>>) dst(%arg17 : memref<64x128xf32, #tpu.memory_space<vmem>>)
    %scan3A_97 = arith.constant 0 : i32
    %scan3A_98 = arith.constant 64 : i32
    %scan3A_99 = arith.addi %scan3A_97, %scan3A_98 : i32
    %scan3A_100 = arith.constant 1 : i32
    scf.for %scan3A_130 = %scan3A_97 to %scan3A_99 step %scan3A_100  : i32 {
      %mul3A_131 = arith.constant 1 : i32
      %mul3A_132 = arith.muli %scan3A_130, %mul3A_131 : i32
      %add3A_133 = arith.constant 0 : i32
      %add3A_134 = arith.addi %add3A_133, %mul3A_132 : i32
      %get3A = arith.index_cast %add3A_134 : i32 to index
      %get3A_135 = arith.constant 0 : index
      %get3A_136 = tpu.vector_load %arg16[%get3A, %get3A_135] {strides = array<i32>} : memref<64x128xf32, #tpu.memory_space<vmem>>, vector<1x16xf32>,
      %get3A_137 = vector.shape_cast %get3A_136 : vector<1x16xf32> to vector<1x16xf32>
      %get3A_138 = arith.index_cast %add3A_134 : i32 to index
      %get3A_139 = arith.constant 0 : index
      %get3A_140 = tpu.vector_load %arg17[%get3A_138, %get3A_139] {strides = array<i32>} : memref<64x128xf32, #tpu.memory_space<vmem>>, vector<1x16xf32>,
      %get3A_141 = vector.shape_cast %get3A_140 : vector<1x16xf32> to vector<1x16xf32>
      %add3A_142 = arith.addf %get3A_137, %get3A_141 : vector<1x16xf32>
      %swap3A = arith.index_cast %add3A_134 : i32 to index
      %swap3A_143 = arith.constant 0 : index
      %swap3A_144 = tpu.vector_load %arg18[%swap3A, %swap3A_143] {strides = array<i32>} : memref<64x128xf32, #tpu.memory_space<vmem>>, vector<1x16xf32>,
      %swap3A_145 = vector.shape_cast %swap3A_144 : vector<1x16xf32> to vector<1x16xf32>
      %swap3A_146 = vector.shape_cast %add3A_142 : vector<1x16xf32> to vector<1x16xf32>
      tpu.vector_store %arg18[%swap3A, %swap3A_143], %swap3A_146 {strides = array<i32>} : memref<64x128xf32, #tpu.memory_space<vmem>>, vector<1x16xf32>,
      %mul3A_147 = arith.mulf %get3A_137, %get3A_141 : vector<1x16xf32>
      %swap3A_148 = arith.index_cast %add3A_134 : i32 to index
      %swap3A_149 = arith.constant 64 : index
      %swap3A_150 = tpu.vector_load %arg18[%swap3A_148, %swap3A_149] {strides = array<i32>} : memref<64x128xf32, #tpu.memory_space<vmem>>, vector<1x16xf32>,
      %swap3A_151 = vector.shape_cast %swap3A_150 : vector<1x16xf32> to vector<1x16xf32>
      %swap3A_152 = vector.shape_cast %mul3A_147 : vector<1x16xf32> to vector<1x16xf32>
      tpu.vector_store %arg18[%swap3A_148, %swap3A_149], %swap3A_152 {strides = array<i32>} : memref<64x128xf32, #tpu.memory_space<vmem>>, vector<1x16xf32>,
      %get3A_153 = arith.index_cast %add3A_134 : i32 to index
      %get3A_154 = arith.constant 16 : index
      %get3A_155 = tpu.vector_load %arg16[%get3A_153, %get3A_154] {strides = array<i32>} : memref<64x128xf32, #tpu.memory_space<vmem>>, vector<1x16xf32>,
      %get3A_156 = vector.shape_cast %get3A_155 : vector<1x16xf32> to vector<1x16xf32>
      %get3A_157 = arith.index_cast %add3A_134 : i32 to index
      %get3A_158 = arith.constant 16 : index
      %get3A_159 = tpu.vector_load %arg17[%get3A_157, %get3A_158] {strides = array<i32>} : memref<64x128xf32, #tpu.memory_space<vmem>>, vector<1x16xf32>,
      %get3A_160 = vector.shape_cast %get3A_159 : vector<1x16xf32> to vector<1x16xf32>
      %add3A_161 = arith.addf %get3A_156, %get3A_160 : vector<1x16xf32>
      %swap3A_162 = arith.index_cast %add3A_134 : i32 to index
      %swap3A_163 = arith.constant 16 : index
      %swap3A_164 = tpu.vector_load %arg18[%swap3A_162, %swap3A_163] {strides = array<i32>} : memref<64x128xf32, #tpu.memory_space<vmem>>, vector<1x16xf32>,
      %swap3A_165 = vector.shape_cast %swap3A_164 : vector<1x16xf32> to vector<1x16xf32>
      %swap3A_166 = vector.shape_cast %add3A_161 : vector<1x16xf32> to vector<1x16xf32>
      tpu.vector_store %arg18[%swap3A_162, %swap3A_163], %swap3A_166 {strides = array<i32>} : memref<64x128xf32, #tpu.memory_space<vmem>>, vector<1x16xf32>,
      %mul3A_167 = arith.mulf %get3A_156, %get3A_160 : vector<1x16xf32>
      %swap3A_168 = arith.index_cast %add3A_134 : i32 to index
      %swap3A_169 = arith.constant 80 : index
      %swap3A_170 = tpu.vector_load %arg18[%swap3A_168, %swap3A_169] {strides = array<i32>} : memref<64x128xf32, #tpu.memory_space<vmem>>, vector<1x16xf32>,
      %swap3A_171 = vector.shape_cast %swap3A_170 : vector<1x16xf32> to vector<1x16xf32>
      %swap3A_172 = vector.shape_cast %mul3A_167 : vector<1x16xf32> to vector<1x16xf32>
      tpu.vector_store %arg18[%swap3A_168, %swap3A_169], %swap3A_172 {strides = array<i32>} : memref<64x128xf32, #tpu.memory_space<vmem>>, vector<1x16xf32>,
      %get3A_173 = arith.index_cast %add3A_134 : i32 to index
      %get3A_174 = arith.constant 32 : index
      %get3A_175 = tpu.vector_load %arg16[%get3A_173, %get3A_174] {strides = array<i32>} : memref<64x128xf32, #tpu.memory_space<vmem>>, vector<1x16xf32>,
      %get3A_176 = vector.shape_cast %get3A_175 : vector<1x16xf32> to vector<1x16xf32>
      %get3A_177 = arith.index_cast %add3A_134 : i32 to index
      %get3A_178 = arith.constant 32 : index
      %get3A_179 = tpu.vector_load %arg17[%get3A_177, %get3A_178] {strides = array<i32>} : memref<64x128xf32, #tpu.memory_space<vmem>>, vector<1x16xf32>,
      %get3A_180 = vector.shape_cast %get3A_179 : vector<1x16xf32> to vector<1x16xf32>
      %add3A_181 = arith.addf %get3A_176, %get3A_180 : vector<1x16xf32>
      %swap3A_182 = arith.index_cast %add3A_134 : i32 to index
      %swap3A_183 = arith.constant 32 : index
      %swap3A_184 = tpu.vector_load %arg18[%swap3A_182, %swap3A_183] {strides = array<i32>} : memref<64x128xf32, #tpu.memory_space<vmem>>, vector<1x16xf32>,
      %swap3A_185 = vector.shape_cast %swap3A_184 : vector<1x16xf32> to vector<1x16xf32>
      %swap3A_186 = vector.shape_cast %add3A_181 : vector<1x16xf32> to vector<1x16xf32>
      tpu.vector_store %arg18[%swap3A_182, %swap3A_183], %swap3A_186 {strides = array<i32>} : memref<64x128xf32, #tpu.memory_space<vmem>>, vector<1x16xf32>,
      %mul3A_187 = arith.mulf %get3A_176, %get3A_180 : vector<1x16xf32>
      %swap3A_188 = arith.index_cast %add3A_134 : i32 to index
      %swap3A_189 = arith.constant 96 : index
      %swap3A_190 = tpu.vector_load %arg18[%swap3A_188, %swap3A_189] {strides = array<i32>} : memref<64x128xf32, #tpu.memory_space<vmem>>, vector<1x16xf32>,
      %swap3A_191 = vector.shape_cast %swap3A_190 : vector<1x16xf32> to vector<1x16xf32>
      %swap3A_192 = vector.shape_cast %mul3A_187 : vector<1x16xf32> to vector<1x16xf32>
      tpu.vector_store %arg18[%swap3A_188, %swap3A_189], %swap3A_192 {strides = array<i32>} : memref<64x128xf32, #tpu.memory_space<vmem>>, vector<1x16xf32>,
      %get3A_193 = arith.index_cast %add3A_134 : i32 to index
      %get3A_194 = arith.constant 48 : index
      %get3A_195 = tpu.vector_load %arg16[%get3A_193, %get3A_194] {strides = array<i32>} : memref<64x128xf32, #tpu.memory_space<vmem>>, vector<1x16xf32>,
      %get3A_196 = vector.shape_cast %get3A_195 : vector<1x16xf32> to vector<1x16xf32>
      %get3A_197 = arith.index_cast %add3A_134 : i32 to index
      %get3A_198 = arith.constant 48 : index
      %get3A_199 = tpu.vector_load %arg17[%get3A_197, %get3A_198] {strides = array<i32>} : memref<64x128xf32, #tpu.memory_space<vmem>>, vector<1x16xf32>,
      %get3A_200 = vector.shape_cast %get3A_199 : vector<1x16xf32> to vector<1x16xf32>
      %add3A_201 = arith.addf %get3A_196, %get3A_200 : vector<1x16xf32>
      %swap3A_202 = arith.index_cast %add3A_134 : i32 to index
      %swap3A_203 = arith.constant 48 : index
      %swap3A_204 = tpu.vector_load %arg18[%swap3A_202, %swap3A_203] {strides = array<i32>} : memref<64x128xf32, #tpu.memory_space<vmem>>, vector<1x16xf32>,
      %swap3A_205 = vector.shape_cast %swap3A_204 : vector<1x16xf32> to vector<1x16xf32>
      %swap3A_206 = vector.shape_cast %add3A_201 : vector<1x16xf32> to vector<1x16xf32>
      tpu.vector_store %arg18[%swap3A_202, %swap3A_203], %swap3A_206 {strides = array<i32>} : memref<64x128xf32, #tpu.memory_space<vmem>>, vector<1x16xf32>,
      %mul3A_207 = arith.mulf %get3A_196, %get3A_200 : vector<1x16xf32>
      %swap3A_208 = arith.index_cast %add3A_134 : i32 to index
      %swap3A_209 = arith.constant 112 : index
      %swap3A_210 = tpu.vector_load %arg18[%swap3A_208, %swap3A_209] {strides = array<i32>} : memref<64x128xf32, #tpu.memory_space<vmem>>, vector<1x16xf32>,
      %swap3A_211 = vector.shape_cast %swap3A_210 : vector<1x16xf32> to vector<1x16xf32>
      %swap3A_212 = vector.shape_cast %mul3A_207 : vector<1x16xf32> to vector<1x16xf32>
      tpu.vector_store %arg18[%swap3A_208, %swap3A_209], %swap3A_212 {strides = array<i32>} : memref<64x128xf32, #tpu.memory_space<vmem>>, vector<1x16xf32>,
    }
    %scan3A_101 = arith.constant 64 : i32
    "tpu.region"() ({
      %run_scoped3A = tpu.sem_alloc : memref<!tpu.dma_semaphore, #tpu.memory_space<semaphore_mem>>
      %dma_start3A_130 = arith.constant 0 : i32
      %dma_start3A_131 = tpu.memref_slice %arg9[%add3A_82, %dma_start3A_130] : memref<8192x128xf32, #tpu.memory_space<hbm>> -> memref<64x128xf32, #tpu.memory_space<hbm>>
      %dma_start3A_132 = arith.constant 0 : i32
      %dma_start3A_133 = tpu.memref_slice %arg9[%add3A_82, %dma_start3A_132] : memref<8192x128xf32, #tpu.memory_space<hbm>> -> memref<64x128xf32, #tpu.memory_space<hbm>>
      tpu.enqueue_dma source(%arg18 : memref<64x128xf32, #tpu.memory_space<vmem>>) target(%dma_start3A_133 : memref<64x128xf32, #tpu.memory_space<hbm>>) target_semaphore(%run_scoped3A : memref<!tpu.dma_semaphore, #tpu.memory_space<semaphore_mem>>)
      %dma_wait3A_134 = arith.constant 0 : i32
      %dma_wait3A_135 = tpu.memref_slice %arg9[%add3A_82, %dma_wait3A_134] : memref<8192x128xf32, #tpu.memory_space<hbm>> -> memref<64x128xf32, #tpu.memory_space<hbm>>
      %dma_wait3A_136 = arith.constant 0 : i32
      %dma_wait3A_137 = tpu.memref_slice %arg9[%add3A_82, %dma_wait3A_136] : memref<8192x128xf32, #tpu.memory_space<hbm>> -> memref<64x128xf32, #tpu.memory_space<hbm>>
      tpu.wait_dma2 semaphore(%run_scoped3A : memref<!tpu.dma_semaphore, #tpu.memory_space<semaphore_mem>>) src(%arg18 : memref<64x128xf32, #tpu.memory_space<vmem>>) dst(%dma_wait3A_137 : memref<64x128xf32, #tpu.memory_space<hbm>>)
      tpu.yield
    }) : () -> ()
    %add3A_102 = arith.constant 64 : i32
    %add3A_103 = arith.addi %add3A_80, %add3A_102 : i32
    "tpu.region"() ({
      %run_scoped3A = tpu.sem_alloc : memref<!tpu.dma_semaphore, #tpu.memory_space<semaphore_mem>>
      %dma_start3A_130 = tpu.memref_slice %arg5[%add3A_103] : memref<16384xi32, #tpu.memory_space<hbm>> -> memref<64xi32, #tpu.memory_space<hbm>>
      %dma_start3A_131 = tpu.memref_slice %arg5[%add3A_103] : memref<16384xi32, #tpu.memory_space<hbm>> -> memref<64xi32, #tpu.memory_space<hbm>>
      tpu.enqueue_dma source(%dma_start3A_131 : memref<64xi32, #tpu.memory_space<hbm>>) target(%arg14 : memref<64xi32, #tpu.memory_space<vmem>>) target_semaphore(%run_scoped3A : memref<!tpu.dma_semaphore, #tpu.memory_space<semaphore_mem>>)
      %dma_wait3A_132 = tpu.memref_slice %arg5[%add3A_103] : memref<16384xi32, #tpu.memory_space<hbm>> -> memref<64xi32, #tpu.memory_space<hbm>>
      %dma_wait3A_133 = tpu.memref_slice %arg5[%add3A_103] : memref<16384xi32, #tpu.memory_space<hbm>> -> memref<64xi32, #tpu.memory_space<hbm>>
      tpu.wait_dma2 semaphore(%run_scoped3A : memref<!tpu.dma_semaphore, #tpu.memory_space<semaphore_mem>>) src(%dma_wait3A_133 : memref<64xi32, #tpu.memory_space<hbm>>) dst(%arg14 : memref<64xi32, #tpu.memory_space<vmem>>)
      tpu.yield
    }) : () -> ()
    %dma_start3A_104 = arith.constant 0 : i32
    %dma_start3A_105 = arith.constant 0 : i32
    %dma_start3A_106 = tpu.memref_slice %arg4[%dma_start3A_104, %dma_start3A_105] : memref<1000x128xf32, #tpu.memory_space<hbm>> -> memref<1000x128xf32, #tpu.memory_space<hbm>>
    tpu.enqueue_indirect_dma source(%dma_start3A_106 : memref<1000x128xf32, #tpu.memory_space<hbm>>) target(%arg16 : memref<64x128xf32, #tpu.memory_space<vmem>>) offsets(%arg14 : memref<64xi32, #tpu.memory_space<vmem>>) semaphore(%arg21 : memref<!tpu.dma_semaphore, #tpu.memory_space<semaphore_mem>>)
    %add3A_107 = arith.constant 64 : i32
    %add3A_108 = arith.addi %add3A_80, %add3A_107 : i32
    "tpu.region"() ({
      %run_scoped3A = tpu.sem_alloc : memref<!tpu.dma_semaphore, #tpu.memory_space<semaphore_mem>>
      %dma_start3A_130 = tpu.memref_slice %arg7[%add3A_108] : memref<16384xi32, #tpu.memory_space<hbm>> -> memref<64xi32, #tpu.memory_space<hbm>>
      %dma_start3A_131 = tpu.memref_slice %arg7[%add3A_108] : memref<16384xi32, #tpu.memory_space<hbm>> -> memref<64xi32, #tpu.memory_space<hbm>>
      tpu.enqueue_dma source(%dma_start3A_131 : memref<64xi32, #tpu.memory_space<hbm>>) target(%arg15 : memref<64xi32, #tpu.memory_space<vmem>>) target_semaphore(%run_scoped3A : memref<!tpu.dma_semaphore, #tpu.memory_space<semaphore_mem>>)
      %dma_wait3A_132 = tpu.memref_slice %arg7[%add3A_108] : memref<16384xi32, #tpu.memory_space<hbm>> -> memref<64xi32, #tpu.memory_space<hbm>>
      %dma_wait3A_133 = tpu.memref_slice %arg7[%add3A_108] : memref<16384xi32, #tpu.memory_space<hbm>> -> memref<64xi32, #tpu.memory_space<hbm>>
      tpu.wait_dma2 semaphore(%run_scoped3A : memref<!tpu.dma_semaphore, #tpu.memory_space<semaphore_mem>>) src(%dma_wait3A_133 : memref<64xi32, #tpu.memory_space<hbm>>) dst(%arg15 : memref<64xi32, #tpu.memory_space<vmem>>)
      tpu.yield
    }) : () -> ()
    %dma_start3A_109 = arith.constant 0 : i32
    %dma_start3A_110 = arith.constant 0 : i32
    %dma_start3A_111 = tpu.memref_slice %arg6[%dma_start3A_109, %dma_start3A_110] : memref<1000x128xf32, #tpu.memory_space<hbm>> -> memref<1000x128xf32, #tpu.memory_space<hbm>>
    tpu.enqueue_indirect_dma source(%dma_start3A_111 : memref<1000x128xf32, #tpu.memory_space<hbm>>) target(%arg17 : memref<64x128xf32, #tpu.memory_space<vmem>>) offsets(%arg15 : memref<64xi32, #tpu.memory_space<vmem>>) semaphore(%arg22 : memref<!tpu.dma_semaphore, #tpu.memory_space<semaphore_mem>>)
    %add3A_112 = arith.constant 192 : i32
    %add3A_113 = arith.addi %add3A_4, %add3A_112 : i32
    %add3A_114 = arith.constant 192 : i32
    %add3A_115 = arith.addi %mul3A_6, %add3A_114 : i32
    %dma_wait3A_116 = arith.constant 0 : i32
    %dma_wait3A_117 = arith.constant 0 : i32
    %dma_wait3A_118 = tpu.memref_slice %arg2[%dma_wait3A_116, %dma_wait3A_117] : memref<100000x768xf32, #tpu.memory_space<hbm>> -> memref<100000x768xf32, #tpu.memory_space<hbm>>
    tpu.wait_indirect_dma semaphore(%arg20 : memref<!tpu.dma_semaphore, #tpu.memory_space<semaphore_mem>>) src(%dma_wait3A_118 : memref<100000x768xf32, #tpu.memory_space<hbm>>) dst(%arg13 : memref<64x768xf32, #tpu.memory_space<vmem>>)
    "tpu.region"() ({
      %run_scoped3A = tpu.sem_alloc : memref<!tpu.dma_semaphore, #tpu.memory_space<semaphore_mem>>
      %dma_start3A_130 = arith.constant 0 : i32
      %dma_start3A_131 = tpu.memref_slice %arg8[%add3A_115, %dma_start3A_130] : memref<8192x768xf32, #tpu.memory_space<hbm>> -> memref<64x768xf32, #tpu.memory_space<hbm>>
      %dma_start3A_132 = arith.constant 0 : i32
      %dma_start3A_133 = tpu.memref_slice %arg8[%add3A_115, %dma_start3A_132] : memref<8192x768xf32, #tpu.memory_space<hbm>> -> memref<64x768xf32, #tpu.memory_space<hbm>>
      tpu.enqueue_dma source(%arg13 : memref<64x768xf32, #tpu.memory_space<vmem>>) target(%dma_start3A_133 : memref<64x768xf32, #tpu.memory_space<hbm>>) target_semaphore(%run_scoped3A : memref<!tpu.dma_semaphore, #tpu.memory_space<semaphore_mem>>)
      %dma_wait3A_134 = arith.constant 0 : i32
      %dma_wait3A_135 = tpu.memref_slice %arg8[%add3A_115, %dma_wait3A_134] : memref<8192x768xf32, #tpu.memory_space<hbm>> -> memref<64x768xf32, #tpu.memory_space<hbm>>
      %dma_wait3A_136 = arith.constant 0 : i32
      %dma_wait3A_137 = tpu.memref_slice %arg8[%add3A_115, %dma_wait3A_136] : memref<8192x768xf32, #tpu.memory_space<hbm>> -> memref<64x768xf32, #tpu.memory_space<hbm>>
      tpu.wait_dma2 semaphore(%run_scoped3A : memref<!tpu.dma_semaphore, #tpu.memory_space<semaphore_mem>>) src(%arg13 : memref<64x768xf32, #tpu.memory_space<vmem>>) dst(%dma_wait3A_137 : memref<64x768xf32, #tpu.memory_space<hbm>>)
      tpu.yield
    }) : () -> ()
    %dma_wait3A_119 = arith.constant 0 : i32
    %dma_wait3A_120 = arith.constant 0 : i32
    %dma_wait3A_121 = tpu.memref_slice %arg4[%dma_wait3A_119, %dma_wait3A_120] : memref<1000x128xf32, #tpu.memory_space<hbm>> -> memref<1000x128xf32, #tpu.memory_space<hbm>>
    tpu.wait_indirect_dma semaphore(%arg21 : memref<!tpu.dma_semaphore, #tpu.memory_space<semaphore_mem>>) src(%dma_wait3A_121 : memref<1000x128xf32, #tpu.memory_space<hbm>>) dst(%arg16 : memref<64x128xf32, #tpu.memory_space<vmem>>)
    %dma_wait3A_122 = arith.constant 0 : i32
    %dma_wait3A_123 = arith.constant 0 : i32
    %dma_wait3A_124 = tpu.memref_slice %arg6[%dma_wait3A_122, %dma_wait3A_123] : memref<1000x128xf32, #tpu.memory_space<hbm>> -> memref<1000x128xf32, #tpu.memory_space<hbm>>
    tpu.wait_indirect_dma semaphore(%arg22 : memref<!tpu.dma_semaphore, #tpu.memory_space<semaphore_mem>>) src(%dma_wait3A_124 : memref<1000x128xf32, #tpu.memory_space<hbm>>) dst(%arg17 : memref<64x128xf32, #tpu.memory_space<vmem>>)
    %scan3A_125 = arith.constant 0 : i32
    %scan3A_126 = arith.constant 64 : i32
    %scan3A_127 = arith.addi %scan3A_125, %scan3A_126 : i32
    %scan3A_128 = arith.constant 1 : i32
    scf.for %scan3A_130 = %scan3A_125 to %scan3A_127 step %scan3A_128  : i32 {
      %mul3A_131 = arith.constant 1 : i32
      %mul3A_132 = arith.muli %scan3A_130, %mul3A_131 : i32
      %add3A_133 = arith.constant 0 : i32
      %add3A_134 = arith.addi %add3A_133, %mul3A_132 : i32
      %get3A = arith.index_cast %add3A_134 : i32 to index
      %get3A_135 = arith.constant 0 : index
      %get3A_136 = tpu.vector_load %arg16[%get3A, %get3A_135] {strides = array<i32>} : memref<64x128xf32, #tpu.memory_space<vmem>>, vector<1x16xf32>,
      %get3A_137 = vector.shape_cast %get3A_136 : vector<1x16xf32> to vector<1x16xf32>
      %get3A_138 = arith.index_cast %add3A_134 : i32 to index
      %get3A_139 = arith.constant 0 : index
      %get3A_140 = tpu.vector_load %arg17[%get3A_138, %get3A_139] {strides = array<i32>} : memref<64x128xf32, #tpu.memory_space<vmem>>, vector<1x16xf32>,
      %get3A_141 = vector.shape_cast %get3A_140 : vector<1x16xf32> to vector<1x16xf32>
      %add3A_142 = arith.addf %get3A_137, %get3A_141 : vector<1x16xf32>
      %swap3A = arith.index_cast %add3A_134 : i32 to index
      %swap3A_143 = arith.constant 0 : index
      %swap3A_144 = tpu.vector_load %arg18[%swap3A, %swap3A_143] {strides = array<i32>} : memref<64x128xf32, #tpu.memory_space<vmem>>, vector<1x16xf32>,
      %swap3A_145 = vector.shape_cast %swap3A_144 : vector<1x16xf32> to vector<1x16xf32>
      %swap3A_146 = vector.shape_cast %add3A_142 : vector<1x16xf32> to vector<1x16xf32>
      tpu.vector_store %arg18[%swap3A, %swap3A_143], %swap3A_146 {strides = array<i32>} : memref<64x128xf32, #tpu.memory_space<vmem>>, vector<1x16xf32>,
      %mul3A_147 = arith.mulf %get3A_137, %get3A_141 : vector<1x16xf32>
      %swap3A_148 = arith.index_cast %add3A_134 : i32 to index
      %swap3A_149 = arith.constant 64 : index
      %swap3A_150 = tpu.vector_load %arg18[%swap3A_148, %swap3A_149] {strides = array<i32>} : memref<64x128xf32, #tpu.memory_space<vmem>>, vector<1x16xf32>,
      %swap3A_151 = vector.shape_cast %swap3A_150 : vector<1x16xf32> to vector<1x16xf32>
      %swap3A_152 = vector.shape_cast %mul3A_147 : vector<1x16xf32> to vector<1x16xf32>
      tpu.vector_store %arg18[%swap3A_148, %swap3A_149], %swap3A_152 {strides = array<i32>} : memref<64x128xf32, #tpu.memory_space<vmem>>, vector<1x16xf32>,
      %get3A_153 = arith.index_cast %add3A_134 : i32 to index
      %get3A_154 = arith.constant 16 : index
      %get3A_155 = tpu.vector_load %arg16[%get3A_153, %get3A_154] {strides = array<i32>} : memref<64x128xf32, #tpu.memory_space<vmem>>, vector<1x16xf32>,
      %get3A_156 = vector.shape_cast %get3A_155 : vector<1x16xf32> to vector<1x16xf32>
      %get3A_157 = arith.index_cast %add3A_134 : i32 to index
      %get3A_158 = arith.constant 16 : index
      %get3A_159 = tpu.vector_load %arg17[%get3A_157, %get3A_158] {strides = array<i32>} : memref<64x128xf32, #tpu.memory_space<vmem>>, vector<1x16xf32>,
      %get3A_160 = vector.shape_cast %get3A_159 : vector<1x16xf32> to vector<1x16xf32>
      %add3A_161 = arith.addf %get3A_156, %get3A_160 : vector<1x16xf32>
      %swap3A_162 = arith.index_cast %add3A_134 : i32 to index
      %swap3A_163 = arith.constant 16 : index
      %swap3A_164 = tpu.vector_load %arg18[%swap3A_162, %swap3A_163] {strides = array<i32>} : memref<64x128xf32, #tpu.memory_space<vmem>>, vector<1x16xf32>,
      %swap3A_165 = vector.shape_cast %swap3A_164 : vector<1x16xf32> to vector<1x16xf32>
      %swap3A_166 = vector.shape_cast %add3A_161 : vector<1x16xf32> to vector<1x16xf32>
      tpu.vector_store %arg18[%swap3A_162, %swap3A_163], %swap3A_166 {strides = array<i32>} : memref<64x128xf32, #tpu.memory_space<vmem>>, vector<1x16xf32>,
      %mul3A_167 = arith.mulf %get3A_156, %get3A_160 : vector<1x16xf32>
      %swap3A_168 = arith.index_cast %add3A_134 : i32 to index
      %swap3A_169 = arith.constant 80 : index
      %swap3A_170 = tpu.vector_load %arg18[%swap3A_168, %swap3A_169] {strides = array<i32>} : memref<64x128xf32, #tpu.memory_space<vmem>>, vector<1x16xf32>,
      %swap3A_171 = vector.shape_cast %swap3A_170 : vector<1x16xf32> to vector<1x16xf32>
      %swap3A_172 = vector.shape_cast %mul3A_167 : vector<1x16xf32> to vector<1x16xf32>
      tpu.vector_store %arg18[%swap3A_168, %swap3A_169], %swap3A_172 {strides = array<i32>} : memref<64x128xf32, #tpu.memory_space<vmem>>, vector<1x16xf32>,
      %get3A_173 = arith.index_cast %add3A_134 : i32 to index
      %get3A_174 = arith.constant 32 : index
      %get3A_175 = tpu.vector_load %arg16[%get3A_173, %get3A_174] {strides = array<i32>} : memref<64x128xf32, #tpu.memory_space<vmem>>, vector<1x16xf32>,
      %get3A_176 = vector.shape_cast %get3A_175 : vector<1x16xf32> to vector<1x16xf32>
      %get3A_177 = arith.index_cast %add3A_134 : i32 to index
      %get3A_178 = arith.constant 32 : index
      %get3A_179 = tpu.vector_load %arg17[%get3A_177, %get3A_178] {strides = array<i32>} : memref<64x128xf32, #tpu.memory_space<vmem>>, vector<1x16xf32>,
      %get3A_180 = vector.shape_cast %get3A_179 : vector<1x16xf32> to vector<1x16xf32>
      %add3A_181 = arith.addf %get3A_176, %get3A_180 : vector<1x16xf32>
      %swap3A_182 = arith.index_cast %add3A_134 : i32 to index
      %swap3A_183 = arith.constant 32 : index
      %swap3A_184 = tpu.vector_load %arg18[%swap3A_182, %swap3A_183] {strides = array<i32>} : memref<64x128xf32, #tpu.memory_space<vmem>>, vector<1x16xf32>,
      %swap3A_185 = vector.shape_cast %swap3A_184 : vector<1x16xf32> to vector<1x16xf32>
      %swap3A_186 = vector.shape_cast %add3A_181 : vector<1x16xf32> to vector<1x16xf32>
      tpu.vector_store %arg18[%swap3A_182, %swap3A_183], %swap3A_186 {strides = array<i32>} : memref<64x128xf32, #tpu.memory_space<vmem>>, vector<1x16xf32>,
      %mul3A_187 = arith.mulf %get3A_176, %get3A_180 : vector<1x16xf32>
      %swap3A_188 = arith.index_cast %add3A_134 : i32 to index
      %swap3A_189 = arith.constant 96 : index
      %swap3A_190 = tpu.vector_load %arg18[%swap3A_188, %swap3A_189] {strides = array<i32>} : memref<64x128xf32, #tpu.memory_space<vmem>>, vector<1x16xf32>,
      %swap3A_191 = vector.shape_cast %swap3A_190 : vector<1x16xf32> to vector<1x16xf32>
      %swap3A_192 = vector.shape_cast %mul3A_187 : vector<1x16xf32> to vector<1x16xf32>
      tpu.vector_store %arg18[%swap3A_188, %swap3A_189], %swap3A_192 {strides = array<i32>} : memref<64x128xf32, #tpu.memory_space<vmem>>, vector<1x16xf32>,
      %get3A_193 = arith.index_cast %add3A_134 : i32 to index
      %get3A_194 = arith.constant 48 : index
      %get3A_195 = tpu.vector_load %arg16[%get3A_193, %get3A_194] {strides = array<i32>} : memref<64x128xf32, #tpu.memory_space<vmem>>, vector<1x16xf32>,
      %get3A_196 = vector.shape_cast %get3A_195 : vector<1x16xf32> to vector<1x16xf32>
      %get3A_197 = arith.index_cast %add3A_134 : i32 to index
      %get3A_198 = arith.constant 48 : index
      %get3A_199 = tpu.vector_load %arg17[%get3A_197, %get3A_198] {strides = array<i32>} : memref<64x128xf32, #tpu.memory_space<vmem>>, vector<1x16xf32>,
      %get3A_200 = vector.shape_cast %get3A_199 : vector<1x16xf32> to vector<1x16xf32>
      %add3A_201 = arith.addf %get3A_196, %get3A_200 : vector<1x16xf32>
      %swap3A_202 = arith.index_cast %add3A_134 : i32 to index
      %swap3A_203 = arith.constant 48 : index
      %swap3A_204 = tpu.vector_load %arg18[%swap3A_202, %swap3A_203] {strides = array<i32>} : memref<64x128xf32, #tpu.memory_space<vmem>>, vector<1x16xf32>,
      %swap3A_205 = vector.shape_cast %swap3A_204 : vector<1x16xf32> to vector<1x16xf32>
      %swap3A_206 = vector.shape_cast %add3A_201 : vector<1x16xf32> to vector<1x16xf32>
      tpu.vector_store %arg18[%swap3A_202, %swap3A_203], %swap3A_206 {strides = array<i32>} : memref<64x128xf32, #tpu.memory_space<vmem>>, vector<1x16xf32>,
      %mul3A_207 = arith.mulf %get3A_196, %get3A_200 : vector<1x16xf32>
      %swap3A_208 = arith.index_cast %add3A_134 : i32 to index
      %swap3A_209 = arith.constant 112 : index
      %swap3A_210 = tpu.vector_load %arg18[%swap3A_208, %swap3A_209] {strides = array<i32>} : memref<64x128xf32, #tpu.memory_space<vmem>>, vector<1x16xf32>,
      %swap3A_211 = vector.shape_cast %swap3A_210 : vector<1x16xf32> to vector<1x16xf32>
      %swap3A_212 = vector.shape_cast %mul3A_207 : vector<1x16xf32> to vector<1x16xf32>
      tpu.vector_store %arg18[%swap3A_208, %swap3A_209], %swap3A_212 {strides = array<i32>} : memref<64x128xf32, #tpu.memory_space<vmem>>, vector<1x16xf32>,
    }
    %scan3A_129 = arith.constant 64 : i32
    "tpu.region"() ({
      %run_scoped3A = tpu.sem_alloc : memref<!tpu.dma_semaphore, #tpu.memory_space<semaphore_mem>>
      %dma_start3A_130 = arith.constant 0 : i32
      %dma_start3A_131 = tpu.memref_slice %arg9[%add3A_115, %dma_start3A_130] : memref<8192x128xf32, #tpu.memory_space<hbm>> -> memref<64x128xf32, #tpu.memory_space<hbm>>
      %dma_start3A_132 = arith.constant 0 : i32
      %dma_start3A_133 = tpu.memref_slice %arg9[%add3A_115, %dma_start3A_132] : memref<8192x128xf32, #tpu.memory_space<hbm>> -> memref<64x128xf32, #tpu.memory_space<hbm>>
      tpu.enqueue_dma source(%arg18 : memref<64x128xf32, #tpu.memory_space<vmem>>) target(%dma_start3A_133 : memref<64x128xf32, #tpu.memory_space<hbm>>) target_semaphore(%run_scoped3A : memref<!tpu.dma_semaphore, #tpu.memory_space<semaphore_mem>>)
      %dma_wait3A_134 = arith.constant 0 : i32
      %dma_wait3A_135 = tpu.memref_slice %arg9[%add3A_115, %dma_wait3A_134] : memref<8192x128xf32, #tpu.memory_space<hbm>> -> memref<64x128xf32, #tpu.memory_space<hbm>>
      %dma_wait3A_136 = arith.constant 0 : i32
      %dma_wait3A_137 = tpu.memref_slice %arg9[%add3A_115, %dma_wait3A_136] : memref<8192x128xf32, #tpu.memory_space<hbm>> -> memref<64x128xf32, #tpu.memory_space<hbm>>
      tpu.wait_dma2 semaphore(%run_scoped3A : memref<!tpu.dma_semaphore, #tpu.memory_space<semaphore_mem>>) src(%arg18 : memref<64x128xf32, #tpu.memory_space<vmem>>) dst(%dma_wait3A_137 : memref<64x128xf32, #tpu.memory_space<hbm>>)
      tpu.yield
    }) : () -> ()
    return
  }
}

module attributes {stable_mosaic.version = 14 : i64} {
  func.func @_tc_body(%arg0: i32, %arg1: memref<2048x768xf32, #tpu.memory_space<vmem>>, %arg2: memref<2048x128xf32, #tpu.memory_space<vmem>>, %arg3: memref<64x768xf32, #tpu.memory_space<vmem>>, %arg4: memref<1x64xf32, #tpu.memory_space<vmem>>, %arg5: memref<2x64xf32, #tpu.memory_space<vmem>>, %arg6: memref<2x1xf32, #tpu.memory_space<vmem>>, %arg7: memref<2x2048xf32, #tpu.memory_space<vmem>>) attributes {dimension_semantics = [#tpu.dimension_semantics<arbitrary>], iteration_bounds = array<i64: 4>, scalar_prefetch = 0 : i64, scratch_operands = 0 : i64, tpu.core_type = #tpu.core_type<tc>, window_params = [{transform_indices = @transform_0, window_bounds = array<i64: 2048, 768>}, {transform_indices = @transform_1, window_bounds = array<i64: 2048, 128>}, {pipeline_mode = #tpu.pipeline_mode<synchronous>, transform_indices = @transform_2, window_bounds = array<i64: 64, 768>}, {pipeline_mode = #tpu.pipeline_mode<synchronous>, transform_indices = @transform_3, window_bounds = array<i64: 1, 64>}, {pipeline_mode = #tpu.pipeline_mode<synchronous>, transform_indices = @transform_4, window_bounds = array<i64: 2, 64>}, {pipeline_mode = #tpu.pipeline_mode<synchronous>, transform_indices = @transform_5, window_bounds = array<i64: 2, 1>}, {transform_indices = @transform_6, window_bounds = array<i64: 2, 2048>}]} {
    %get3A = arith.constant 0 : index
    %get3A_0 = arith.constant 0 : index
    %get3A_1 = vector.load %arg1[%get3A, %get3A_0] : memref<2048x768xf32, #tpu.memory_space<vmem>>, vector<2048x768xf32>
    %get3A_2 = arith.constant 0 : index
    %get3A_3 = arith.constant 0 : index
    %get3A_4 = vector.load %arg3[%get3A_2, %get3A_3] : memref<64x768xf32, #tpu.memory_space<vmem>>, vector<64x768xf32>
    %dot_general3A = arith.constant dense<0.000000e+00> : vector<2048x64xf32>
    %dot_general3A_5 = tpu.matmul %get3A_1, %get3A_4, %dot_general3A {dimension_numbers = #tpu.dot_dimension_numbers<[1], [1], [0], [0], [0, 0, 1, 0], [], []>, transpose_lhs_hint = false} : vector<2048x768xf32>, vector<64x768xf32>, vector<2048x64xf32> -> vector<2048x64xf32>
    %get3A_6 = arith.constant 0 : index
    %get3A_7 = arith.constant 0 : index
    %get3A_8 = vector.load %arg4[%get3A_6, %get3A_7] : memref<1x64xf32, #tpu.memory_space<vmem>>, vector<1x64xf32>
    %add3A = vector.broadcast %get3A_8 : vector<1x64xf32> to vector<2048x64xf32>
    %add3A_9 = arith.addf %dot_general3A_5, %add3A : vector<2048x64xf32>
    %get3A_10 = arith.constant 0 : index
    %get3A_11 = arith.constant 0 : index
    %get3A_12 = vector.load %arg2[%get3A_10, %get3A_11] : memref<2048x128xf32, #tpu.memory_space<vmem>>, vector<2048x64xf32>
    %mul3A = arith.mulf %add3A_9, %get3A_12 : vector<2048x64xf32>
    %get3A_13 = arith.constant 0 : index
    %get3A_14 = arith.constant 64 : index
    %get3A_15 = vector.load %arg2[%get3A_13, %get3A_14] : memref<2048x128xf32, #tpu.memory_space<vmem>>, vector<2048x64xf32>
    %add3A_16 = arith.addf %mul3A, %get3A_15 : vector<2048x64xf32>
    %get3A_17 = arith.constant 0 : index
    %get3A_18 = arith.constant 0 : index
    %get3A_19 = vector.load %arg5[%get3A_17, %get3A_18] : memref<2x64xf32, #tpu.memory_space<vmem>>, vector<2x64xf32>
    %dot_general3A_20 = arith.constant dense<0.000000e+00> : vector<2x2048xf32>
    %dot_general3A_21 = tpu.matmul %get3A_19, %add3A_16, %dot_general3A_20 {dimension_numbers = #tpu.dot_dimension_numbers<[1], [1], [0], [0], [0, 0, 1, 0], [], []>, transpose_lhs_hint = false} : vector<2x64xf32>, vector<2048x64xf32>, vector<2x2048xf32> -> vector<2x2048xf32>
    %get3A_22 = arith.constant 0 : index
    %get3A_23 = arith.constant 0 : index
    %get3A_24 = vector.load %arg6[%get3A_22, %get3A_23] : memref<2x1xf32, #tpu.memory_space<vmem>>, vector<2x1xf32>
    %add3A_25 = vector.broadcast %get3A_24 : vector<2x1xf32> to vector<2x2048xf32>
    %add3A_26 = arith.addf %dot_general3A_21, %add3A_25 : vector<2x2048xf32>
    %swap3A = arith.constant 0 : index
    %swap3A_27 = arith.constant 0 : index
    %swap3A_28 = vector.load %arg7[%swap3A, %swap3A_27] : memref<2x2048xf32, #tpu.memory_space<vmem>>, vector<2x2048xf32>
    tpu.vector_store %arg7[%swap3A, %swap3A_27], %add3A_26 {strides = array<i32>} : memref<2x2048xf32, #tpu.memory_space<vmem>>, vector<2x2048xf32>,
    return
  }
  func.func @transform_0(%arg0: i32) -> (i32, i32) {
    %c0_i32 = arith.constant 0 : i32
    %c0_i32_0 = arith.constant 0 : i32
    return %arg0, %c0_i32 : i32, i32
  }
  func.func @transform_1(%arg0: i32) -> (i32, i32) {
    %c0_i32 = arith.constant 0 : i32
    %c0_i32_0 = arith.constant 0 : i32
    return %arg0, %c0_i32 : i32, i32
  }
  func.func @transform_2(%arg0: i32) -> (i32, i32) {
    %c0_i32 = arith.constant 0 : i32
    %c0_i32_0 = arith.constant 0 : i32
    %c0_i32_1 = arith.constant 0 : i32
    return %c0_i32, %c0_i32_0 : i32, i32
  }
  func.func @transform_3(%arg0: i32) -> (i32, i32) {
    %c0_i32 = arith.constant 0 : i32
    %c0_i32_0 = arith.constant 0 : i32
    %c0_i32_1 = arith.constant 0 : i32
    return %c0_i32, %c0_i32_0 : i32, i32
  }
  func.func @transform_4(%arg0: i32) -> (i32, i32) {
    %c0_i32 = arith.constant 0 : i32
    %c0_i32_0 = arith.constant 0 : i32
    %c0_i32_1 = arith.constant 0 : i32
    return %c0_i32, %c0_i32_0 : i32, i32
  }
  func.func @transform_5(%arg0: i32) -> (i32, i32) {
    %c0_i32 = arith.constant 0 : i32
    %c0_i32_0 = arith.constant 0 : i32
    %c0_i32_1 = arith.constant 0 : i32
    return %c0_i32, %c0_i32_0 : i32, i32
  }
  func.func @transform_6(%arg0: i32) -> (i32, i32) {
    %c0_i32 = arith.constant 0 : i32
    %c0_i32_0 = arith.constant 0 : i32
    return %c0_i32, %arg0 : i32, i32
  }
}

</mosaic_0001>

<sc_bundles>
// kernel: kernel.6.cloned.1.call-start
scs
__scs_entry_jumppad:
0x0: {  	(pc) =	sbr.rel $0x88, $3  }
0x1: {  	(tag) =	ssettag $0x0;
	lr =	simm.s32 $0x1  }
0x2: {  	[smem:$0x3F97] =	sst lr;
	_ =	strace $0xD0000000  }
0x3: {  	_ = 	snop  }
0x4: {  	_ = 	snop  }
0x5: {  	_ = 	snop  }
0x6: {  	_ = 	snop  }
0x7: {  	_ = 	snop  }
__scs_overlays_trampoline_lowered:
0x8: {  	[smem:$0x3FA6] =	sst s0  }
0x9: {  	[smem:$0x3FA7] =	sst s1  }
0xa: {  	[smem:$0x3FA8] =	sst s2  }
0xb: {  	[smem:$0x3FA9] =	sst s3  }
0xc: {  	[smem:$0x3FAA] =	sst s4  }
0xd: {  	[smem:$0x3FAB] =	sst s5  }
0xe: {  	[smem:$0x3FAC] =	sst s6  }
0xf: {  	[smem:$0x3FAD] =	sst s7  }
0x10: {  	[smem:$0x3FAE] =	sst s8  }
0x11: {  	[smem:$0x3FAF] =	sst s9;
	s0 =	simm.s32 @!p0 $0x0  }
0x12: {  	s1 =	sld [smem:$0x3F95];
	s0 =	simm.s32 @p0 $0x1  }
0x13: {  	[smem:$0x3FB0] =	sst s0;
	s0 =	simm.s32 @!p1 $0x0  }
0x14: {  	s2 =	sld [smem:$0x3F94];
	s0 =	simm.s32 @p1 $0x1  }
0x15: {  	[smem:$0x3FB1] =	sst s0;
	s0 =	simm.s32 @!p2 $0x0  }
0x16: {  	s3 =	sld [smem:$0x3FDB];
	s0 =	simm.s32 @p2 $0x1  }
0x17: {  	s4 =	simm.s32 $0x1BF5;
	[smem:$0x3FB3] =	sst s0  }
0x18: {  	s0 =	sld [smem:$0x3F96];
	_ =	swait.ge [sflag:s4], $0x0  }
0x19: {  	s7 =	sld [smem:$0x3F97]  }
0x1a: {  	s8 =	sadd.s32 $0xFFFFE003, lr  }
0x1b: {  	s9 =	sadd.s32 $0xFFFFFEF7, lr;
	s5 =	simm.s32 $0xFFFFFFFF;
	p2 =	slt.u32 s8, $0xFFFFF086  }
0x1c: {  	p1 =	slt.u32 s9, $0xF7A;
	s5 =	simm.s32 @!p2 $0x0  }
0x1d: {  	s5 =	simm.s32 @p1 $0x1;
	p0 =	seq.s32 s7, s2  }
0x1e: {  	s7 =	smul.u32 @!p0 $0xF7A, s2;
	p2 =	seq.s32 @!p0 s5, $0x0  }
0x1f: {  	s9 =	smul.u32 $0xF7A, s1;
	s8 =	simm.s32 @!p0 $0x1BF5;
	p2 =	por !p2, p0  }
0x20: {  	[sflag:s8] =	ssyncset.s32 @!p0 $0xFFFFF086;
	s6 =	sadd.s32 @!p0 s3, s7;
	s7 =	simm.s32 @!p0 $0x108  }
0x21: {  	s3 =	sadd.s32 s3, s9;
	s6 =	sadd.s32 @!p0 $0x88, s6;
	s7 =	simm.s32 @p2 $0x1082  }
0x22: {  	[simem:s7], [sflag:s8] =	dma.local @!p0 [hbm:s6], $0xF7A  }
0x23: {  	s9 =	sor.u32 $0xD0000000, s2;
	s6 =	simm.s32 $0x108;
	_ =	swait.ge @!p0 [sflag:s8], $0x0  }
0x24: {  	s3 =	sadd.s32 $0x88, s3;
	s6 =	simm.s32 @!p1 $0x1082;
	[sflag:s4] =	ssyncset.s32 $0xFFFFF086  }
0x25: {  	[simem:s6], [sflag:s4] =	dma.local [hbm:s3], $0xF7A  }
0x26: {  	[smem:$0x3F97] =	sst s1;
	(tag) =	ssettag s2;
	_ =	strace s9  }
0x27: {  	s1 =	sld [smem:$0x3FA7]  }
0x28: {  	s2 =	sld [smem:$0x3FA8]  }
0x29: {  	s4 =	sld [smem:$0x3FAA]  }
0x2a: {  	p0 =	seq.s32 s5, $0x0;
	s5 =	sld [smem:$0x3FAB]  }
0x2b: {  	s6 =	sld [smem:$0x3FAC]  }
0x2c: {  	s7 =	sld [smem:$0x3FAD]  }
0x2d: {  	s3 =	simm.s32 $0x108;
	s8 =	sld [smem:$0x3FAE]  }
0x2e: {  	s3 =	simm.s32 @!p0 $0x1082;
	s9 =	sld [smem:$0x3FAF]  }
0x2f: {  	lr =	sadd.s32 s0, s3;
	s0 =	sld [smem:$0x3FA6]  }
0x30: {  	s3 =	sld [smem:$0x3FA9]  }
0x31: {  	[smem:$0x3FB2] =	sst s10  }
0x32: {  	s10 =	sld [smem:$0x3FB0];
	_ =	sdelay $0x3  }
0x33: {  	p0 =	seq.s32 s10, $0x1;
	s10 =	sld [smem:$0x3FB2];
	_ =	sdelay $0x3  }
0x34: {  	[smem:$0x3FB2] =	sst s10  }
0x35: {  	s10 =	sld [smem:$0x3FB1];
	_ =	sdelay $0x3  }
0x36: {  	p1 =	seq.s32 s10, $0x1;
	s10 =	sld [smem:$0x3FB2];
	_ =	sdelay $0x3  }
0x37: {  	[smem:$0x3FB2] =	sst s10  }
0x38: {  	s10 =	sld [smem:$0x3FB3]  }
0x39: {  	_ = 	snop;
	(pc) =	sbr.ind lr, $3  }
0x3a: {  	_ = 	snop  }
0x3b: {  	_ = 	snop  }
0x3c: {  	p2 =	seq.s32 s10, $0x1;
	s10 =	sld [smem:$0x3FB2]  }
0x3d: {  	_ =	shalt  }
0x3e: {  	_ =	shalt  }
0x3f: {  	_ =	shalt  }
0x40: {  	_ =	shalt  }
0x41: {  	_ =	shalt  }
0x42: {  	_ =	shalt  }
0x43: {  	_ =	shalt  }
0x44: {  	_ =	shalt  }
0x45: {  	_ =	shalt  }
0x46: {  	_ =	shalt  }
0x47: {  	_ =	shalt  }
0x48: {  	_ =	shalt  }
0x49: {  	_ =	shalt  }
0x4a: {  	_ =	shalt  }
0x4b: {  	_ =	shalt  }
0x4c: {  	_ =	shalt  }
0x4d: {  	_ =	shalt  }
0x4e: {  	_ =	shalt  }
0x4f: {  	_ =	shalt  }
0x50: {  	_ =	shalt  }
0x51: {  	_ =	shalt  }
0x52: {  	_ =	shalt  }
0x53: {  	_ =	shalt  }
0x54: {  	_ =	shalt  }
0x55: {  	_ =	shalt  }
0x56: {  	_ =	shalt  }
0x57: {  	_ =	shalt  }
0x58: {  	_ =	shalt  }
0x59: {  	_ =	shalt  }
0x5a: {  	_ =	shalt  }
0x5b: {  	_ =	shalt  }
0x5c: {  	_ =	shalt  }
0x5d: {  	_ =	shalt  }
0x5e: {  	_ =	shalt  }
0x5f: {  	_ =	shalt  }
0x60: {  	_ =	shalt  }
0x61: {  	_ =	shalt  }
0x62: {  	_ =	shalt  }
0x63: {  	_ =	shalt  }
0x64: {  	_ =	shalt  }
0x65: {  	_ =	shalt  }
0x66: {  	_ =	shalt  }
0x67: {  	_ =	shalt  }
0x68: {  	_ =	shalt  }
0x69: {  	_ =	shalt  }
0x6a: {  	_ =	shalt  }
0x6b: {  	_ =	shalt  }
0x6c: {  	_ =	shalt  }
0x6d: {  	_ =	shalt  }
0x6e: {  	_ =	shalt  }
0x6f: {  	_ =	shalt  }
0x70: {  	_ =	shalt  }
0x71: {  	_ =	shalt  }
0x72: {  	_ =	shalt  }
0x73: {  	_ =	shalt  }
0x74: {  	_ =	shalt  }
0x75: {  	_ =	shalt  }
0x76: {  	_ =	shalt  }
0x77: {  	_ =	shalt  }
0x78: {  	_ =	shalt  }
0x79: {  	_ =	shalt  }
0x7a: {  	_ =	shalt  }
0x7b: {  	_ =	shalt  }
0x7c: {  	_ =	shalt  }
0x7d: {  	_ =	shalt  }
0x7e: {  	_ =	shalt  }
0x7f: {  	_ =	shalt  }
0x80: {  	_ =	shalt  }
0x81: {  	_ =	shalt  }
0x82: {  	_ =	shalt  }
0x83: {  	_ =	shalt  }
0x84: {  	_ =	shalt  }
0x85: {  	_ =	shalt  }
0x86: {  	_ =	shalt  }
0x87: {  	_ =	shalt  }
.Lfunc_end0:
.L_simem_size_0:
called_computation_lowered:
.L_overlay_start_0:
0x88: {  	s2 =	sld [smem:$0x3FD9]  }
0x89: {  	s3 =	sld [smem:$0x3FFE];
	_ =	sdelay $0x1  }
0x8a: {  	s1 =	srdreg.scid  }
0x8b: {  	s0 =	sand.u32 $0x1, s1  }
0x8c: {  	s17 =	sshll.u32 s0, $0xA;
	s2 =	sadd.s32 s3, s2  }
0x8d: {  	s2 =	sadd.s32 s2, s17  }
0x8e: {  	[smem:$0x3FBE] =	sst s2  }
0x8f: {  	_ = 	snop  }
0x90: {  	s18 =	sld [smem:$0x3FC9]  }
0x91: {  	s5 =	sld [smem:$0x3FC8]  }
0x92: {  	s4 =	sld [smem:$0x3FC7]  }
0x93: {  	s6 =	sld [smem:$0x3FC5];
	(tm) =	ssettm $0x1  }
0x94: {  	s19 =	sld [smem:$0x3FFB];
	_ =	sdelay $0x3  }
0x95: {  	_ =	strace s19  }
0x96: {  	s2 =	sld [smem:$0x3FFC];
	_ =	sdelay $0x3  }
0x97: {  	_ =	strace s2  }
0x98: {  	s2 =	sld [smem:$0x3FFD];
	_ =	sdelay $0x3  }
0x99: {  	_ =	strace s2  }
0x9a: {  	_ =	strace $0x8FFFFFFF  }
0x9b: {  	s20 =	sld [smem:$0x3FDB];
	_ =	sdelay $0x1  }
0x9c: {  	s7 =	simm.s32 $_scs_section_size  }
0x9d: {  	s8 =	simm.s32 $_size__tile_overlayer_lowered;
	s9 =	simm.s32 $_tile_overlayer_lowered  }
0x9e: {  	s10 =	simm.s32 $0x1BFF;
	s21 =	sshll.u32 s9, $0x1;
	s7 =	sadd.s32 s7, s20  }
0x9f: {  	s22 =	simm.s32 $0x0;
	s8 =	sshll.u32 s8, $0x1;
	s9 =	sadd.s32 s21, s7  }
0xa0: {  	[timem:s22], [sflag:s10] =	dma.local [hbm:s9], s8  }
0xa1: {  	_ =	swait.ge [sflag:s10], s8  }
0xa2: {  	s8 =	ssub.s32 $0x0, s8;
	[sflag:s10] =	ssyncset.done $0x0  }
0xa3: {  	[sflag:s10] =	ssyncadd.s32 s8;
	_ =	sdelay $0x1  }
0xa4: {  	s23 =	simm.s32 $0x1B8B  }
0xa5: {  	_ =	swait.ge [sflag:s23], $0x1  }
0xa6: {  	[sflag:s23] =	ssyncset.done $0x0  }
0xa7: {  	[sflag:s23] =	ssyncadd.s32 $0xFFFFFFFF  }
0xa8: {  	s8 =	sld [smem:$0x0]  }
0xa9: {  	s9 =	sand.u32 $0xFFFFFFFE, s1  }
0xaa: {  	p0 =	sne.s32 s1, s9  }
0xab: {  	s9 =	sshll.u32 @p0 s9, $0xE  }
0xac: {  	s9 =	sadd.s32 @p0 $0x11B8D, s9;
	s10 =	sshll.u32 @p0 s8, $0x11  }
0xad: {  	s9 =	sor.u32 @p0 s10, s9  }
0xae: {  	[sflag:s9] =	ssyncadd.remote.s32 @p0 $0x1;
	_ =	sdelay $0x1  }
0xaf: {  	s9 =	simm.s32 @p0 $0x1B8D  }
0xb0: {  	_ =	swait.eq @p0 [sflag:s9], $0x1  }
0xb1: {  	[sflag:s9] =	ssyncadd.s32 @p0 $0xFFFFFFFF  }
0xb2: {  	s10 =	sshll.u32 @!p0 s1, $0xE  }
0xb3: {  	s10 =	sor.u32 @!p0 $0x4000, s10;
	s9 =	simm.s32 @!p0 $0x1B8D  }
0xb4: {  	s8 =	sshll.u32 @!p0 s8, $0x11;
	s10 =	sadd.s32 @!p0 $0x11B8D, s10;
	_ =	swait.eq @!p0 [sflag:s9], $0x1  }
0xb5: {  	s8 =	sor.u32 @!p0 s8, s10;
	[sflag:s9] =	ssyncadd.s32 @!p0 $0xFFFFFFFF  }
0xb6: {  	s25 =	simm.s32 $0x1B8E;
	s24 =	sld [smem:$0x3FFE];
	[sflag:s8] =	ssyncadd.remote.s32 @!p0 $0x1  }
0xb7: {  	s26 =	simm.s32 $execute0_lowered;
	[smem:$0x3FD2] =	sst s25  }
0xb8: {  	s9 =	sshll.u32 s26, $0x1;
	_ =	strace $0x80000049;
	[dreg:$0x1] =	wrdreg $0xFFFFFFFF  }
0xb9: {  	s28 =	simm.s32 $_size_execute0_lowered;
	s7 =	sadd.s32 s7, s9;
	[dreg:$0x0] =	wrdreg $0x0  }
0xba: {  	s9 =	sshll.u32 s28, $0x1;
	[dreg:$0x2] =	wrdreg s7  }
0xbb: {  	[dreg:$0x3] =	wrdreg s9  }
0xbc: {  	[dreg:$0x4] =	wrdreg $0xC0  }
0xbd: {  	_ =	task [dreg:s22], $0x5FFFF  }
0xbe: {  	[dreg:$0x1] =	wrdreg $0xFFFFFFFF  }
0xbf: {  	[dreg:$0x0] =	wrdreg $0x60  }
0xc0: {  	[dreg:$0x2] =	wrdreg s6  }
0xc1: {  	[dreg:$0x3] =	wrdreg s5  }
0xc2: {  	[dreg:$0x4] =	wrdreg s24  }
0xc3: {  	[dreg:$0x5] =	wrdreg s18  }
0xc4: {  	[dreg:$0x6] =	wrdreg s4  }
0xc5: {  	[dreg:$0x7] =	wrdreg $0x9  }
0xc6: {  	_ =	task.clear_ibuf [dreg:s22], $0x8FFFF;
	_ =	strace $0x90000049  }
0xc7: {  	s29 =	simm.s32 $0x9;
	_ =	strace $0x8000004B  }
0xc8: {  	_ =	swait.ge [sflag:s29], $0x1  }
0xc9: {  	[sflag:s29] =	ssyncadd.s32 $0xFFFFFFFF  }
0xca: {  	_ =	strace $0x9000004B  }
0xcb: {  	_ =	sfence  }
0xcc: {  	s30 =	sld [smem:$0x0];
	_ =	sdelay $0x2  }
0xcd: {  	s31 =	sshll.u32 s1, $0xD;
	s1 =	sshrl.u32 s1, $0x2  }
0xce: {  	s4 =	sand.u32 $0x4000, s31;
	s1 =	sadd.s32 s1, s30  }
0xcf: {  	s0 =	sor.u32 s4, s0;
	s1 =	sshll.u32 s1, $0x11  }
0xd0: {  	s0 =	sor.u32 s1, s0  }
0xd1: {  	s0 =	sadd.s32 $0x8F2B, s0  }
0xd2: {  	[sflag:s0] =	ssyncadd.remote.s32 $0x1  }
0xd3: {  	_ =	sfence.sel $0xFFFF  }
0xd4: {  	[dreg:$0x0] =	wrdreg $0xFFFFFFFF;
	(pc) =	sbr.abs _section_cstart, $3  }
0xd5: {  	[dreg:$0x1] =	wrdreg $0xFFFFFFFF  }
0xd6: {  	_ =	task.clear_ibuf [dreg:s22], $0x2FFFF;
	_ =	strace $0x9FFFFFFF  }
0xd7: {  	(tm) =	ssettm $0x7FFFFFFF  }
tec
execute0_lowered:
.L_overlay_start_1:
0x0: {  	(tag) =	ssettag $0x1  }
0x1: {  	s0 =	rddreg [dreg:$0x0]  }
0x2: {  	s1 =	rddreg [dreg:$0x1]  }
0x3: {  	s2 =	rddreg [dreg:$0x2];
	s3 =	srdreg.scid  }
0x4: {  	s4 =	rddreg [dreg:$0x3];
	s6 =	stileid.u32  }
0x5: {  	s7 =	rddreg [dreg:$0x4];
	s30 =	simm.s32 $0x5;
	s31 =	simm.s32 $0x100  }
0x6: {  	s3 =	sand.u32 $0x1, s3;
	s6 =	sshll.u32 s6, $0x9;
	s28 =	sadd.s32 $0x100, s0  }
0x7: {  	s29 =	sadd.s32 $0x200, s0;
	s5 =	ssub.s32 $0x2, s3;
	s3 =	sshll.u32 s3, $0x8  }
0x8: {  	s8 =	sshrl.u32 s5, $0x1;
	s3 =	sor.u32 s3, s6;
	s6 =	sadd.s32 $0x109C00, s2  }
0x9: {  	s5 =	ssub.s32 s5, s8;
	s18 =	sshrl.u32 s3, $0x3;
	s11 =	sor.u32 $0x80, s3  }
0xa: {  	s25 =	sor.u32 $0xC0, s3;
	s9 =	sadd.s32 s1, s18;
	s19 =	sadd.s32 s4, s18  }
0xb: {  	s10 =	sadd.s32 s7, s18;
	s8 =	smul.u32 $0x300, s18;
	[dreg:$0x6] =	wrdreg s9  }
0xc: {  	s21 =	sshrl.u32 s11, $0x3;
	s26 =	sshrl.u32 s25, $0x3;
	[dreg:$0x7] =	wrdreg s19  }
0xd: {  	s25 =	sshll.u32 s25, $0x4;
	[dreg:$0x8] =	wrdreg s10;
	s23 =	sadd.s32 s1, s21  }
0xe: {  	s9 =	sor.u32 $0x40, s3;
	s24 =	sadd.s32 s4, s21;
	[dreg:$0xc] =	wrdreg s23  }
0xf: {  	s14 =	sadd.s32 s7, s21;
	s15 =	sadd.s32 s4, s26;
	[dreg:$0xd] =	wrdreg s24  }
0x10: {  	s16 =	smul.u32 $0x300, s26;
	s17 =	sadd.s32 s7, s26;
	[dreg:$0xe] =	wrdreg s14  }
0x11: {  	s3 =	sshll.u32 s3, $0x4;
	s20 =	sshrl.u32 s9, $0x3;
	[dreg:$0x10] =	wrdreg s15  }
0x12: {  	[dreg:$0x11] =	wrdreg s17;
	s14 =	simm.s32 $0x0;
	s18 =	sadd.s32 s6, s8  }
0x13: {  	s24 =	sshll.u32 s11, $0x4;
	s8 =	simm.s32 $0x15900;
	s11 =	simm.s32 $0x17100  }
0x14: {  	s15 =	simm.s32 $0x3;
	s17 =	simm.s32 $0x1C200;
	s12 =	sadd.s32 s1, s20  }
0x15: {  	s13 =	sadd.s32 s4, s20;
	s22 =	sadd.s32 s7, s20;
	[dreg:$0x12] =	wrdreg s18  }
0x16: {  	s10 =	smul.u32 $0x300, s20;
	s1 =	sadd.s32 s1, s26;
	[smem:$0x7FF] =	sst s14  }
0x17: {  	s26 =	smax.u32 s5, $0x1;
	s4 =	simm.s32 $0x18180;
	[dreg:$0x9] =	wrdreg s12  }
0x18: {  	s5 =	simm.s32 $0x1A200;
	s7 =	simm.s32 $0xC100;
	[dreg:$0xa] =	wrdreg s13  }
0x19: {  	s18 =	simm.s32 $0x2;
	[dreg:$0xb] =	wrdreg s22;
	s12 =	smul.u32 $0x300, s21  }
0x1a: {  	[dreg:$0xf] =	wrdreg s1;
	s1 =	sadd.s32 s6, s16;
	s21 =	sadd.s32 $0xE9C00, s2  }
0x1b: {  	s22 =	sshll.u32 s9, $0x4;
	s9 =	simm.s32 $0x16100;
	s13 =	simm.s32 $0x1  }
0x1c: {  	s16 =	simm.s32 $0x4;
	s19 =	sadd.s32 s6, s10;
	[dreg:$0x15] =	wrdreg s1  }
0x1d: {  	s3 =	sadd.s32 s21, s3;
	s23 =	sadd.s32 s21, s22;
	[dreg:$0x13] =	wrdreg s19  }
0x1e: {  	s1 =	sadd.s32 s21, s25;
	s25 =	sadd.s32 $0x5C00, s2;
	[dreg:$0x16] =	wrdreg s3  }
0x1f: {  	s22 =	simm.s32 $0x18100;
	s10 =	simm.s32 $0x16900;
	[dreg:$0x17] =	wrdreg s23  }
0x20: {  	s20 =	sadd.s32 s6, s12;
	s3 =	sadd.s32 s21, s24;
	[dreg:$0x19] =	wrdreg s1  }
0x21: {  	s24 =	sadd.s32 $0x1C00, s2;
	s23 =	simm.s32 $0x18200;
	s2 =	simm.s32 $0x14100  }
0x22: {  	v2 =	vlaneseq.u32;
	s6 =	simm.s32 $0x14900;
	s12 =	simm.s32 $0x17900;
	[dreg:$0x14] =	wrdreg s20  }
0x23: {  	vm0 =	vmmov $0xffff;
	v1 =	vshrl.u32 v2, $0x3;
	[dreg:$0x18] =	wrdreg s3;
	s3 =	simm.s32 $0x40;
	s20 =	simm.s32 $0x0  }
0x24: {  	v0 =	vand.u32 $0x7, v2;
	v2 =	vor.u32 $0x8, v2;
	v1 =	vmul.u32 $0x8, v1;
	_ =	strace $0x8000004A;
	[dreg:$0x1a] =	wrdreg s26;
	s26 =	simm.s32 $0x15100  }
.LBB2_1:
0x25: {  	s1 =	rddreg [dreg:$0x6]  }
0x26: {  	[tilespmem:s14], [sflag:$0x5] =	stream.linear.gather [hbm4b:s1+s14], $0x40, $0x38;
	[tilespmem:$0x1E200] =	vst v63  }
0x27: {  	_ =	swait.ge [sflag:s30], $0x40  }
0x28: {  	[sflag:s30] =	ssyncset.done $0x0  }
0x29: {  	[sflag:s30] =	ssyncadd.s32 $0xFFFFFFC0  }
0x2a: {  	v3 =	vld [tilespmem:$0x0];
	_ =	sdelay $0x4  }
0x2b: {  	v4 =	vshrl.u32 v3, $0x3  }
0x2c: {  	v4 =	vmul.u32 $0x30, v4  }
0x2d: {  	v3 =	vand.u32 $0x7, v3  }
0x2e: {  	v3 =	vor.u32 v3, v4  }
0x2f: {  	v4 =	vperm.xlane v3, v0;
	_ =	sdelay $0x1  }
0x30: {  	v4 =	vadd.s32 v1, v4;
	_ =	sdelay $0x3  }
0x31: {  	v3 =	vperm.xlane v3, v2  }
0x32: {  	[tilespmem:s31], [sflag:$0x1] =	stream.indirect_vreg.gather [hbm4b:s0+s14], $0x80, v4, vm0, $0xb8;
	[tilespmem:$0x1E200] =	vst v63  }
0x33: {  	s19 =	simm.s32 $0x900;
	v3 =	vadd.s32 v1, v3  }
0x34: {  	[tilespmem:s19], [sflag:$0x1] =	stream.indirect_vreg.gather [hbm4b:s28+s14], $0x80, v4, vm0, $0xb8;
	[tilespmem:$0x1E200] =	vst v63  }
0x35: {  	s21 =	simm.s32 $0x1100  }
0x36: {  	[tilespmem:s21], [sflag:$0x1] =	stream.indirect_vreg.gather [hbm4b:s29+s14], $0x80, v4, vm0, $0xb8;
	[tilespmem:$0x1E200] =	vst v63  }
0x37: {  	s19 =	simm.s32 $0x1900  }
0x38: {  	[tilespmem:s19], [sflag:$0x1] =	stream.indirect_vreg.gather [hbm4b:s0+s14], $0x80, v3, vm0, $0xb8;
	[tilespmem:$0x1E200] =	vst v63  }
0x39: {  	s21 =	simm.s32 $0x2100  }
0x3a: {  	[tilespmem:s21], [sflag:$0x1] =	stream.indirect_vreg.gather [hbm4b:s28+s14], $0x80, v3, vm0, $0xb8;
	[tilespmem:$0x1E200] =	vst v63  }
0x3b: {  	s19 =	simm.s32 $0x2900  }
0x3c: {  	[tilespmem:s19], [sflag:$0x1] =	stream.indirect_vreg.gather [hbm4b:s29+s14], $0x80, v3, vm0, $0xb8;
	[tilespmem:$0x1E200] =	vst v63  }
0x3d: {  	v3 =	vld [tilespmem:$0x10];
	_ =	sdelay $0x4  }
0x3e: {  	v4 =	vshrl.u32 v3, $0x3  }
0x3f: {  	v4 =	vmul.u32 $0x30, v4  }
0x40: {  	v3 =	vand.u32 $0x7, v3  }
0x41: {  	v3 =	vor.u32 v3, v4  }
0x42: {  	v4 =	vperm.xlane v3, v0;
	_ =	sdelay $0x1  }
0x43: {  	v4 =	vadd.s32 v1, v4;
	_ =	sdelay $0x3  }
0x44: {  	s21 =	simm.s32 $0x3100;
	v3 =	vperm.xlane v3, v2  }
0x45: {  	[tilespmem:s21], [sflag:$0x1] =	stream.indirect_vreg.gather [hbm4b:s0+s14], $0x80, v4, vm0, $0xb8;
	[tilespmem:$0x1E200] =	vst v63  }
0x46: {  	s19 =	simm.s32 $0x3900;
	v3 =	vadd.s32 v1, v3  }
0x47: {  	[tilespmem:s19], [sflag:$0x1] =	stream.indirect_vreg.gather [hbm4b:s28+s14], $0x80, v4, vm0, $0xb8;
	[tilespmem:$0x1E200] =	vst v63  }
0x48: {  	s21 =	simm.s32 $0x4100  }
0x49: {  	[tilespmem:s21], [sflag:$0x1] =	stream.indirect_vreg.gather [hbm4b:s29+s14], $0x80, v4, vm0, $0xb8;
	[tilespmem:$0x1E200] =	vst v63  }
0x4a: {  	s19 =	simm.s32 $0x4900  }
0x4b: {  	[tilespmem:s19], [sflag:$0x1] =	stream.indirect_vreg.gather [hbm4b:s0+s14], $0x80, v3, vm0, $0xb8;
	[tilespmem:$0x1E200] =	vst v63  }
0x4c: {  	s21 =	simm.s32 $0x5100  }
0x4d: {  	[tilespmem:s21], [sflag:$0x1] =	stream.indirect_vreg.gather [hbm4b:s28+s14], $0x80, v3, vm0, $0xb8;
	[tilespmem:$0x1E200] =	vst v63  }
0x4e: {  	s19 =	simm.s32 $0x5900  }
0x4f: {  	[tilespmem:s19], [sflag:$0x1] =	stream.indirect_vreg.gather [hbm4b:s29+s14], $0x80, v3, vm0, $0xb8;
	[tilespmem:$0x1E200] =	vst v63  }
0x50: {  	v3 =	vld [tilespmem:$0x20];
	_ =	sdelay $0x4  }
0x51: {  	v4 =	vshrl.u32 v3, $0x3  }
0x52: {  	v4 =	vmul.u32 $0x30, v4  }
0x53: {  	v3 =	vand.u32 $0x7, v3  }
0x54: {  	v3 =	vor.u32 v3, v4  }
0x55: {  	v4 =	vperm.xlane v3, v0;
	_ =	sdelay $0x1  }
0x56: {  	v4 =	vadd.s32 v1, v4;
	_ =	sdelay $0x3  }
0x57: {  	s21 =	simm.s32 $0x6100;
	v3 =	vperm.xlane v3, v2  }
0x58: {  	[tilespmem:s21], [sflag:$0x1] =	stream.indirect_vreg.gather [hbm4b:s0+s14], $0x80, v4, vm0, $0xb8;
	[tilespmem:$0x1E200] =	vst v63  }
0x59: {  	s19 =	simm.s32 $0x6900;
	v3 =	vadd.s32 v1, v3  }
0x5a: {  	[tilespmem:s19], [sflag:$0x1] =	stream.indirect_vreg.gather [hbm4b:s28+s14], $0x80, v4, vm0, $0xb8;
	[tilespmem:$0x1E200] =	vst v63  }
0x5b: {  	s21 =	simm.s32 $0x7100  }
0x5c: {  	[tilespmem:s21], [sflag:$0x1] =	stream.indirect_vreg.gather [hbm4b:s29+s14], $0x80, v4, vm0, $0xb8;
	[tilespmem:$0x1E200] =	vst v63  }
0x5d: {  	s19 =	simm.s32 $0x7900  }
0x5e: {  	[tilespmem:s19], [sflag:$0x1] =	stream.indirect_vreg.gather [hbm4b:s0+s14], $0x80, v3, vm0, $0xb8;
	[tilespmem:$0x1E200] =	vst v63  }
0x5f: {  	s21 =	simm.s32 $0x8100  }
0x60: {  	[tilespmem:s21], [sflag:$0x1] =	stream.indirect_vreg.gather [hbm4b:s28+s14], $0x80, v3, vm0, $0xb8;
	[tilespmem:$0x1E200] =	vst v63  }
0x61: {  	s19 =	simm.s32 $0x8900  }
0x62: {  	[tilespmem:s19], [sflag:$0x1] =	stream.indirect_vreg.gather [hbm4b:s29+s14], $0x80, v3, vm0, $0xb8;
	[tilespmem:$0x1E200] =	vst v63  }
0x63: {  	v3 =	vld [tilespmem:$0x30];
	_ =	sdelay $0x4  }
0x64: {  	v4 =	vshrl.u32 v3, $0x3  }
0x65: {  	v4 =	vmul.u32 $0x30, v4  }
0x66: {  	v3 =	vand.u32 $0x7, v3  }
0x67: {  	v3 =	vor.u32 v3, v4  }
0x68: {  	v4 =	vperm.xlane v3, v0;
	_ =	sdelay $0x1  }
0x69: {  	v4 =	vadd.s32 v1, v4;
	_ =	sdelay $0x3  }
0x6a: {  	s21 =	simm.s32 $0x9100;
	v3 =	vperm.xlane v3, v2  }
0x6b: {  	[tilespmem:s21], [sflag:$0x1] =	stream.indirect_vreg.gather [hbm4b:s0+s14], $0x80, v4, vm0, $0xb8;
	[tilespmem:$0x1E200] =	vst v63  }
0x6c: {  	s19 =	simm.s32 $0x9900;
	v3 =	vadd.s32 v1, v3  }
0x6d: {  	[tilespmem:s19], [sflag:$0x1] =	stream.indirect_vreg.gather [hbm4b:s28+s14], $0x80, v4, vm0, $0xb8;
	[tilespmem:$0x1E200] =	vst v63  }
0x6e: {  	s21 =	simm.s32 $0xA100  }
0x6f: {  	[tilespmem:s21], [sflag:$0x1] =	stream.indirect_vreg.gather [hbm4b:s29+s14], $0x80, v4, vm0, $0xb8;
	[tilespmem:$0x1E200] =	vst v63  }
0x70: {  	s19 =	simm.s32 $0xA900  }
0x71: {  	[tilespmem:s19], [sflag:$0x1] =	stream.indirect_vreg.gather [hbm4b:s0+s14], $0x80, v3, vm0, $0xb8;
	[tilespmem:$0x1E200] =	vst v63  }
0x72: {  	s21 =	simm.s32 $0xB100  }
0x73: {  	[tilespmem:s21], [sflag:$0x1] =	stream.indirect_vreg.gather [hbm4b:s28+s14], $0x80, v3, vm0, $0xb8;
	[tilespmem:$0x1E200] =	vst v63  }
0x74: {  	s19 =	simm.s32 $0xB900  }
0x75: {  	[tilespmem:s19], [sflag:$0x1] =	stream.indirect_vreg.gather [hbm4b:s29+s14], $0x80, v3, vm0, $0xb8;
	[tilespmem:$0x1E200] =	vst v63  }
0x76: {  	s21 =	rddreg [dreg:$0x7]  }
0x77: {  	[tilespmem:s22], [sflag:$0x5] =	stream.linear.gather [hbm4b:s21+s14], $0x40, $0x38;
	[tilespmem:$0x1E200] =	vst v63  }
0x78: {  	_ =	swait.ge [sflag:s30], $0x40  }
0x79: {  	[sflag:s30] =	ssyncset.done $0x0  }
0x7a: {  	[sflag:s30] =	ssyncadd.s32 $0xFFFFFFC0  }
0x7b: {  	[tilespmem:s23], [sflag:$0x3] =	stream.indirect.gather [hbm4b:s24+s3], $0x80, s22, s3, $0xb8;
	[tilespmem:$0x1E200] =	vst v63  }
0x7c: {  	s19 =	rddreg [dreg:$0x8]  }
0x7d: {  	[tilespmem:s4], [sflag:$0x5] =	stream.linear.gather [hbm4b:s19+s14], $0x40, $0x38;
	[tilespmem:$0x1E200] =	vst v63  }
0x7e: {  	_ =	swait.ge [sflag:s30], $0x40  }
0x7f: {  	[sflag:s30] =	ssyncset.done $0x0  }
0x80: {  	[sflag:s30] =	ssyncadd.s32 $0xFFFFFFC0  }
0x81: {  	[tilespmem:s5], [sflag:$0x4] =	stream.indirect.gather [hbm4b:s25+s3], $0x80, s4, s3, $0xb8;
	[tilespmem:$0x1E200] =	vst v63  }
0x82: {  	s19 =	simm.s32 $0x80;
	s21 =	rddreg [dreg:$0x9]  }
0x83: {  	[tilespmem:s19], [sflag:$0x5] =	stream.linear.gather [hbm4b:s21+s14], $0x40, $0x38;
	[tilespmem:$0x1E200] =	vst v63  }
0x84: {  	_ =	swait.ge [sflag:s30], $0x40  }
0x85: {  	[sflag:s30] =	ssyncset.done $0x0  }
0x86: {  	[sflag:s30] =	ssyncadd.s32 $0xFFFFFFC0  }
0x87: {  	v3 =	vld [tilespmem:$0x80];
	_ =	sdelay $0x4  }
0x88: {  	v4 =	vshrl.u32 v3, $0x3  }
0x89: {  	v4 =	vmul.u32 $0x30, v4  }
0x8a: {  	v3 =	vand.u32 $0x7, v3  }
0x8b: {  	v3 =	vor.u32 v3, v4  }
0x8c: {  	v4 =	vperm.xlane v3, v0;
	_ =	sdelay $0x1  }
0x8d: {  	v4 =	vadd.s32 v1, v4;
	_ =	sdelay $0x3  }
0x8e: {  	v3 =	vperm.xlane v3, v2  }
0x8f: {  	[tilespmem:s7], [sflag:$0x2] =	stream.indirect_vreg.gather [hbm4b:s0+s14], $0x80, v4, vm0, $0xb8;
	[tilespmem:$0x1E200] =	vst v63  }
0x90: {  	s19 =	simm.s32 $0xC900;
	v3 =	vadd.s32 v1, v3  }
0x91: {  	[tilespmem:s19], [sflag:$0x2] =	stream.indirect_vreg.gather [hbm4b:s28+s14], $0x80, v4, vm0, $0xb8;
	[tilespmem:$0x1E200] =	vst v63  }
0x92: {  	s21 =	simm.s32 $0xD100  }
0x93: {  	[tilespmem:s21], [sflag:$0x2] =	stream.indirect_vreg.gather [hbm4b:s29+s14], $0x80, v4, vm0, $0xb8;
	[tilespmem:$0x1E200] =	vst v63  }
0x94: {  	s19 =	simm.s32 $0xD900  }
0x95: {  	[tilespmem:s19], [sflag:$0x2] =	stream.indirect_vreg.gather [hbm4b:s0+s14], $0x80, v3, vm0, $0xb8;
	[tilespmem:$0x1E200] =	vst v63  }
0x96: {  	s21 =	simm.s32 $0xE100  }
0x97: {  	[tilespmem:s21], [sflag:$0x2] =	stream.indirect_vreg.gather [hbm4b:s28+s14], $0x80, v3, vm0, $0xb8;
	[tilespmem:$0x1E200] =	vst v63  }
0x98: {  	s19 =	simm.s32 $0xE900  }
0x99: {  	[tilespmem:s19], [sflag:$0x2] =	stream.indirect_vreg.gather [hbm4b:s29+s14], $0x80, v3, vm0, $0xb8;
	[tilespmem:$0x1E200] =	vst v63  }
0x9a: {  	v3 =	vld [tilespmem:$0x90];
	_ =	sdelay $0x4  }
0x9b: {  	v4 =	vshrl.u32 v3, $0x3  }
0x9c: {  	v4 =	vmul.u32 $0x30, v4  }
0x9d: {  	v3 =	vand.u32 $0x7, v3  }
0x9e: {  	v3 =	vor.u32 v3, v4  }
0x9f: {  	v4 =	vperm.xlane v3, v0;
	_ =	sdelay $0x1  }
0xa0: {  	v4 =	vadd.s32 v1, v4;
	_ =	sdelay $0x3  }
0xa1: {  	s21 =	simm.s32 $0xF100;
	v3 =	vperm.xlane v3, v2  }
0xa2: {  	[tilespmem:s21], [sflag:$0x2] =	stream.indirect_vreg.gather [hbm4b:s0+s14], $0x80, v4, vm0, $0xb8;
	[tilespmem:$0x1E200] =	vst v63  }
0xa3: {  	s19 =	simm.s32 $0xF900;
	v3 =	vadd.s32 v1, v3  }
0xa4: {  	[tilespmem:s19], [sflag:$0x2] =	stream.indirect_vreg.gather [hbm4b:s28+s14], $0x80, v4, vm0, $0xb8;
	[tilespmem:$0x1E200] =	vst v63  }
0xa5: {  	s21 =	simm.s32 $0x10100  }
0xa6: {  	[tilespmem:s21], [sflag:$0x2] =	stream.indirect_vreg.gather [hbm4b:s29+s14], $0x80, v4, vm0, $0xb8;
	[tilespmem:$0x1E200] =	vst v63  }
0xa7: {  	s19 =	simm.s32 $0x10900  }
0xa8: {  	[tilespmem:s19], [sflag:$0x2] =	stream.indirect_vreg.gather [hbm4b:s0+s14], $0x80, v3, vm0, $0xb8;
	[tilespmem:$0x1E200] =	vst v63  }
0xa9: {  	s21 =	simm.s32 $0x11100  }
0xaa: {  	[tilespmem:s21], [sflag:$0x2] =	stream.indirect_vreg.gather [hbm4b:s28+s14], $0x80, v3, vm0, $0xb8;
	[tilespmem:$0x1E200] =	vst v63  }
0xab: {  	s19 =	simm.s32 $0x11900  }
0xac: {  	[tilespmem:s19], [sflag:$0x2] =	stream.indirect_vreg.gather [hbm4b:s29+s14], $0x80, v3, vm0, $0xb8;
	[tilespmem:$0x1E200] =	vst v63  }
0xad: {  	v3 =	vld [tilespmem:$0xA0];
	_ =	sdelay $0x4  }
0xae: {  	v4 =	vshrl.u32 v3, $0x3  }
0xaf: {  	v4 =	vmul.u32 $0x30, v4  }
0xb0: {  	v3 =	vand.u32 $0x7, v3  }
0xb1: {  	v3 =	vor.u32 v3, v4  }
0xb2: {  	v4 =	vperm.xlane v3, v0;
	_ =	sdelay $0x1  }
0xb3: {  	v4 =	vadd.s32 v1, v4;
	_ =	sdelay $0x3  }
0xb4: {  	s21 =	simm.s32 $0x12100;
	v3 =	vperm.xlane v3, v2  }
0xb5: {  	[tilespmem:s21], [sflag:$0x2] =	stream.indirect_vreg.gather [hbm4b:s0+s14], $0x80, v4, vm0, $0xb8;
	[tilespmem:$0x1E200] =	vst v63  }
0xb6: {  	s19 =	simm.s32 $0x12900;
	v3 =	vadd.s32 v1, v3  }
0xb7: {  	[tilespmem:s19], [sflag:$0x2] =	stream.indirect_vreg.gather [hbm4b:s28+s14], $0x80, v4, vm0, $0xb8;
	[tilespmem:$0x1E200] =	vst v63  }
0xb8: {  	s21 =	simm.s32 $0x13100  }
0xb9: {  	[tilespmem:s21], [sflag:$0x2] =	stream.indirect_vreg.gather [hbm4b:s29+s14], $0x80, v4, vm0, $0xb8;
	[tilespmem:$0x1E200] =	vst v63  }
0xba: {  	s19 =	simm.s32 $0x13900  }
0xbb: {  	[tilespmem:s19], [sflag:$0x2] =	stream.indirect_vreg.gather [hbm4b:s0+s14], $0x80, v3, vm0, $0xb8;
	[tilespmem:$0x1E200] =	vst v63  }
0xbc: {  	_ = 	snop  }
0xbd: {  	[tilespmem:s2], [sflag:$0x2] =	stream.indirect_vreg.gather [hbm4b:s28+s14], $0x80, v3, vm0, $0xb8;
	[tilespmem:$0x1E200] =	vst v63  }
0xbe: {  	_ = 	snop  }
0xbf: {  	[tilespmem:s6], [sflag:$0x2] =	stream.indirect_vreg.gather [hbm4b:s29+s14], $0x80, v3, vm0, $0xb8;
	[tilespmem:$0x1E200] =	vst v63  }
0xc0: {  	v3 =	vld [tilespmem:$0xB0];
	_ =	sdelay $0x4  }
0xc1: {  	v4 =	vshrl.u32 v3, $0x3  }
0xc2: {  	v4 =	vmul.u32 $0x30, v4  }
0xc3: {  	v3 =	vand.u32 $0x7, v3  }
0xc4: {  	v3 =	vor.u32 v3, v4  }
0xc5: {  	v4 =	vperm.xlane v3, v0;
	_ =	sdelay $0x1  }
0xc6: {  	v4 =	vadd.s32 v1, v4;
	_ =	sdelay $0x3  }
0xc7: {  	v3 =	vperm.xlane v3, v2  }
0xc8: {  	[tilespmem:s26], [sflag:$0x2] =	stream.indirect_vreg.gather [hbm4b:s0+s14], $0x80, v4, vm0, $0xb8;
	[tilespmem:$0x1E200] =	vst v63  }
0xc9: {  	v3 =	vadd.s32 v1, v3  }
0xca: {  	[tilespmem:s8], [sflag:$0x2] =	stream.indirect_vreg.gather [hbm4b:s28+s14], $0x80, v4, vm0, $0xb8;
	[tilespmem:$0x1E200] =	vst v63  }
0xcb: {  	_ = 	snop  }
0xcc: {  	[tilespmem:s9], [sflag:$0x2] =	stream.indirect_vreg.gather [hbm4b:s29+s14], $0x80, v4, vm0, $0xb8;
	[tilespmem:$0x1E200] =	vst v63  }
0xcd: {  	_ = 	snop  }
0xce: {  	[tilespmem:s10], [sflag:$0x2] =	stream.indirect_vreg.gather [hbm4b:s0+s14], $0x80, v3, vm0, $0xb8;
	[tilespmem:$0x1E200] =	vst v63  }
0xcf: {  	_ = 	snop  }
0xd0: {  	[tilespmem:s11], [sflag:$0x2] =	stream.indirect_vreg.gather [hbm4b:s28+s14], $0x80, v3, vm0, $0xb8;
	[tilespmem:$0x1E200] =	vst v63  }
0xd1: {  	_ = 	snop  }
0xd2: {  	[tilespmem:s12], [sflag:$0x2] =	stream.indirect_vreg.gather [hbm4b:s29+s14], $0x80, v3, vm0, $0xb8;
	[tilespmem:$0x1E200] =	vst v63  }
0xd3: {  	_ =	swait.ge [sflag:s13], $0xC000  }
0xd4: {  	[sflag:s13] =	ssyncset.done $0x0  }
0xd5: {  	s21 =	rddreg [dreg:$0x12];
	[sflag:s13] =	ssyncadd.s32 $0xFFFF4000  }
0xd6: {  	[hbm4b:s21+s14] =	stream.linear.scatter [tilespmem:s31], [sflag:$0x5], $0xC000, $0x38;
	[tilespmem:$0x1E200] =	vst v63  }
0xd7: {  	_ =	swait.ge [sflag:s30], $0xC000  }
0xd8: {  	[sflag:s30] =	ssyncset.done $0x0  }
0xd9: {  	[sflag:s30] =	ssyncadd.s32 $0xFFFF4000  }
0xda: {  	_ =	swait.ge [sflag:s15], $0x2000  }
0xdb: {  	[sflag:s15] =	ssyncset.done $0x0  }
0xdc: {  	[sflag:s15] =	ssyncadd.s32 $0xFFFFE000  }
0xdd: {  	_ =	swait.ge [sflag:s16], $0x2000  }
0xde: {  	[sflag:s16] =	ssyncset.done $0x0  }
0xdf: {  	s19 =	simm.s32 $0x0;
	[sflag:s16] =	ssyncadd.s32 $0xFFFFE000  }
0xe0: {  	v8 =	vld [tilespmem:s19+$0x18230]  }
0xe1: {  	v9 =	vld [tilespmem:s19+$0x1A230]  }
0xe2: {  	v11 =	vld [tilespmem:s19+$0x18200]  }
0xe3: {  	v12 =	vld [tilespmem:s19+$0x1A200]  }
0xe4: {  	v5 =	vld [tilespmem:s19+$0x18210]  }
0xe5: {  	v7 =	vld [tilespmem:s19+$0x1A210]  }
0xe6: {  	v3 =	vld [tilespmem:s19+$0x18220];
	v13 =	vmul.f32 v9, v8  }
0xe7: {  	s21 =	simm.s32 $0x80;
	v6 =	vld [tilespmem:s19+$0x1A220];
	v8 =	vadd.f32 v9, v8  }
0xe8: {  	s1 =	simm.s32 $0x400;
	v4 =	vld [tilespmem:s21+$0x18230];
	v10 =	vadd.f32 v12, v11;
	v9 =	vmul.f32 v12, v11;
	[tilespmem:s19+$0x1C270] =	vst v13  }
.LBB2_2:
0xe9: {  	p0 =	sne.s32 s1, $0x7E00;
	v11 =	vld [tilespmem:s21+$0x1A230];
	[tilespmem:s19+$0x1C230] =	vst v8  }
0xea: {  	v12 =	vld [tilespmem:s21+$0x18200];
	[tilespmem:s19+$0x1C200] =	vst v10;
	v8 =	vadd.f32 v7, v5;
	v10 =	vmul.f32 v7, v5  }
0xeb: {  	v13 =	vld [tilespmem:s21+$0x1A200];
	[tilespmem:s19+$0x1C240] =	vst v9  }
.Ltmp0:
0xec: {  	v5 =	vld [tilespmem:s21+$0x18210];
	[tilespmem:s19+$0x1C210] =	vst v8;
	v9 =	vadd.f32 v6, v3;
	v14 =	vmul.f32 v6, v3;
	(pc) =	sbr.rel @p0 .LBB2_2-.Ltmp0, $4  }
0xed: {  	v7 =	vld [tilespmem:s21+$0x1A210];
	[tilespmem:s19+$0x1C250] =	vst v10  }
0xee: {  	v3 =	vld [tilespmem:s21+$0x18220];
	v8 =	vadd.f32 v11, v4;
	v11 =	vmul.f32 v11, v4;
	[tilespmem:s19+$0x1C220] =	vst v9  }
0xef: {  	v6 =	vld [tilespmem:s21+$0x1A220];
	[tilespmem:s19+$0x1C260] =	vst v14;
	s19 =	smov.u32 s21;
	s21 =	sshra.s32 s1, $0x2  }
0xf0: {  	s1 =	sadd.s32 $0x200, s1;
	v4 =	vld [tilespmem:s21+$0x18230];
	v10 =	vadd.f32 v13, v12;
	v9 =	vmul.f32 v13, v12;
	[tilespmem:s19+$0x1C270] =	vst v11  }
0xf1: {  	v11 =	vld [tilespmem:s21+$0x1A230];
	[tilespmem:s19+$0x1C230] =	vst v8  }
0xf2: {  	v8 =	vld [tilespmem:s21+$0x18200];
	[tilespmem:s19+$0x1C200] =	vst v10;
	v12 =	vadd.f32 v7, v5  }
0xf3: {  	v5 =	vmul.f32 v7, v5;
	v10 =	vld [tilespmem:s21+$0x1A200];
	[tilespmem:s19+$0x1C240] =	vst v9  }
0xf4: {  	v9 =	vld [tilespmem:s21+$0x18210];
	[tilespmem:s19+$0x1C210] =	vst v12;
	v62 =	vadd.f32 v6, v3  }
0xf5: {  	v3 =	vmul.f32 v6, v3;
	v7 =	vld [tilespmem:s21+$0x1A210];
	[tilespmem:s19+$0x1C250] =	vst v5  }
0xf6: {  	v5 =	vld [tilespmem:s21+$0x18220];
	[tilespmem:s19+$0x1C220] =	vst v62;
	v6 =	vmul.f32 v11, v4  }
0xf7: {  	v4 =	vadd.f32 v11, v4;
	v12 =	vld [tilespmem:s21+$0x1A220];
	[tilespmem:s19+$0x1C260] =	vst v3  }
0xf8: {  	v3 =	vadd.f32 v10, v8;
	[tilespmem:s21+$0x1C270] =	vst v6  }
0xf9: {  	v6 =	vmul.f32 v10, v8;
	[tilespmem:s21+$0x1C230] =	vst v4  }
0xfa: {  	[tilespmem:s21+$0x1C200] =	vst v3;
	v3 =	vadd.f32 v7, v9  }
0xfb: {  	v4 =	vmul.f32 v7, v9;
	[tilespmem:s21+$0x1C240] =	vst v6  }
0xfc: {  	[tilespmem:s21+$0x1C210] =	vst v3;
	v3 =	vadd.f32 v12, v5  }
0xfd: {  	v5 =	vmul.f32 v12, v5;
	[tilespmem:s21+$0x1C250] =	vst v4  }
0xfe: {  	[tilespmem:s21+$0x1C220] =	vst v3  }
0xff: {  	s1 =	rddreg [dreg:$0x16];
	[tilespmem:s21+$0x1C260] =	vst v5;
	s21 =	simm.s32 $0x0  }
0x100: {  	[hbm4b:s1+s21] =	stream.linear.scatter [tilespmem:s17], [sflag:$0x5], $0x2000, $0x38;
	[tilespmem:$0x1E200] =	vst v63  }
0x101: {  	_ =	swait.ge [sflag:s30], $0x2000  }
0x102: {  	[sflag:s30] =	ssyncset.done $0x0  }
0x103: {  	s19 =	rddreg [dreg:$0xa];
	[sflag:s30] =	ssyncadd.s32 $0xFFFFE000  }
0x104: {  	[tilespmem:s22], [sflag:$0x5] =	stream.linear.gather [hbm4b:s19+s21], $0x40, $0x38;
	[tilespmem:$0x1E200] =	vst v63  }
0x105: {  	_ =	swait.ge [sflag:s30], $0x40  }
0x106: {  	[sflag:s30] =	ssyncset.done $0x0  }
0x107: {  	[sflag:s30] =	ssyncadd.s32 $0xFFFFFFC0  }
0x108: {  	[tilespmem:s23], [sflag:$0x3] =	stream.indirect.gather [hbm4b:s24+s3], $0x80, s22, s3, $0xb8;
	[tilespmem:$0x1E200] =	vst v63  }
0x109: {  	s19 =	rddreg [dreg:$0xb]  }
0x10a: {  	[tilespmem:s4], [sflag:$0x5] =	stream.linear.gather [hbm4b:s19+s21], $0x40, $0x38;
	[tilespmem:$0x1E200] =	vst v63  }
0x10b: {  	_ =	swait.ge [sflag:s30], $0x40  }
0x10c: {  	[sflag:s30] =	ssyncset.done $0x0  }
0x10d: {  	[sflag:s30] =	ssyncadd.s32 $0xFFFFFFC0  }
0x10e: {  	[tilespmem:s5], [sflag:$0x4] =	stream.indirect.gather [hbm4b:s25+s3], $0x80, s4, s3, $0xb8;
	[tilespmem:$0x1E200] =	vst v63  }
0x10f: {  	s19 =	rddreg [dreg:$0xc]  }
0x110: {  	[tilespmem:s21], [sflag:$0x5] =	stream.linear.gather [hbm4b:s19+s21], $0x40, $0x38;
	[tilespmem:$0x1E200] =	vst v63  }
0x111: {  	_ =	swait.ge [sflag:s30], $0x40  }
0x112: {  	[sflag:s30] =	ssyncset.done $0x0  }
0x113: {  	[sflag:s30] =	ssyncadd.s32 $0xFFFFFFC0  }
0x114: {  	v3 =	vld [tilespmem:$0x0];
	_ =	sdelay $0x4  }
0x115: {  	v4 =	vshrl.u32 v3, $0x3  }
0x116: {  	v4 =	vmul.u32 $0x30, v4  }
0x117: {  	v3 =	vand.u32 $0x7, v3  }
0x118: {  	v3 =	vor.u32 v3, v4  }
0x119: {  	v4 =	vperm.xlane v3, v0;
	_ =	sdelay $0x1  }
0x11a: {  	v4 =	vadd.s32 v1, v4;
	_ =	sdelay $0x3  }
0x11b: {  	v3 =	vperm.xlane v3, v2  }
0x11c: {  	[tilespmem:s31], [sflag:$0x1] =	stream.indirect_vreg.gather [hbm4b:s0+s21], $0x80, v4, vm0, $0xb8;
	[tilespmem:$0x1E200] =	vst v63  }
0x11d: {  	s19 =	simm.s32 $0x900;
	v3 =	vadd.s32 v1, v3  }
0x11e: {  	[tilespmem:s19], [sflag:$0x1] =	stream.indirect_vreg.gather [hbm4b:s28+s21], $0x80, v4, vm0, $0xb8;
	[tilespmem:$0x1E200] =	vst v63  }
0x11f: {  	s19 =	simm.s32 $0x1100  }
0x120: {  	[tilespmem:s19], [sflag:$0x1] =	stream.indirect_vreg.gather [hbm4b:s29+s21], $0x80, v4, vm0, $0xb8;
	[tilespmem:$0x1E200] =	vst v63  }
0x121: {  	s19 =	simm.s32 $0x1900  }
0x122: {  	[tilespmem:s19], [sflag:$0x1] =	stream.indirect_vreg.gather [hbm4b:s0+s21], $0x80, v3, vm0, $0xb8;
	[tilespmem:$0x1E200] =	vst v63  }
0x123: {  	s19 =	simm.s32 $0x2100  }
0x124: {  	[tilespmem:s19], [sflag:$0x1] =	stream.indirect_vreg.gather [hbm4b:s28+s21], $0x80, v3, vm0, $0xb8;
	[tilespmem:$0x1E200] =	vst v63  }
0x125: {  	s19 =	simm.s32 $0x2900  }
0x126: {  	[tilespmem:s19], [sflag:$0x1] =	stream.indirect_vreg.gather [hbm4b:s29+s21], $0x80, v3, vm0, $0xb8;
	[tilespmem:$0x1E200] =	vst v63  }
0x127: {  	v3 =	vld [tilespmem:$0x10];
	_ =	sdelay $0x4  }
0x128: {  	v4 =	vshrl.u32 v3, $0x3  }
0x129: {  	v4 =	vmul.u32 $0x30, v4  }
0x12a: {  	v3 =	vand.u32 $0x7, v3  }
0x12b: {  	v3 =	vor.u32 v3, v4  }
0x12c: {  	v4 =	vperm.xlane v3, v0;
	_ =	sdelay $0x1  }
0x12d: {  	v4 =	vadd.s32 v1, v4;
	_ =	sdelay $0x3  }
0x12e: {  	s19 =	simm.s32 $0x3100;
	v3 =	vperm.xlane v3, v2  }
0x12f: {  	[tilespmem:s19], [sflag:$0x1] =	stream.indirect_vreg.gather [hbm4b:s0+s21], $0x80, v4, vm0, $0xb8;
	[tilespmem:$0x1E200] =	vst v63  }
0x130: {  	v3 =	vadd.s32 v1, v3;
	s19 =	simm.s32 $0x3900  }
0x131: {  	[tilespmem:s19], [sflag:$0x1] =	stream.indirect_vreg.gather [hbm4b:s28+s21], $0x80, v4, vm0, $0xb8;
	[tilespmem:$0x1E200] =	vst v63  }
0x132: {  	s19 =	simm.s32 $0x4100  }
0x133: {  	[tilespmem:s19], [sflag:$0x1] =	stream.indirect_vreg.gather [hbm4b:s29+s21], $0x80, v4, vm0, $0xb8;
	[tilespmem:$0x1E200] =	vst v63  }
0x134: {  	s19 =	simm.s32 $0x4900  }
0x135: {  	[tilespmem:s19], [sflag:$0x1] =	stream.indirect_vreg.gather [hbm4b:s0+s21], $0x80, v3, vm0, $0xb8;
	[tilespmem:$0x1E200] =	vst v63  }
0x136: {  	s19 =	simm.s32 $0x5100  }
0x137: {  	[tilespmem:s19], [sflag:$0x1] =	stream.indirect_vreg.gather [hbm4b:s28+s21], $0x80, v3, vm0, $0xb8;
	[tilespmem:$0x1E200] =	vst v63  }
0x138: {  	s19 =	simm.s32 $0x5900  }
0x139: {  	[tilespmem:s19], [sflag:$0x1] =	stream.indirect_vreg.gather [hbm4b:s29+s21], $0x80, v3, vm0, $0xb8;
	[tilespmem:$0x1E200] =	vst v63  }
0x13a: {  	v3 =	vld [tilespmem:$0x20];
	_ =	sdelay $0x4  }
0x13b: {  	v4 =	vshrl.u32 v3, $0x3  }
0x13c: {  	v4 =	vmul.u32 $0x30, v4  }
0x13d: {  	v3 =	vand.u32 $0x7, v3  }
0x13e: {  	v3 =	vor.u32 v3, v4  }
0x13f: {  	v4 =	vperm.xlane v3, v0;
	_ =	sdelay $0x1  }
0x140: {  	v4 =	vadd.s32 v1, v4;
	_ =	sdelay $0x3  }
0x141: {  	s19 =	simm.s32 $0x6100;
	v3 =	vperm.xlane v3, v2  }
0x142: {  	[tilespmem:s19], [sflag:$0x1] =	stream.indirect_vreg.gather [hbm4b:s0+s21], $0x80, v4, vm0, $0xb8;
	[tilespmem:$0x1E200] =	vst v63  }
0x143: {  	v3 =	vadd.s32 v1, v3;
	s19 =	simm.s32 $0x6900  }
0x144: {  	[tilespmem:s19], [sflag:$0x1] =	stream.indirect_vreg.gather [hbm4b:s28+s21], $0x80, v4, vm0, $0xb8;
	[tilespmem:$0x1E200] =	vst v63  }
0x145: {  	s19 =	simm.s32 $0x7100  }
0x146: {  	[tilespmem:s19], [sflag:$0x1] =	stream.indirect_vreg.gather [hbm4b:s29+s21], $0x80, v4, vm0, $0xb8;
	[tilespmem:$0x1E200] =	vst v63  }
0x147: {  	s19 =	simm.s32 $0x7900  }
0x148: {  	[tilespmem:s19], [sflag:$0x1] =	stream.indirect_vreg.gather [hbm4b:s0+s21], $0x80, v3, vm0, $0xb8;
	[tilespmem:$0x1E200] =	vst v63  }
0x149: {  	s19 =	simm.s32 $0x8100  }
0x14a: {  	[tilespmem:s19], [sflag:$0x1] =	stream.indirect_vreg.gather [hbm4b:s28+s21], $0x80, v3, vm0, $0xb8;
	[tilespmem:$0x1E200] =	vst v63  }
0x14b: {  	s19 =	simm.s32 $0x8900  }
0x14c: {  	[tilespmem:s19], [sflag:$0x1] =	stream.indirect_vreg.gather [hbm4b:s29+s21], $0x80, v3, vm0, $0xb8;
	[tilespmem:$0x1E200] =	vst v63  }
0x14d: {  	v3 =	vld [tilespmem:$0x30];
	_ =	sdelay $0x4  }
0x14e: {  	v4 =	vshrl.u32 v3, $0x3  }
0x14f: {  	v4 =	vmul.u32 $0x30, v4  }
0x150: {  	v3 =	vand.u32 $0x7, v3  }
0x151: {  	v3 =	vor.u32 v3, v4  }
0x152: {  	v4 =	vperm.xlane v3, v0;
	_ =	sdelay $0x1  }
0x153: {  	v4 =	vadd.s32 v1, v4;
	_ =	sdelay $0x3  }
0x154: {  	s19 =	simm.s32 $0x9100;
	v3 =	vperm.xlane v3, v2  }
0x155: {  	[tilespmem:s19], [sflag:$0x1] =	stream.indirect_vreg.gather [hbm4b:s0+s21], $0x80, v4, vm0, $0xb8;
	[tilespmem:$0x1E200] =	vst v63  }
0x156: {  	v3 =	vadd.s32 v1, v3;
	s19 =	simm.s32 $0x9900  }
0x157: {  	[tilespmem:s19], [sflag:$0x1] =	stream.indirect_vreg.gather [hbm4b:s28+s21], $0x80, v4, vm0, $0xb8;
	[tilespmem:$0x1E200] =	vst v63  }
0x158: {  	s19 =	simm.s32 $0xA100  }
0x159: {  	[tilespmem:s19], [sflag:$0x1] =	stream.indirect_vreg.gather [hbm4b:s29+s21], $0x80, v4, vm0, $0xb8;
	[tilespmem:$0x1E200] =	vst v63  }
0x15a: {  	s19 =	simm.s32 $0xA900  }
0x15b: {  	[tilespmem:s19], [sflag:$0x1] =	stream.indirect_vreg.gather [hbm4b:s0+s21], $0x80, v3, vm0, $0xb8;
	[tilespmem:$0x1E200] =	vst v63  }
0x15c: {  	s19 =	simm.s32 $0xB100  }
0x15d: {  	[tilespmem:s19], [sflag:$0x1] =	stream.indirect_vreg.gather [hbm4b:s28+s21], $0x80, v3, vm0, $0xb8;
	[tilespmem:$0x1E200] =	vst v63  }
0x15e: {  	s19 =	simm.s32 $0xB900  }
0x15f: {  	[tilespmem:s19], [sflag:$0x1] =	stream.indirect_vreg.gather [hbm4b:s29+s21], $0x80, v3, vm0, $0xb8;
	[tilespmem:$0x1E200] =	vst v63  }
0x160: {  	_ =	swait.ge [sflag:s18], $0xC000  }
0x161: {  	[sflag:s18] =	ssyncset.done $0x0  }
0x162: {  	s19 =	rddreg [dreg:$0x13];
	[sflag:s18] =	ssyncadd.s32 $0xFFFF4000  }
0x163: {  	[hbm4b:s19+s21] =	stream.linear.scatter [tilespmem:s7], [sflag:$0x5], $0xC000, $0x38;
	[tilespmem:$0x1E200] =	vst v63  }
0x164: {  	_ =	swait.ge [sflag:s30], $0xC000  }
0x165: {  	[sflag:s30] =	ssyncset.done $0x0  }
0x166: {  	[sflag:s30] =	ssyncadd.s32 $0xFFFF4000  }
0x167: {  	_ =	swait.ge [sflag:s15], $0x2000  }
0x168: {  	[sflag:s15] =	ssyncset.done $0x0  }
0x169: {  	[sflag:s15] =	ssyncadd.s32 $0xFFFFE000  }
0x16a: {  	_ =	swait.ge [sflag:s16], $0x2000  }
0x16b: {  	[sflag:s16] =	ssyncset.done $0x0  }
0x16c: {  	s19 =	simm.s32 $0x0;
	[sflag:s16] =	ssyncadd.s32 $0xFFFFE000  }
0x16d: {  	v8 =	vld [tilespmem:s19+$0x18230]  }
0x16e: {  	v9 =	vld [tilespmem:s19+$0x1A230]  }
0x16f: {  	v11 =	vld [tilespmem:s19+$0x18200]  }
0x170: {  	v63 =	vld [tilespmem:s19+$0x1A200]  }
0x171: {  	v5 =	vld [tilespmem:s19+$0x18210]  }
0x172: {  	v7 =	vld [tilespmem:s19+$0x1A210]  }
0x173: {  	v3 =	vld [tilespmem:s19+$0x18220];
	v13 =	vmul.f32 v9, v8  }
0x174: {  	s21 =	simm.s32 $0x80;
	v6 =	vld [tilespmem:s19+$0x1A220];
	v8 =	vadd.f32 v9, v8  }
0x175: {  	s1 =	simm.s32 $0x400;
	v4 =	vld [tilespmem:s21+$0x18230];
	v10 =	vadd.f32 v63, v11;
	v9 =	vmul.f32 v63, v11;
	[tilespmem:s19+$0x1C270] =	vst v13  }
.LBB2_4:
0x176: {  	p0 =	sne.s32 s1, $0x7E00;
	v11 =	vld [tilespmem:s21+$0x1A230];
	[tilespmem:s19+$0x1C230] =	vst v8  }
0x177: {  	v12 =	vld [tilespmem:s21+$0x18200];
	[tilespmem:s19+$0x1C200] =	vst v10;
	v8 =	vadd.f32 v7, v5;
	v10 =	vmul.f32 v7, v5  }
0x178: {  	v13 =	vld [tilespmem:s21+$0x1A200];
	[tilespmem:s19+$0x1C240] =	vst v9  }
.Ltmp1:
0x179: {  	v5 =	vld [tilespmem:s21+$0x18210];
	[tilespmem:s19+$0x1C210] =	vst v8;
	v9 =	vadd.f32 v6, v3;
	v14 =	vmul.f32 v6, v3;
	(pc) =	sbr.rel @p0 .LBB2_4-.Ltmp1, $4  }
0x17a: {  	v7 =	vld [tilespmem:s21+$0x1A210];
	[tilespmem:s19+$0x1C250] =	vst v10  }
0x17b: {  	v3 =	vld [tilespmem:s21+$0x18220];
	v8 =	vadd.f32 v11, v4;
	v11 =	vmul.f32 v11, v4;
	[tilespmem:s19+$0x1C220] =	vst v9  }
0x17c: {  	v6 =	vld [tilespmem:s21+$0x1A220];
	[tilespmem:s19+$0x1C260] =	vst v14;
	s19 =	smov.u32 s21;
	s21 =	sshra.s32 s1, $0x2  }
0x17d: {  	s1 =	sadd.s32 $0x200, s1;
	v4 =	vld [tilespmem:s21+$0x18230];
	v10 =	vadd.f32 v13, v12;
	v9 =	vmul.f32 v13, v12;
	[tilespmem:s19+$0x1C270] =	vst v11  }
0x17e: {  	v11 =	vld [tilespmem:s21+$0x1A230];
	[tilespmem:s19+$0x1C230] =	vst v8  }
0x17f: {  	v8 =	vld [tilespmem:s21+$0x18200];
	[tilespmem:s19+$0x1C200] =	vst v10;
	v12 =	vadd.f32 v7, v5  }
0x180: {  	v5 =	vmul.f32 v7, v5;
	v10 =	vld [tilespmem:s21+$0x1A200];
	[tilespmem:s19+$0x1C240] =	vst v9  }
0x181: {  	v9 =	vld [tilespmem:s21+$0x18210];
	[tilespmem:s19+$0x1C210] =	vst v12;
	v62 =	vadd.f32 v6, v3  }
0x182: {  	v3 =	vmul.f32 v6, v3;
	v7 =	vld [tilespmem:s21+$0x1A210];
	[tilespmem:s19+$0x1C250] =	vst v5  }
0x183: {  	v5 =	vld [tilespmem:s21+$0x18220];
	[tilespmem:s19+$0x1C220] =	vst v62;
	v6 =	vmul.f32 v11, v4  }
0x184: {  	v4 =	vadd.f32 v11, v4;
	v12 =	vld [tilespmem:s21+$0x1A220];
	[tilespmem:s19+$0x1C260] =	vst v3  }
0x185: {  	v3 =	vadd.f32 v10, v8;
	[tilespmem:s21+$0x1C270] =	vst v6  }
0x186: {  	v6 =	vmul.f32 v10, v8;
	[tilespmem:s21+$0x1C230] =	vst v4  }
0x187: {  	[tilespmem:s21+$0x1C200] =	vst v3;
	v3 =	vadd.f32 v7, v9  }
0x188: {  	v4 =	vmul.f32 v7, v9;
	[tilespmem:s21+$0x1C240] =	vst v6  }
0x189: {  	[tilespmem:s21+$0x1C210] =	vst v3;
	v3 =	vadd.f32 v12, v5  }
0x18a: {  	v5 =	vmul.f32 v12, v5;
	[tilespmem:s21+$0x1C250] =	vst v4  }
0x18b: {  	[tilespmem:s21+$0x1C220] =	vst v3  }
0x18c: {  	s1 =	rddreg [dreg:$0x17];
	[tilespmem:s21+$0x1C260] =	vst v5;
	s21 =	simm.s32 $0x0  }
0x18d: {  	[hbm4b:s1+s21] =	stream.linear.scatter [tilespmem:s17], [sflag:$0x5], $0x2000, $0x38;
	[tilespmem:$0x1E200] =	vst v63  }
0x18e: {  	_ =	swait.ge [sflag:s30], $0x2000  }
0x18f: {  	[sflag:s30] =	ssyncset.done $0x0  }
0x190: {  	s19 =	rddreg [dreg:$0xd];
	[sflag:s30] =	ssyncadd.s32 $0xFFFFE000  }
0x191: {  	[tilespmem:s22], [sflag:$0x5] =	stream.linear.gather [hbm4b:s19+s21], $0x40, $0x38;
	[tilespmem:$0x1E200] =	vst v63  }
0x192: {  	_ =	swait.ge [sflag:s30], $0x40  }
0x193: {  	[sflag:s30] =	ssyncset.done $0x0  }
0x194: {  	[sflag:s30] =	ssyncadd.s32 $0xFFFFFFC0  }
0x195: {  	[tilespmem:s23], [sflag:$0x3] =	stream.indirect.gather [hbm4b:s24+s3], $0x80, s22, s3, $0xb8;
	[tilespmem:$0x1E200] =	vst v63  }
0x196: {  	s19 =	rddreg [dreg:$0xe]  }
0x197: {  	[tilespmem:s4], [sflag:$0x5] =	stream.linear.gather [hbm4b:s19+s21], $0x40, $0x38;
	[tilespmem:$0x1E200] =	vst v63  }
0x198: {  	_ =	swait.ge [sflag:s30], $0x40  }
0x199: {  	[sflag:s30] =	ssyncset.done $0x0  }
0x19a: {  	[sflag:s30] =	ssyncadd.s32 $0xFFFFFFC0  }
0x19b: {  	[tilespmem:s5], [sflag:$0x4] =	stream.indirect.gather [hbm4b:s25+s3], $0x80, s4, s3, $0xb8;
	[tilespmem:$0x1E200] =	vst v63  }
0x19c: {  	s19 =	simm.s32 $0x80;
	s1 =	rddreg [dreg:$0xf]  }
0x19d: {  	[tilespmem:s19], [sflag:$0x5] =	stream.linear.gather [hbm4b:s1+s21], $0x40, $0x38;
	[tilespmem:$0x1E200] =	vst v63  }
0x19e: {  	_ =	swait.ge [sflag:s30], $0x40  }
0x19f: {  	[sflag:s30] =	ssyncset.done $0x0  }
0x1a0: {  	[sflag:s30] =	ssyncadd.s32 $0xFFFFFFC0  }
0x1a1: {  	v3 =	vld [tilespmem:$0x80];
	_ =	sdelay $0x4  }
0x1a2: {  	v4 =	vshrl.u32 v3, $0x3  }
0x1a3: {  	v4 =	vmul.u32 $0x30, v4  }
0x1a4: {  	v3 =	vand.u32 $0x7, v3  }
0x1a5: {  	v3 =	vor.u32 v3, v4  }
0x1a6: {  	v4 =	vperm.xlane v3, v0;
	_ =	sdelay $0x1  }
0x1a7: {  	v4 =	vadd.s32 v1, v4;
	_ =	sdelay $0x3  }
0x1a8: {  	v3 =	vperm.xlane v3, v2  }
0x1a9: {  	[tilespmem:s7], [sflag:$0x2] =	stream.indirect_vreg.gather [hbm4b:s0+s21], $0x80, v4, vm0, $0xb8;
	[tilespmem:$0x1E200] =	vst v63  }
0x1aa: {  	s19 =	simm.s32 $0xC900;
	v3 =	vadd.s32 v1, v3  }
0x1ab: {  	[tilespmem:s19], [sflag:$0x2] =	stream.indirect_vreg.gather [hbm4b:s28+s21], $0x80, v4, vm0, $0xb8;
	[tilespmem:$0x1E200] =	vst v63  }
0x1ac: {  	s19 =	simm.s32 $0xD100  }
0x1ad: {  	[tilespmem:s19], [sflag:$0x2] =	stream.indirect_vreg.gather [hbm4b:s29+s21], $0x80, v4, vm0, $0xb8;
	[tilespmem:$0x1E200] =	vst v63  }
0x1ae: {  	s19 =	simm.s32 $0xD900  }
0x1af: {  	[tilespmem:s19], [sflag:$0x2] =	stream.indirect_vreg.gather [hbm4b:s0+s21], $0x80, v3, vm0, $0xb8;
	[tilespmem:$0x1E200] =	vst v63  }
0x1b0: {  	s19 =	simm.s32 $0xE100  }
0x1b1: {  	[tilespmem:s19], [sflag:$0x2] =	stream.indirect_vreg.gather [hbm4b:s28+s21], $0x80, v3, vm0, $0xb8;
	[tilespmem:$0x1E200] =	vst v63  }
0x1b2: {  	s19 =	simm.s32 $0xE900  }
0x1b3: {  	[tilespmem:s19], [sflag:$0x2] =	stream.indirect_vreg.gather [hbm4b:s29+s21], $0x80, v3, vm0, $0xb8;
	[tilespmem:$0x1E200] =	vst v63  }
0x1b4: {  	v3 =	vld [tilespmem:$0x90];
	_ =	sdelay $0x4  }
0x1b5: {  	v4 =	vshrl.u32 v3, $0x3  }
0x1b6: {  	v4 =	vmul.u32 $0x30, v4  }
0x1b7: {  	v3 =	vand.u32 $0x7, v3  }
0x1b8: {  	v3 =	vor.u32 v3, v4  }
0x1b9: {  	v4 =	vperm.xlane v3, v0;
	_ =	sdelay $0x1  }
0x1ba: {  	v4 =	vadd.s32 v1, v4;
	_ =	sdelay $0x3  }
0x1bb: {  	s19 =	simm.s32 $0xF100;
	v3 =	vperm.xlane v3, v2  }
0x1bc: {  	[tilespmem:s19], [sflag:$0x2] =	stream.indirect_vreg.gather [hbm4b:s0+s21], $0x80, v4, vm0, $0xb8;
	[tilespmem:$0x1E200] =	vst v63  }
0x1bd: {  	v3 =	vadd.s32 v1, v3;
	s19 =	simm.s32 $0xF900  }
0x1be: {  	[tilespmem:s19], [sflag:$0x2] =	stream.indirect_vreg.gather [hbm4b:s28+s21], $0x80, v4, vm0, $0xb8;
	[tilespmem:$0x1E200] =	vst v63  }
0x1bf: {  	s19 =	simm.s32 $0x10100  }
0x1c0: {  	[tilespmem:s19], [sflag:$0x2] =	stream.indirect_vreg.gather [hbm4b:s29+s21], $0x80, v4, vm0, $0xb8;
	[tilespmem:$0x1E200] =	vst v63  }
0x1c1: {  	s19 =	simm.s32 $0x10900  }
0x1c2: {  	[tilespmem:s19], [sflag:$0x2] =	stream.indirect_vreg.gather [hbm4b:s0+s21], $0x80, v3, vm0, $0xb8;
	[tilespmem:$0x1E200] =	vst v63  }
0x1c3: {  	s19 =	simm.s32 $0x11100  }
0x1c4: {  	[tilespmem:s19], [sflag:$0x2] =	stream.indirect_vreg.gather [hbm4b:s28+s21], $0x80, v3, vm0, $0xb8;
	[tilespmem:$0x1E200] =	vst v63  }
0x1c5: {  	s19 =	simm.s32 $0x11900  }
0x1c6: {  	[tilespmem:s19], [sflag:$0x2] =	stream.indirect_vreg.gather [hbm4b:s29+s21], $0x80, v3, vm0, $0xb8;
	[tilespmem:$0x1E200] =	vst v63  }
0x1c7: {  	v3 =	vld [tilespmem:$0xA0];
	_ =	sdelay $0x4  }
0x1c8: {  	v4 =	vshrl.u32 v3, $0x3  }
0x1c9: {  	v4 =	vmul.u32 $0x30, v4  }
0x1ca: {  	v3 =	vand.u32 $0x7, v3  }
0x1cb: {  	v3 =	vor.u32 v3, v4  }
0x1cc: {  	v4 =	vperm.xlane v3, v0;
	_ =	sdelay $0x1  }
0x1cd: {  	v4 =	vadd.s32 v1, v4;
	_ =	sdelay $0x3  }
0x1ce: {  	s19 =	simm.s32 $0x12100;
	v3 =	vperm.xlane v3, v2  }
0x1cf: {  	[tilespmem:s19], [sflag:$0x2] =	stream.indirect_vreg.gather [hbm4b:s0+s21], $0x80, v4, vm0, $0xb8;
	[tilespmem:$0x1E200] =	vst v63  }
0x1d0: {  	v3 =	vadd.s32 v1, v3;
	s19 =	simm.s32 $0x12900  }
0x1d1: {  	[tilespmem:s19], [sflag:$0x2] =	stream.indirect_vreg.gather [hbm4b:s28+s21], $0x80, v4, vm0, $0xb8;
	[tilespmem:$0x1E200] =	vst v63  }
0x1d2: {  	s19 =	simm.s32 $0x13100  }
0x1d3: {  	[tilespmem:s19], [sflag:$0x2] =	stream.indirect_vreg.gather [hbm4b:s29+s21], $0x80, v4, vm0, $0xb8;
	[tilespmem:$0x1E200] =	vst v63  }
0x1d4: {  	s19 =	simm.s32 $0x13900  }
0x1d5: {  	[tilespmem:s19], [sflag:$0x2] =	stream.indirect_vreg.gather [hbm4b:s0+s21], $0x80, v3, vm0, $0xb8;
	[tilespmem:$0x1E200] =	vst v63  }
0x1d6: {  	_ = 	snop  }
0x1d7: {  	[tilespmem:s2], [sflag:$0x2] =	stream.indirect_vreg.gather [hbm4b:s28+s21], $0x80, v3, vm0, $0xb8;
	[tilespmem:$0x1E200] =	vst v63  }
0x1d8: {  	_ = 	snop  }
0x1d9: {  	[tilespmem:s6], [sflag:$0x2] =	stream.indirect_vreg.gather [hbm4b:s29+s21], $0x80, v3, vm0, $0xb8;
	[tilespmem:$0x1E200] =	vst v63  }
0x1da: {  	v3 =	vld [tilespmem:$0xB0];
	_ =	sdelay $0x4  }
0x1db: {  	v4 =	vshrl.u32 v3, $0x3  }
0x1dc: {  	v4 =	vmul.u32 $0x30, v4  }
0x1dd: {  	v3 =	vand.u32 $0x7, v3  }
0x1de: {  	v3 =	vor.u32 v3, v4  }
0x1df: {  	v4 =	vperm.xlane v3, v0;
	_ =	sdelay $0x1  }
0x1e0: {  	v4 =	vadd.s32 v1, v4;
	_ =	sdelay $0x3  }
0x1e1: {  	v3 =	vperm.xlane v3, v2  }
0x1e2: {  	[tilespmem:s26], [sflag:$0x2] =	stream.indirect_vreg.gather [hbm4b:s0+s21], $0x80, v4, vm0, $0xb8;
	[tilespmem:$0x1E200] =	vst v63  }
0x1e3: {  	v3 =	vadd.s32 v1, v3  }
0x1e4: {  	[tilespmem:s8], [sflag:$0x2] =	stream.indirect_vreg.gather [hbm4b:s28+s21], $0x80, v4, vm0, $0xb8;
	[tilespmem:$0x1E200] =	vst v63  }
0x1e5: {  	_ = 	snop  }
0x1e6: {  	[tilespmem:s9], [sflag:$0x2] =	stream.indirect_vreg.gather [hbm4b:s29+s21], $0x80, v4, vm0, $0xb8;
	[tilespmem:$0x1E200] =	vst v63  }
0x1e7: {  	_ = 	snop  }
0x1e8: {  	[tilespmem:s10], [sflag:$0x2] =	stream.indirect_vreg.gather [hbm4b:s0+s21], $0x80, v3, vm0, $0xb8;
	[tilespmem:$0x1E200] =	vst v63  }
0x1e9: {  	_ = 	snop  }
0x1ea: {  	[tilespmem:s11], [sflag:$0x2] =	stream.indirect_vreg.gather [hbm4b:s28+s21], $0x80, v3, vm0, $0xb8;
	[tilespmem:$0x1E200] =	vst v63  }
0x1eb: {  	_ = 	snop  }
0x1ec: {  	[tilespmem:s12], [sflag:$0x2] =	stream.indirect_vreg.gather [hbm4b:s29+s21], $0x80, v3, vm0, $0xb8;
	[tilespmem:$0x1E200] =	vst v63  }
0x1ed: {  	_ =	swait.ge [sflag:s13], $0xC000  }
0x1ee: {  	[sflag:s13] =	ssyncset.done $0x0  }
0x1ef: {  	s19 =	rddreg [dreg:$0x14];
	[sflag:s13] =	ssyncadd.s32 $0xFFFF4000  }
0x1f0: {  	[hbm4b:s19+s21] =	stream.linear.scatter [tilespmem:s31], [sflag:$0x5], $0xC000, $0x38;
	[tilespmem:$0x1E200] =	vst v63  }
0x1f1: {  	_ =	swait.ge [sflag:s30], $0xC000  }
0x1f2: {  	[sflag:s30] =	ssyncset.done $0x0  }
0x1f3: {  	[sflag:s30] =	ssyncadd.s32 $0xFFFF4000  }
0x1f4: {  	_ =	swait.ge [sflag:s15], $0x2000  }
0x1f5: {  	[sflag:s15] =	ssyncset.done $0x0  }
0x1f6: {  	[sflag:s15] =	ssyncadd.s32 $0xFFFFE000  }
0x1f7: {  	_ =	swait.ge [sflag:s16], $0x2000  }
0x1f8: {  	[sflag:s16] =	ssyncset.done $0x0  }
0x1f9: {  	s19 =	simm.s32 $0x0;
	[sflag:s16] =	ssyncadd.s32 $0xFFFFE000  }
0x1fa: {  	v8 =	vld [tilespmem:s19+$0x18230]  }
0x1fb: {  	v9 =	vld [tilespmem:s19+$0x1A230]  }
0x1fc: {  	v11 =	vld [tilespmem:s19+$0x18200]  }
0x1fd: {  	v63 =	vld [tilespmem:s19+$0x1A200]  }
0x1fe: {  	v5 =	vld [tilespmem:s19+$0x18210]  }
0x1ff: {  	v7 =	vld [tilespmem:s19+$0x1A210]  }
0x200: {  	v3 =	vld [tilespmem:s19+$0x18220];
	v13 =	vmul.f32 v9, v8  }
0x201: {  	s21 =	simm.s32 $0x80;
	v6 =	vld [tilespmem:s19+$0x1A220];
	v8 =	vadd.f32 v9, v8  }
0x202: {  	s1 =	simm.s32 $0x400;
	v4 =	vld [tilespmem:s21+$0x18230];
	v10 =	vadd.f32 v63, v11;
	v9 =	vmul.f32 v63, v11;
	[tilespmem:s19+$0x1C270] =	vst v13  }
.LBB2_6:
0x203: {  	p0 =	sne.s32 s1, $0x7E00;
	v11 =	vld [tilespmem:s21+$0x1A230];
	[tilespmem:s19+$0x1C230] =	vst v8  }
0x204: {  	v12 =	vld [tilespmem:s21+$0x18200];
	[tilespmem:s19+$0x1C200] =	vst v10;
	v8 =	vadd.f32 v7, v5;
	v10 =	vmul.f32 v7, v5  }
0x205: {  	v13 =	vld [tilespmem:s21+$0x1A200];
	[tilespmem:s19+$0x1C240] =	vst v9  }
.Ltmp2:
0x206: {  	v5 =	vld [tilespmem:s21+$0x18210];
	[tilespmem:s19+$0x1C210] =	vst v8;
	v9 =	vadd.f32 v6, v3;
	v14 =	vmul.f32 v6, v3;
	(pc) =	sbr.rel @p0 .LBB2_6-.Ltmp2, $4  }
0x207: {  	v7 =	vld [tilespmem:s21+$0x1A210];
	[tilespmem:s19+$0x1C250] =	vst v10  }
0x208: {  	v3 =	vld [tilespmem:s21+$0x18220];
	v8 =	vadd.f32 v11, v4;
	v11 =	vmul.f32 v11, v4;
	[tilespmem:s19+$0x1C220] =	vst v9  }
0x209: {  	v6 =	vld [tilespmem:s21+$0x1A220];
	[tilespmem:s19+$0x1C260] =	vst v14;
	s19 =	smov.u32 s21;
	s21 =	sshra.s32 s1, $0x2  }
0x20a: {  	s1 =	sadd.s32 $0x200, s1;
	v4 =	vld [tilespmem:s21+$0x18230];
	v10 =	vadd.f32 v13, v12;
	v9 =	vmul.f32 v13, v12;
	[tilespmem:s19+$0x1C270] =	vst v11  }
0x20b: {  	v11 =	vld [tilespmem:s21+$0x1A230];
	[tilespmem:s19+$0x1C230] =	vst v8  }
0x20c: {  	v8 =	vld [tilespmem:s21+$0x18200];
	[tilespmem:s19+$0x1C200] =	vst v10;
	v12 =	vadd.f32 v7, v5  }
0x20d: {  	v5 =	vmul.f32 v7, v5;
	v10 =	vld [tilespmem:s21+$0x1A200];
	[tilespmem:s19+$0x1C240] =	vst v9  }
0x20e: {  	v9 =	vld [tilespmem:s21+$0x18210];
	[tilespmem:s19+$0x1C210] =	vst v12;
	v62 =	vadd.f32 v6, v3  }
0x20f: {  	v3 =	vmul.f32 v6, v3;
	v7 =	vld [tilespmem:s21+$0x1A210];
	[tilespmem:s19+$0x1C250] =	vst v5  }
0x210: {  	v5 =	vld [tilespmem:s21+$0x18220];
	[tilespmem:s19+$0x1C220] =	vst v62;
	v6 =	vmul.f32 v11, v4  }
0x211: {  	v4 =	vadd.f32 v11, v4;
	v12 =	vld [tilespmem:s21+$0x1A220];
	[tilespmem:s19+$0x1C260] =	vst v3  }
0x212: {  	v3 =	vadd.f32 v10, v8;
	[tilespmem:s21+$0x1C270] =	vst v6  }
0x213: {  	v6 =	vmul.f32 v10, v8;
	[tilespmem:s21+$0x1C230] =	vst v4  }
0x214: {  	[tilespmem:s21+$0x1C200] =	vst v3;
	v3 =	vadd.f32 v7, v9  }
0x215: {  	v4 =	vmul.f32 v7, v9;
	[tilespmem:s21+$0x1C240] =	vst v6  }
0x216: {  	[tilespmem:s21+$0x1C210] =	vst v3;
	v3 =	vadd.f32 v12, v5  }
0x217: {  	v5 =	vmul.f32 v12, v5;
	[tilespmem:s21+$0x1C250] =	vst v4  }
0x218: {  	[tilespmem:s21+$0x1C220] =	vst v3  }
0x219: {  	s1 =	simm.s32 $0x0;
	[tilespmem:s21+$0x1C260] =	vst v5;
	s21 =	rddreg [dreg:$0x18]  }
0x21a: {  	[hbm4b:s21+s1] =	stream.linear.scatter [tilespmem:s17], [sflag:$0x5], $0x2000, $0x38;
	[tilespmem:$0x1E200] =	vst v63  }
0x21b: {  	_ =	swait.ge [sflag:s30], $0x2000  }
0x21c: {  	[sflag:s30] =	ssyncset.done $0x0  }
0x21d: {  	s21 =	rddreg [dreg:$0x10];
	[sflag:s30] =	ssyncadd.s32 $0xFFFFE000  }
0x21e: {  	[tilespmem:s22], [sflag:$0x5] =	stream.linear.gather [hbm4b:s21+s1], $0x40, $0x38;
	[tilespmem:$0x1E200] =	vst v63  }
0x21f: {  	_ =	swait.ge [sflag:s30], $0x40  }
0x220: {  	[sflag:s30] =	ssyncset.done $0x0  }
0x221: {  	[sflag:s30] =	ssyncadd.s32 $0xFFFFFFC0  }
0x222: {  	[tilespmem:s23], [sflag:$0x3] =	stream.indirect.gather [hbm4b:s24+s3], $0x80, s22, s3, $0xb8;
	[tilespmem:$0x1E200] =	vst v63  }
0x223: {  	s21 =	rddreg [dreg:$0x11]  }
0x224: {  	[tilespmem:s4], [sflag:$0x5] =	stream.linear.gather [hbm4b:s21+s1], $0x40, $0x38;
	[tilespmem:$0x1E200] =	vst v63  }
0x225: {  	_ =	swait.ge [sflag:s30], $0x40  }
0x226: {  	[sflag:s30] =	ssyncset.done $0x0  }
0x227: {  	[sflag:s30] =	ssyncadd.s32 $0xFFFFFFC0  }
0x228: {  	[tilespmem:s5], [sflag:$0x4] =	stream.indirect.gather [hbm4b:s25+s3], $0x80, s4, s3, $0xb8;
	[tilespmem:$0x1E200] =	vst v63  }
0x229: {  	_ =	swait.ge [sflag:s18], $0xC000  }
0x22a: {  	[sflag:s18] =	ssyncset.done $0x0  }
0x22b: {  	s21 =	rddreg [dreg:$0x15];
	[sflag:s18] =	ssyncadd.s32 $0xFFFF4000  }
0x22c: {  	[hbm4b:s21+s1] =	stream.linear.scatter [tilespmem:s7], [sflag:$0x5], $0xC000, $0x38;
	[tilespmem:$0x1E200] =	vst v63  }
0x22d: {  	_ =	swait.ge [sflag:s30], $0xC000  }
0x22e: {  	[sflag:s30] =	ssyncset.done $0x0  }
0x22f: {  	[sflag:s30] =	ssyncadd.s32 $0xFFFF4000  }
0x230: {  	_ =	swait.ge [sflag:s15], $0x2000  }
0x231: {  	[sflag:s15] =	ssyncset.done $0x0  }
0x232: {  	[sflag:s15] =	ssyncadd.s32 $0xFFFFE000  }
0x233: {  	_ =	swait.ge [sflag:s16], $0x2000  }
0x234: {  	[sflag:s16] =	ssyncset.done $0x0  }
0x235: {  	s19 =	simm.s32 $0x0;
	[sflag:s16] =	ssyncadd.s32 $0xFFFFE000  }
0x236: {  	v8 =	vld [tilespmem:s19+$0x18230]  }
0x237: {  	v9 =	vld [tilespmem:s19+$0x1A230]  }
0x238: {  	v11 =	vld [tilespmem:s19+$0x18200]  }
0x239: {  	v63 =	vld [tilespmem:s19+$0x1A200]  }
0x23a: {  	v5 =	vld [tilespmem:s19+$0x18210]  }
0x23b: {  	v7 =	vld [tilespmem:s19+$0x1A210]  }
0x23c: {  	v3 =	vld [tilespmem:s19+$0x18220];
	v13 =	vmul.f32 v9, v8  }
0x23d: {  	s21 =	simm.s32 $0x80;
	v6 =	vld [tilespmem:s19+$0x1A220];
	v8 =	vadd.f32 v9, v8  }
0x23e: {  	s1 =	simm.s32 $0x400;
	v4 =	vld [tilespmem:s21+$0x18230];
	v10 =	vadd.f32 v63, v11;
	v9 =	vmul.f32 v63, v11;
	[tilespmem:s19+$0x1C270] =	vst v13  }
.LBB2_8:
0x23f: {  	p0 =	sne.s32 s1, $0x7E00;
	v11 =	vld [tilespmem:s21+$0x1A230];
	[tilespmem:s19+$0x1C230] =	vst v8  }
0x240: {  	v12 =	vld [tilespmem:s21+$0x18200];
	[tilespmem:s19+$0x1C200] =	vst v10;
	v8 =	vadd.f32 v7, v5;
	v10 =	vmul.f32 v7, v5  }
0x241: {  	v13 =	vld [tilespmem:s21+$0x1A200];
	[tilespmem:s19+$0x1C240] =	vst v9  }
.Ltmp3:
0x242: {  	v5 =	vld [tilespmem:s21+$0x18210];
	[tilespmem:s19+$0x1C210] =	vst v8;
	v9 =	vadd.f32 v6, v3;
	v14 =	vmul.f32 v6, v3;
	(pc) =	sbr.rel @p0 .LBB2_8-.Ltmp3, $4  }
0x243: {  	v7 =	vld [tilespmem:s21+$0x1A210];
	[tilespmem:s19+$0x1C250] =	vst v10  }
0x244: {  	v3 =	vld [tilespmem:s21+$0x18220];
	v8 =	vadd.f32 v11, v4;
	v11 =	vmul.f32 v11, v4;
	[tilespmem:s19+$0x1C220] =	vst v9  }
0x245: {  	v6 =	vld [tilespmem:s21+$0x1A220];
	[tilespmem:s19+$0x1C260] =	vst v14;
	s19 =	smov.u32 s21;
	s21 =	sshra.s32 s1, $0x2  }
0x246: {  	s1 =	sadd.s32 $0x200, s1;
	v4 =	vld [tilespmem:s21+$0x18230];
	v10 =	vadd.f32 v13, v12;
	v9 =	vmul.f32 v13, v12;
	[tilespmem:s19+$0x1C270] =	vst v11  }
0x247: {  	v11 =	vld [tilespmem:s21+$0x1A230];
	[tilespmem:s19+$0x1C230] =	vst v8  }
0x248: {  	v8 =	vld [tilespmem:s21+$0x18200];
	[tilespmem:s19+$0x1C200] =	vst v10;
	v12 =	vadd.f32 v7, v5  }
0x249: {  	v57 =	vmul.f32 v7, v5;
	v10 =	vld [tilespmem:s21+$0x1A200];
	[tilespmem:s19+$0x1C240] =	vst v9  }
0x24a: {  	v9 =	vld [tilespmem:s21+$0x18210];
	[tilespmem:s19+$0x1C210] =	vst v12;
	v59 =	vadd.f32 v6, v3  }
0x24b: {  	v3 =	vmul.f32 v6, v3;
	v58 =	vld [tilespmem:s21+$0x1A210];
	[tilespmem:s19+$0x1C250] =	vst v57  }
0x24c: {  	v5 =	vld [tilespmem:s21+$0x18220];
	[tilespmem:s19+$0x1C220] =	vst v59;
	v60 =	vmul.f32 v11, v4  }
0x24d: {  	v61 =	vadd.f32 v11, v4;
	v12 =	vld [tilespmem:s21+$0x1A220];
	[tilespmem:s19+$0x1C260] =	vst v3  }
0x24e: {  	v3 =	vadd.f32 v10, v8;
	[tilespmem:s21+$0x1C270] =	vst v60  }
0x24f: {  	v62 =	vmul.f32 v10, v8;
	[tilespmem:s21+$0x1C230] =	vst v61  }
0x250: {  	[tilespmem:s21+$0x1C200] =	vst v3;
	v3 =	vadd.f32 v58, v9  }
0x251: {  	v63 =	vmul.f32 v58, v9;
	[tilespmem:s21+$0x1C240] =	vst v62  }
0x252: {  	[tilespmem:s21+$0x1C210] =	vst v3;
	v3 =	vadd.f32 v12, v5  }
0x253: {  	v5 =	vmul.f32 v12, v5;
	[tilespmem:s21+$0x1C250] =	vst v63  }
0x254: {  	[tilespmem:s21+$0x1C220] =	vst v3  }
0x255: {  	s1 =	rddreg [dreg:$0x19];
	[tilespmem:s21+$0x1C260] =	vst v5  }
0x256: {  	[hbm4b:s1+s14] =	stream.linear.scatter [tilespmem:s17], [sflag:$0x5], $0x2000, $0x38;
	[tilespmem:$0x1E200] =	vst v63  }
0x257: {  	_ =	swait.ge [sflag:s30], $0x2000  }
0x258: {  	s20 =	sadd.s32 $0x1, s20;
	s21 =	rddreg [dreg:$0x1a]  }
0x259: {  	p0 =	sne.s32 s20, s21  }
.Ltmp4:
0x25a: {  	_ = 	snop;
	(pc) =	sbr.rel @p0 .LBB2_1-.Ltmp4, $3  }
0x25b: {  	_ =	sdelay $0x1  }
0x25c: {  	[sflag:s30] =	ssyncset.done $0x0  }
0x25d: {  	[sflag:s30] =	ssyncadd.s32 $0xFFFFE000  }
0x25e: {  	_ =	sfence.sel $0x180000  }
0x25f: {  	[bflag:$0x0] =	sbarrier.arrive $0xFFFF  }
0x260: {  	_ =	strace $0x9000004A  }
0x261: {  	s0 =	stileid.u32;
	[bflag:$0x2] =	sbarrier.arrive $0xFFFF  }
0x262: {  	p0 =	sne.s32 s0, $0x0;
	s0 =	rddreg [dreg:$0x5]  }
0x263: {  	s0 =	sadd.s32 @!p0 $0x100000, s0  }
0x264: {  	[sflag:s0] =	ssyncadd.tile.s32 @!p0 $0x1;
	_ =	shalt  }
.Lfunc_end2:
_tile_overlayer_lowered:
.L_overlay_start_2:
0x265: {  	(tag) =	ssettag $0x2  }
0x266: {  	s0 =	rddreg [dreg:$0x0];
	s2 =	stileid.u32  }
0x267: {  	s1 =	rddreg [dreg:$0x1];
	p0 =	sne.s32 s2, $0x0  }
0x268: {  	s3 =	rddreg [dreg:$0x2];
	[bflag:$0x3] =	sbarrier.arrive $0xFFFF;
	s2 =	simm.s32 @!p0 $0x1C05  }
0x269: {  	[timem:s3], [sflag:s2] =	dma.local @!p0 [hbm:s0], s1  }
0x26a: {  	s0 =	simm.s32 @!p0 $0x5  }
0x26b: {  	_ =	swait.ge @!p0 [sflag:s0], s1  }
0x26c: {  	s1 =	ssub.s32 @!p0 $0x0, s1;
	[sflag:s0] =	ssyncset.done @!p0 $0x0  }
0x26d: {  	[sflag:s0] =	ssyncadd.s32 @!p0 s1  }
0x26e: {  	[bflag:$0x3] =	sbarrier.arrive $0xFFFF  }
0x26f: {  	_ =	shalt  }

// kernel: kernel.9.cloned.1.call-start
scs
__scs_entry_jumppad:
0x0: {  	(pc) =	sbr.rel $0x88, $3  }
0x1: {  	(tag) =	ssettag $0x0;
	lr =	simm.s32 $0x1  }
0x2: {  	[smem:$0x3F97] =	sst lr;
	_ =	strace $0xD0000000  }
0x3: {  	_ = 	snop  }
0x4: {  	_ = 	snop  }
0x5: {  	_ = 	snop  }
0x6: {  	_ = 	snop  }
0x7: {  	_ = 	snop  }
__scs_overlays_trampoline_lowered:
0x8: {  	[smem:$0x3FA6] =	sst s0  }
0x9: {  	[smem:$0x3FA7] =	sst s1  }
0xa: {  	[smem:$0x3FA8] =	sst s2  }
0xb: {  	[smem:$0x3FA9] =	sst s3  }
0xc: {  	[smem:$0x3FAA] =	sst s4  }
0xd: {  	[smem:$0x3FAB] =	sst s5  }
0xe: {  	[smem:$0x3FAC] =	sst s6  }
0xf: {  	[smem:$0x3FAD] =	sst s7  }
0x10: {  	[smem:$0x3FAE] =	sst s8  }
0x11: {  	[smem:$0x3FAF] =	sst s9;
	s0 =	simm.s32 @!p0 $0x0  }
0x12: {  	s1 =	sld [smem:$0x3F95];
	s0 =	simm.s32 @p0 $0x1  }
0x13: {  	[smem:$0x3FB0] =	sst s0;
	s0 =	simm.s32 @!p1 $0x0  }
0x14: {  	s2 =	sld [smem:$0x3F94];
	s0 =	simm.s32 @p1 $0x1  }
0x15: {  	[smem:$0x3FB1] =	sst s0;
	s0 =	simm.s32 @!p2 $0x0  }
0x16: {  	s3 =	sld [smem:$0x3FDB];
	s0 =	simm.s32 @p2 $0x1  }
0x17: {  	s4 =	simm.s32 $0x1BF5;
	[smem:$0x3FB3] =	sst s0  }
0x18: {  	s0 =	sld [smem:$0x3F96];
	_ =	swait.ge [sflag:s4], $0x0  }
0x19: {  	s7 =	sld [smem:$0x3F97]  }
0x1a: {  	s8 =	sadd.s32 $0xFFFFE003, lr  }
0x1b: {  	s9 =	sadd.s32 $0xFFFFFEF7, lr;
	s5 =	simm.s32 $0xFFFFFFFF;
	p2 =	slt.u32 s8, $0xFFFFF086  }
0x1c: {  	p1 =	slt.u32 s9, $0xF7A;
	s5 =	simm.s32 @!p2 $0x0  }
0x1d: {  	s5 =	simm.s32 @p1 $0x1;
	p0 =	seq.s32 s7, s2  }
0x1e: {  	s7 =	smul.u32 @!p0 $0xF7A, s2;
	p2 =	seq.s32 @!p0 s5, $0x0  }
0x1f: {  	s9 =	smul.u32 $0xF7A, s1;
	s8 =	simm.s32 @!p0 $0x1BF5;
	p2 =	por !p2, p0  }
0x20: {  	[sflag:s8] =	ssyncset.s32 @!p0 $0xFFFFF086;
	s6 =	sadd.s32 @!p0 s3, s7;
	s7 =	simm.s32 @!p0 $0x108  }
0x21: {  	s3 =	sadd.s32 s3, s9;
	s6 =	sadd.s32 @!p0 $0x88, s6;
	s7 =	simm.s32 @p2 $0x1082  }
0x22: {  	[simem:s7], [sflag:s8] =	dma.local @!p0 [hbm:s6], $0xF7A  }
0x23: {  	s9 =	sor.u32 $0xD0000000, s2;
	s6 =	simm.s32 $0x108;
	_ =	swait.ge @!p0 [sflag:s8], $0x0  }
0x24: {  	s3 =	sadd.s32 $0x88, s3;
	s6 =	simm.s32 @!p1 $0x1082;
	[sflag:s4] =	ssyncset.s32 $0xFFFFF086  }
0x25: {  	[simem:s6], [sflag:s4] =	dma.local [hbm:s3], $0xF7A  }
0x26: {  	[smem:$0x3F97] =	sst s1;
	(tag) =	ssettag s2;
	_ =	strace s9  }
0x27: {  	s1 =	sld [smem:$0x3FA7]  }
0x28: {  	s2 =	sld [smem:$0x3FA8]  }
0x29: {  	s4 =	sld [smem:$0x3FAA]  }
0x2a: {  	p0 =	seq.s32 s5, $0x0;
	s5 =	sld [smem:$0x3FAB]  }
0x2b: {  	s6 =	sld [smem:$0x3FAC]  }
0x2c: {  	s7 =	sld [smem:$0x3FAD]  }
0x2d: {  	s3 =	simm.s32 $0x108;
	s8 =	sld [smem:$0x3FAE]  }
0x2e: {  	s3 =	simm.s32 @!p0 $0x1082;
	s9 =	sld [smem:$0x3FAF]  }
0x2f: {  	lr =	sadd.s32 s0, s3;
	s0 =	sld [smem:$0x3FA6]  }
0x30: {  	s3 =	sld [smem:$0x3FA9]  }
0x31: {  	[smem:$0x3FB2] =	sst s10  }
0x32: {  	s10 =	sld [smem:$0x3FB0];
	_ =	sdelay $0x3  }
0x33: {  	p0 =	seq.s32 s10, $0x1;
	s10 =	sld [smem:$0x3FB2];
	_ =	sdelay $0x3  }
0x34: {  	[smem:$0x3FB2] =	sst s10  }
0x35: {  	s10 =	sld [smem:$0x3FB1];
	_ =	sdelay $0x3  }
0x36: {  	p1 =	seq.s32 s10, $0x1;
	s10 =	sld [smem:$0x3FB2];
	_ =	sdelay $0x3  }
0x37: {  	[smem:$0x3FB2] =	sst s10  }
0x38: {  	s10 =	sld [smem:$0x3FB3]  }
0x39: {  	_ = 	snop;
	(pc) =	sbr.ind lr, $3  }
0x3a: {  	_ = 	snop  }
0x3b: {  	_ = 	snop  }
0x3c: {  	p2 =	seq.s32 s10, $0x1;
	s10 =	sld [smem:$0x3FB2]  }
0x3d: {  	_ =	shalt  }
0x3e: {  	_ =	shalt  }
0x3f: {  	_ =	shalt  }
0x40: {  	_ =	shalt  }
0x41: {  	_ =	shalt  }
0x42: {  	_ =	shalt  }
0x43: {  	_ =	shalt  }
0x44: {  	_ =	shalt  }
0x45: {  	_ =	shalt  }
0x46: {  	_ =	shalt  }
0x47: {  	_ =	shalt  }
0x48: {  	_ =	shalt  }
0x49: {  	_ =	shalt  }
0x4a: {  	_ =	shalt  }
0x4b: {  	_ =	shalt  }
0x4c: {  	_ =	shalt  }
0x4d: {  	_ =	shalt  }
0x4e: {  	_ =	shalt  }
0x4f: {  	_ =	shalt  }
0x50: {  	_ =	shalt  }
0x51: {  	_ =	shalt  }
0x52: {  	_ =	shalt  }
0x53: {  	_ =	shalt  }
0x54: {  	_ =	shalt  }
0x55: {  	_ =	shalt  }
0x56: {  	_ =	shalt  }
0x57: {  	_ =	shalt  }
0x58: {  	_ =	shalt  }
0x59: {  	_ =	shalt  }
0x5a: {  	_ =	shalt  }
0x5b: {  	_ =	shalt  }
0x5c: {  	_ =	shalt  }
0x5d: {  	_ =	shalt  }
0x5e: {  	_ =	shalt  }
0x5f: {  	_ =	shalt  }
0x60: {  	_ =	shalt  }
0x61: {  	_ =	shalt  }
0x62: {  	_ =	shalt  }
0x63: {  	_ =	shalt  }
0x64: {  	_ =	shalt  }
0x65: {  	_ =	shalt  }
0x66: {  	_ =	shalt  }
0x67: {  	_ =	shalt  }
0x68: {  	_ =	shalt  }
0x69: {  	_ =	shalt  }
0x6a: {  	_ =	shalt  }
0x6b: {  	_ =	shalt  }
0x6c: {  	_ =	shalt  }
0x6d: {  	_ =	shalt  }
0x6e: {  	_ =	shalt  }
0x6f: {  	_ =	shalt  }
0x70: {  	_ =	shalt  }
0x71: {  	_ =	shalt  }
0x72: {  	_ =	shalt  }
0x73: {  	_ =	shalt  }
0x74: {  	_ =	shalt  }
0x75: {  	_ =	shalt  }
0x76: {  	_ =	shalt  }
0x77: {  	_ =	shalt  }
0x78: {  	_ =	shalt  }
0x79: {  	_ =	shalt  }
0x7a: {  	_ =	shalt  }
0x7b: {  	_ =	shalt  }
0x7c: {  	_ =	shalt  }
0x7d: {  	_ =	shalt  }
0x7e: {  	_ =	shalt  }
0x7f: {  	_ =	shalt  }
0x80: {  	_ =	shalt  }
0x81: {  	_ =	shalt  }
0x82: {  	_ =	shalt  }
0x83: {  	_ =	shalt  }
0x84: {  	_ =	shalt  }
0x85: {  	_ =	shalt  }
0x86: {  	_ =	shalt  }
0x87: {  	_ =	shalt  }
.Lfunc_end0:
.L_simem_size_0:
called_computation.1_lowered:
.L_overlay_start_0:
0x88: {  	s2 =	sld [smem:$0x3FD9]  }
0x89: {  	s3 =	sld [smem:$0x3FFE];
	_ =	sdelay $0x1  }
0x8a: {  	s1 =	srdreg.scid  }
0x8b: {  	s0 =	sand.u32 $0x1, s1  }
0x8c: {  	s17 =	sshll.u32 s0, $0xA;
	s2 =	sadd.s32 s3, s2  }
0x8d: {  	s2 =	sadd.s32 s2, s17  }
0x8e: {  	[smem:$0x3FBE] =	sst s2  }
0x8f: {  	_ = 	snop  }
0x90: {  	s2 =	sld [smem:$0x3FC9]  }
0x91: {  	s18 =	sld [smem:$0x3FC8]  }
0x92: {  	s4 =	sld [smem:$0x3FC7]  }
0x93: {  	s5 =	sld [smem:$0x3FC5];
	(tm) =	ssettm $0x1  }
0x94: {  	s6 =	sld [smem:$0x3FFB];
	_ =	sdelay $0x3  }
0x95: {  	_ =	strace s6  }
0x96: {  	s6 =	sld [smem:$0x3FFC];
	_ =	sdelay $0x3  }
0x97: {  	_ =	strace s6  }
0x98: {  	s6 =	sld [smem:$0x3FFD];
	_ =	sdelay $0x3  }
0x99: {  	_ =	strace s6  }
0x9a: {  	_ =	strace $0x8FFFFFFF  }
0x9b: {  	s19 =	sld [smem:$0x3FDB];
	_ =	sdelay $0x1  }
0x9c: {  	s7 =	simm.s32 $_scs_section_size  }
0x9d: {  	s8 =	simm.s32 $_size__tile_overlayer_lowered;
	s9 =	simm.s32 $_tile_overlayer_lowered  }
0x9e: {  	s22 =	simm.s32 $0x1BFF;
	s21 =	sshll.u32 s9, $0x1;
	s6 =	sadd.s32 s7, s19  }
0x9f: {  	s10 =	simm.s32 $0x0;
	s20 =	sshll.u32 s8, $0x1;
	s8 =	sadd.s32 s21, s6  }
0xa0: {  	[timem:s10], [sflag:s22] =	dma.local [hbm:s8], s20  }
0xa1: {  	_ =	swait.ge [sflag:s22], s20  }
0xa2: {  	s7 =	ssub.s32 $0x0, s20;
	[sflag:s22] =	ssyncset.done $0x0  }
0xa3: {  	[sflag:s22] =	ssyncadd.s32 s7;
	_ =	sdelay $0x1  }
0xa4: {  	s23 =	simm.s32 $0x1B8B  }
0xa5: {  	_ =	swait.ge [sflag:s23], $0x1  }
0xa6: {  	[sflag:s23] =	ssyncset.done $0x0  }
0xa7: {  	s25 =	simm.s32 $0x1B8E;
	s24 =	sld [smem:$0x3FFE];
	[sflag:s23] =	ssyncadd.s32 $0xFFFFFFFF  }
0xa8: {  	s26 =	simm.s32 $execute0_lowered;
	[smem:$0x3FD2] =	sst s25  }
0xa9: {  	s8 =	sshll.u32 s26, $0x1;
	_ =	strace $0x80000046;
	[dreg:$0x1] =	wrdreg $0xFFFFFFFF  }
0xaa: {  	s28 =	simm.s32 $_size_execute0_lowered;
	s6 =	sadd.s32 s6, s8;
	[dreg:$0x0] =	wrdreg $0x0  }
0xab: {  	s8 =	sshll.u32 s28, $0x1;
	[dreg:$0x2] =	wrdreg s6  }
0xac: {  	[dreg:$0x3] =	wrdreg s8  }
0xad: {  	[dreg:$0x4] =	wrdreg $0xC0  }
0xae: {  	_ =	task [dreg:s10], $0x5FFFF  }
0xaf: {  	[dreg:$0x1] =	wrdreg $0xFFFFFFFF  }
0xb0: {  	[dreg:$0x0] =	wrdreg $0x60  }
0xb1: {  	[dreg:$0x2] =	wrdreg s5  }
0xb2: {  	[dreg:$0x3] =	wrdreg s18  }
0xb3: {  	[dreg:$0x4] =	wrdreg s24  }
0xb4: {  	[dreg:$0x5] =	wrdreg s2  }
0xb5: {  	[dreg:$0x6] =	wrdreg s4  }
0xb6: {  	[dreg:$0x7] =	wrdreg $0xA  }
0xb7: {  	_ =	task.clear_ibuf [dreg:s10], $0x8FFFF;
	_ =	strace $0x90000046  }
0xb8: {  	s29 =	simm.s32 $0xA;
	_ =	strace $0x80000048  }
0xb9: {  	_ =	swait.ge [sflag:s29], $0x1  }
0xba: {  	[sflag:s29] =	ssyncadd.s32 $0xFFFFFFFF  }
0xbb: {  	_ =	strace $0x90000048  }
0xbc: {  	_ =	sfence  }
0xbd: {  	s30 =	sld [smem:$0x0];
	_ =	sdelay $0x2  }
0xbe: {  	s31 =	sshll.u32 s1, $0xD;
	s1 =	sshrl.u32 s1, $0x2  }
0xbf: {  	s3 =	sand.u32 $0x4000, s31;
	s1 =	sadd.s32 s1, s30  }
0xc0: {  	s0 =	sor.u32 s3, s0;
	s1 =	sshll.u32 s1, $0x11  }
0xc1: {  	s0 =	sor.u32 s1, s0  }
0xc2: {  	s0 =	sadd.s32 $0x8F2B, s0  }
0xc3: {  	[sflag:s0] =	ssyncadd.remote.s32 $0x1  }
0xc4: {  	_ =	sfence.sel $0xFFFF  }
0xc5: {  	[dreg:$0x0] =	wrdreg $0xFFFFFFFF;
	(pc) =	sbr.abs _section_cstart, $3  }
0xc6: {  	[dreg:$0x1] =	wrdreg $0xFFFFFFFF  }
0xc7: {  	_ =	task.clear_ibuf [dreg:s10], $0x2FFFF;
	_ =	strace $0x9FFFFFFF  }
0xc8: {  	(tm) =	ssettm $0x7FFFFFFF  }
0xc9: {  	_ =	shalt  }
tec
execute0_lowered:
.L_overlay_start_1:
0x0: {  	(tag) =	ssettag $0x1  }
0x1: {  	s1 =	rddreg [dreg:$0x0]  }
0x2: {  	s2 =	rddreg [dreg:$0x1]  }
0x3: {  	s3 =	rddreg [dreg:$0x2]  }
0x4: {  	s0 =	srdreg.scid;
	s6 =	rddreg [dreg:$0x3]  }
0x5: {  	s4 =	stileid.u32;
	s14 =	rddreg [dreg:$0x4]  }
0x6: {  	s30 =	simm.s32 $0x5;
	s31 =	simm.s32 $0x100;
	s0 =	sand.u32 $0x1, s0  }
0x7: {  	s4 =	sshll.u32 s4, $0x9;
	s9 =	sadd.s32 $0x29C00, s3;
	s5 =	sshll.u32 s0, $0x8  }
0x8: {  	s28 =	sadd.s32 $0x100, s1;
	s0 =	ssub.s32 $0x2, s0;
	s4 =	sor.u32 s5, s4  }
0x9: {  	s29 =	sadd.s32 $0x200, s1;
	s7 =	sshrl.u32 s0, $0x1;
	s8 =	sshrl.u32 s4, $0x3  }
0xa: {  	s0 =	ssub.s32 s0, s7;
	s4 =	sshll.u32 s4, $0x4;
	s18 =	sor.u32 $0x400, s8  }
0xb: {  	s20 =	sor.u32 $0x408, s8;
	s22 =	smul.u32 $0x300, s8;
	s23 =	sor.u32 $0x410, s8  }
0xc: {  	s12 =	sor.u32 $0x8, s8;
	s26 =	sor.u32 $0x10, s8;
	s10 =	sadd.s32 s2, s18  }
0xd: {  	s16 =	sor.u32 $0x418, s8;
	s19 =	sadd.s32 s6, s18;
	[dreg:$0x6] =	wrdreg s10  }
0xe: {  	s8 =	sor.u32 $0x18, s8;
	s7 =	sadd.s32 s14, s18;
	[dreg:$0x7] =	wrdreg s19  }
0xf: {  	s0 =	smax.u32 s0, $0x1;
	s21 =	sadd.s32 s2, s20;
	[dreg:$0x8] =	wrdreg s7  }
0x10: {  	s11 =	sadd.s32 s6, s20;
	s24 =	sadd.s32 s2, s23;
	[dreg:$0x9] =	wrdreg s21  }
0x11: {  	s25 =	smul.u32 $0x300, s12;
	s13 =	sadd.s32 s6, s23;
	[dreg:$0xa] =	wrdreg s11  }
0x12: {  	s15 =	smul.u32 $0x300, s26;
	s2 =	sadd.s32 s2, s16;
	[dreg:$0xc] =	wrdreg s24  }
0x13: {  	s17 =	sadd.s32 s6, s16;
	s18 =	smul.u32 $0x300, s8;
	[dreg:$0xd] =	wrdreg s13  }
0x14: {  	s5 =	sadd.s32 s14, s16;
	s6 =	simm.s32 $0x14900;
	[dreg:$0xf] =	wrdreg s2  }
0x15: {  	s16 =	simm.s32 $0x4;
	s10 =	sadd.s32 s14, s20;
	[dreg:$0x10] =	wrdreg s17  }
0x16: {  	s11 =	sadd.s32 s14, s23;
	[dreg:$0x11] =	wrdreg s5;
	s14 =	simm.s32 $0x0  }
0x17: {  	s19 =	sadd.s32 s9, s22;
	s22 =	sadd.s32 $0x9C00, s3;
	s23 =	sshll.u32 s12, $0x7  }
0x18: {  	s5 =	simm.s32 $0x1A200;
	s7 =	simm.s32 $0xC100;
	[dreg:$0xb] =	wrdreg s10  }
0x19: {  	s12 =	simm.s32 $0x17900;
	s13 =	simm.s32 $0x1;
	[dreg:$0xe] =	wrdreg s11  }
0x1a: {  	s17 =	simm.s32 $0x1C200;
	[dreg:$0x12] =	wrdreg s19;
	s20 =	sadd.s32 s9, s25  }
0x1b: {  	s21 =	sadd.s32 s9, s15;
	s2 =	sadd.s32 s9, s18;
	[smem:$0x7FF] =	sst s14  }
0x1c: {  	s4 =	sadd.s32 s22, s4;
	s24 =	sadd.s32 s22, s23;
	s25 =	sshll.u32 s26, $0x7  }
0x1d: {  	s26 =	sshll.u32 s8, $0x7;
	s23 =	simm.s32 $0x18200;
	[dreg:$0x13] =	wrdreg s20  }
0x1e: {  	s8 =	simm.s32 $0x15900;
	s9 =	simm.s32 $0x16100;
	[dreg:$0x14] =	wrdreg s21  }
0x1f: {  	s10 =	simm.s32 $0x16900;
	s11 =	simm.s32 $0x17100;
	[dreg:$0x15] =	wrdreg s2  }
0x20: {  	s15 =	simm.s32 $0x3;
	s18 =	simm.s32 $0x2;
	[dreg:$0x16] =	wrdreg s4  }
0x21: {  	[dreg:$0x17] =	wrdreg s24;
	s4 =	sadd.s32 s22, s25;
	s2 =	sadd.s32 s22, s26  }
0x22: {  	s24 =	sadd.s32 $0x1C00, s3;
	s25 =	sadd.s32 $0x5C00, s3;
	s22 =	simm.s32 $0x18100  }
0x23: {  	v2 =	vlaneseq.u32;
	s3 =	simm.s32 $0x40;
	s26 =	simm.s32 $0x15100;
	[dreg:$0x18] =	wrdreg s4  }
0x24: {  	vm0 =	vmmov $0xffff;
	v1 =	vshrl.u32 v2, $0x3;
	s20 =	simm.s32 $0x0;
	[dreg:$0x19] =	wrdreg s2;
	s4 =	simm.s32 $0x18180  }
0x25: {  	v0 =	vand.u32 $0x7, v2;
	v2 =	vor.u32 $0x8, v2;
	v1 =	vmul.u32 $0x8, v1;
	s2 =	simm.s32 $0x14100;
	_ =	strace $0x80000047;
	[dreg:$0x1a] =	wrdreg s0  }
.LBB2_1:
0x26: {  	s0 =	rddreg [dreg:$0x6]  }
0x27: {  	[tilespmem:s14], [sflag:$0x5] =	stream.linear.gather [hbm4b:s0+s14], $0x40, $0x38;
	[tilespmem:$0x1E200] =	vst v63  }
0x28: {  	_ =	swait.ge [sflag:s30], $0x40  }
0x29: {  	[sflag:s30] =	ssyncset.done $0x0  }
0x2a: {  	[sflag:s30] =	ssyncadd.s32 $0xFFFFFFC0  }
0x2b: {  	v3 =	vld [tilespmem:$0x0];
	_ =	sdelay $0x4  }
0x2c: {  	v4 =	vshrl.u32 v3, $0x3  }
0x2d: {  	v4 =	vmul.u32 $0x30, v4  }
0x2e: {  	v3 =	vand.u32 $0x7, v3  }
0x2f: {  	v3 =	vor.u32 v3, v4  }
0x30: {  	v4 =	vperm.xlane v3, v0;
	_ =	sdelay $0x1  }
0x31: {  	v4 =	vadd.s32 v1, v4;
	_ =	sdelay $0x3  }
0x32: {  	v3 =	vperm.xlane v3, v2  }
0x33: {  	[tilespmem:s31], [sflag:$0x1] =	stream.indirect_vreg.gather [hbm4b:s1+s14], $0x80, v4, vm0, $0xb8;
	[tilespmem:$0x1E200] =	vst v63  }
0x34: {  	s19 =	simm.s32 $0x900;
	v3 =	vadd.s32 v1, v3  }
0x35: {  	[tilespmem:s19], [sflag:$0x1] =	stream.indirect_vreg.gather [hbm4b:s28+s14], $0x80, v4, vm0, $0xb8;
	[tilespmem:$0x1E200] =	vst v63  }
0x36: {  	s21 =	simm.s32 $0x1100  }
0x37: {  	[tilespmem:s21], [sflag:$0x1] =	stream.indirect_vreg.gather [hbm4b:s29+s14], $0x80, v4, vm0, $0xb8;
	[tilespmem:$0x1E200] =	vst v63  }
0x38: {  	s19 =	simm.s32 $0x1900  }
0x39: {  	[tilespmem:s19], [sflag:$0x1] =	stream.indirect_vreg.gather [hbm4b:s1+s14], $0x80, v3, vm0, $0xb8;
	[tilespmem:$0x1E200] =	vst v63  }
0x3a: {  	s21 =	simm.s32 $0x2100  }
0x3b: {  	[tilespmem:s21], [sflag:$0x1] =	stream.indirect_vreg.gather [hbm4b:s28+s14], $0x80, v3, vm0, $0xb8;
	[tilespmem:$0x1E200] =	vst v63  }
0x3c: {  	s19 =	simm.s32 $0x2900  }
0x3d: {  	[tilespmem:s19], [sflag:$0x1] =	stream.indirect_vreg.gather [hbm4b:s29+s14], $0x80, v3, vm0, $0xb8;
	[tilespmem:$0x1E200] =	vst v63  }
0x3e: {  	v3 =	vld [tilespmem:$0x10];
	_ =	sdelay $0x4  }
0x3f: {  	v4 =	vshrl.u32 v3, $0x3  }
0x40: {  	v4 =	vmul.u32 $0x30, v4  }
0x41: {  	v3 =	vand.u32 $0x7, v3  }
0x42: {  	v3 =	vor.u32 v3, v4  }
0x43: {  	v4 =	vperm.xlane v3, v0;
	_ =	sdelay $0x1  }
0x44: {  	v4 =	vadd.s32 v1, v4;
	_ =	sdelay $0x3  }
0x45: {  	s21 =	simm.s32 $0x3100;
	v3 =	vperm.xlane v3, v2  }
0x46: {  	[tilespmem:s21], [sflag:$0x1] =	stream.indirect_vreg.gather [hbm4b:s1+s14], $0x80, v4, vm0, $0xb8;
	[tilespmem:$0x1E200] =	vst v63  }
0x47: {  	s19 =	simm.s32 $0x3900;
	v3 =	vadd.s32 v1, v3  }
0x48: {  	[tilespmem:s19], [sflag:$0x1] =	stream.indirect_vreg.gather [hbm4b:s28+s14], $0x80, v4, vm0, $0xb8;
	[tilespmem:$0x1E200] =	vst v63  }
0x49: {  	s21 =	simm.s32 $0x4100  }
0x4a: {  	[tilespmem:s21], [sflag:$0x1] =	stream.indirect_vreg.gather [hbm4b:s29+s14], $0x80, v4, vm0, $0xb8;
	[tilespmem:$0x1E200] =	vst v63  }
0x4b: {  	s19 =	simm.s32 $0x4900  }
0x4c: {  	[tilespmem:s19], [sflag:$0x1] =	stream.indirect_vreg.gather [hbm4b:s1+s14], $0x80, v3, vm0, $0xb8;
	[tilespmem:$0x1E200] =	vst v63  }
0x4d: {  	s21 =	simm.s32 $0x5100  }
0x4e: {  	[tilespmem:s21], [sflag:$0x1] =	stream.indirect_vreg.gather [hbm4b:s28+s14], $0x80, v3, vm0, $0xb8;
	[tilespmem:$0x1E200] =	vst v63  }
0x4f: {  	s19 =	simm.s32 $0x5900  }
0x50: {  	[tilespmem:s19], [sflag:$0x1] =	stream.indirect_vreg.gather [hbm4b:s29+s14], $0x80, v3, vm0, $0xb8;
	[tilespmem:$0x1E200] =	vst v63  }
0x51: {  	v3 =	vld [tilespmem:$0x20];
	_ =	sdelay $0x4  }
0x52: {  	v4 =	vshrl.u32 v3, $0x3  }
0x53: {  	v4 =	vmul.u32 $0x30, v4  }
0x54: {  	v3 =	vand.u32 $0x7, v3  }
0x55: {  	v3 =	vor.u32 v3, v4  }
0x56: {  	v4 =	vperm.xlane v3, v0;
	_ =	sdelay $0x1  }
0x57: {  	v4 =	vadd.s32 v1, v4;
	_ =	sdelay $0x3  }
0x58: {  	s21 =	simm.s32 $0x6100;
	v3 =	vperm.xlane v3, v2  }
0x59: {  	[tilespmem:s21], [sflag:$0x1] =	stream.indirect_vreg.gather [hbm4b:s1+s14], $0x80, v4, vm0, $0xb8;
	[tilespmem:$0x1E200] =	vst v63  }
0x5a: {  	s19 =	simm.s32 $0x6900;
	v3 =	vadd.s32 v1, v3  }
0x5b: {  	[tilespmem:s19], [sflag:$0x1] =	stream.indirect_vreg.gather [hbm4b:s28+s14], $0x80, v4, vm0, $0xb8;
	[tilespmem:$0x1E200] =	vst v63  }
0x5c: {  	s21 =	simm.s32 $0x7100  }
0x5d: {  	[tilespmem:s21], [sflag:$0x1] =	stream.indirect_vreg.gather [hbm4b:s29+s14], $0x80, v4, vm0, $0xb8;
	[tilespmem:$0x1E200] =	vst v63  }
0x5e: {  	s19 =	simm.s32 $0x7900  }
0x5f: {  	[tilespmem:s19], [sflag:$0x1] =	stream.indirect_vreg.gather [hbm4b:s1+s14], $0x80, v3, vm0, $0xb8;
	[tilespmem:$0x1E200] =	vst v63  }
0x60: {  	s21 =	simm.s32 $0x8100  }
0x61: {  	[tilespmem:s21], [sflag:$0x1] =	stream.indirect_vreg.gather [hbm4b:s28+s14], $0x80, v3, vm0, $0xb8;
	[tilespmem:$0x1E200] =	vst v63  }
0x62: {  	s19 =	simm.s32 $0x8900  }
0x63: {  	[tilespmem:s19], [sflag:$0x1] =	stream.indirect_vreg.gather [hbm4b:s29+s14], $0x80, v3, vm0, $0xb8;
	[tilespmem:$0x1E200] =	vst v63  }
0x64: {  	v3 =	vld [tilespmem:$0x30];
	_ =	sdelay $0x4  }
0x65: {  	v4 =	vshrl.u32 v3, $0x3  }
0x66: {  	v4 =	vmul.u32 $0x30, v4  }
0x67: {  	v3 =	vand.u32 $0x7, v3  }
0x68: {  	v3 =	vor.u32 v3, v4  }
0x69: {  	v4 =	vperm.xlane v3, v0;
	_ =	sdelay $0x1  }
0x6a: {  	v4 =	vadd.s32 v1, v4;
	_ =	sdelay $0x3  }
0x6b: {  	s21 =	simm.s32 $0x9100;
	v3 =	vperm.xlane v3, v2  }
0x6c: {  	[tilespmem:s21], [sflag:$0x1] =	stream.indirect_vreg.gather [hbm4b:s1+s14], $0x80, v4, vm0, $0xb8;
	[tilespmem:$0x1E200] =	vst v63  }
0x6d: {  	s19 =	simm.s32 $0x9900;
	v3 =	vadd.s32 v1, v3  }
0x6e: {  	[tilespmem:s19], [sflag:$0x1] =	stream.indirect_vreg.gather [hbm4b:s28+s14], $0x80, v4, vm0, $0xb8;
	[tilespmem:$0x1E200] =	vst v63  }
0x6f: {  	s21 =	simm.s32 $0xA100  }
0x70: {  	[tilespmem:s21], [sflag:$0x1] =	stream.indirect_vreg.gather [hbm4b:s29+s14], $0x80, v4, vm0, $0xb8;
	[tilespmem:$0x1E200] =	vst v63  }
0x71: {  	s19 =	simm.s32 $0xA900  }
0x72: {  	[tilespmem:s19], [sflag:$0x1] =	stream.indirect_vreg.gather [hbm4b:s1+s14], $0x80, v3, vm0, $0xb8;
	[tilespmem:$0x1E200] =	vst v63  }
0x73: {  	s21 =	simm.s32 $0xB100  }
0x74: {  	[tilespmem:s21], [sflag:$0x1] =	stream.indirect_vreg.gather [hbm4b:s28+s14], $0x80, v3, vm0, $0xb8;
	[tilespmem:$0x1E200] =	vst v63  }
0x75: {  	s19 =	simm.s32 $0xB900  }
0x76: {  	[tilespmem:s19], [sflag:$0x1] =	stream.indirect_vreg.gather [hbm4b:s29+s14], $0x80, v3, vm0, $0xb8;
	[tilespmem:$0x1E200] =	vst v63  }
0x77: {  	s21 =	rddreg [dreg:$0x7]  }
0x78: {  	[tilespmem:s22], [sflag:$0x5] =	stream.linear.gather [hbm4b:s21+s14], $0x40, $0x38;
	[tilespmem:$0x1E200] =	vst v63  }
0x79: {  	_ =	swait.ge [sflag:s30], $0x40  }
0x7a: {  	[sflag:s30] =	ssyncset.done $0x0  }
0x7b: {  	[sflag:s30] =	ssyncadd.s32 $0xFFFFFFC0  }
0x7c: {  	[tilespmem:s23], [sflag:$0x3] =	stream.indirect.gather [hbm4b:s24+s3], $0x80, s22, s3, $0xb8;
	[tilespmem:$0x1E200] =	vst v63  }
0x7d: {  	s19 =	rddreg [dreg:$0x8]  }
0x7e: {  	[tilespmem:s4], [sflag:$0x5] =	stream.linear.gather [hbm4b:s19+s14], $0x40, $0x38;
	[tilespmem:$0x1E200] =	vst v63  }
0x7f: {  	_ =	swait.ge [sflag:s30], $0x40  }
0x80: {  	[sflag:s30] =	ssyncset.done $0x0  }
0x81: {  	[sflag:s30] =	ssyncadd.s32 $0xFFFFFFC0  }
0x82: {  	[tilespmem:s5], [sflag:$0x4] =	stream.indirect.gather [hbm4b:s25+s3], $0x80, s4, s3, $0xb8;
	[tilespmem:$0x1E200] =	vst v63  }
0x83: {  	s19 =	simm.s32 $0x80;
	s21 =	rddreg [dreg:$0x9]  }
0x84: {  	[tilespmem:s19], [sflag:$0x5] =	stream.linear.gather [hbm4b:s21+s14], $0x40, $0x38;
	[tilespmem:$0x1E200] =	vst v63  }
0x85: {  	_ =	swait.ge [sflag:s30], $0x40  }
0x86: {  	[sflag:s30] =	ssyncset.done $0x0  }
0x87: {  	[sflag:s30] =	ssyncadd.s32 $0xFFFFFFC0  }
0x88: {  	v3 =	vld [tilespmem:$0x80];
	_ =	sdelay $0x4  }
0x89: {  	v4 =	vshrl.u32 v3, $0x3  }
0x8a: {  	v4 =	vmul.u32 $0x30, v4  }
0x8b: {  	v3 =	vand.u32 $0x7, v3  }
0x8c: {  	v3 =	vor.u32 v3, v4  }
0x8d: {  	v4 =	vperm.xlane v3, v0;
	_ =	sdelay $0x1  }
0x8e: {  	v4 =	vadd.s32 v1, v4;
	_ =	sdelay $0x3  }
0x8f: {  	v3 =	vperm.xlane v3, v2  }
0x90: {  	[tilespmem:s7], [sflag:$0x2] =	stream.indirect_vreg.gather [hbm4b:s1+s14], $0x80, v4, vm0, $0xb8;
	[tilespmem:$0x1E200] =	vst v63  }
0x91: {  	s19 =	simm.s32 $0xC900;
	v3 =	vadd.s32 v1, v3  }
0x92: {  	[tilespmem:s19], [sflag:$0x2] =	stream.indirect_vreg.gather [hbm4b:s28+s14], $0x80, v4, vm0, $0xb8;
	[tilespmem:$0x1E200] =	vst v63  }
0x93: {  	s21 =	simm.s32 $0xD100  }
0x94: {  	[tilespmem:s21], [sflag:$0x2] =	stream.indirect_vreg.gather [hbm4b:s29+s14], $0x80, v4, vm0, $0xb8;
	[tilespmem:$0x1E200] =	vst v63  }
0x95: {  	s19 =	simm.s32 $0xD900  }
0x96: {  	[tilespmem:s19], [sflag:$0x2] =	stream.indirect_vreg.gather [hbm4b:s1+s14], $0x80, v3, vm0, $0xb8;
	[tilespmem:$0x1E200] =	vst v63  }
0x97: {  	s21 =	simm.s32 $0xE100  }
0x98: {  	[tilespmem:s21], [sflag:$0x2] =	stream.indirect_vreg.gather [hbm4b:s28+s14], $0x80, v3, vm0, $0xb8;
	[tilespmem:$0x1E200] =	vst v63  }
0x99: {  	s19 =	simm.s32 $0xE900  }
0x9a: {  	[tilespmem:s19], [sflag:$0x2] =	stream.indirect_vreg.gather [hbm4b:s29+s14], $0x80, v3, vm0, $0xb8;
	[tilespmem:$0x1E200] =	vst v63  }
0x9b: {  	v3 =	vld [tilespmem:$0x90];
	_ =	sdelay $0x4  }
0x9c: {  	v4 =	vshrl.u32 v3, $0x3  }
0x9d: {  	v4 =	vmul.u32 $0x30, v4  }
0x9e: {  	v3 =	vand.u32 $0x7, v3  }
0x9f: {  	v3 =	vor.u32 v3, v4  }
0xa0: {  	v4 =	vperm.xlane v3, v0;
	_ =	sdelay $0x1  }
0xa1: {  	v4 =	vadd.s32 v1, v4;
	_ =	sdelay $0x3  }
0xa2: {  	s21 =	simm.s32 $0xF100;
	v3 =	vperm.xlane v3, v2  }
0xa3: {  	[tilespmem:s21], [sflag:$0x2] =	stream.indirect_vreg.gather [hbm4b:s1+s14], $0x80, v4, vm0, $0xb8;
	[tilespmem:$0x1E200] =	vst v63  }
0xa4: {  	s19 =	simm.s32 $0xF900;
	v3 =	vadd.s32 v1, v3  }
0xa5: {  	[tilespmem:s19], [sflag:$0x2] =	stream.indirect_vreg.gather [hbm4b:s28+s14], $0x80, v4, vm0, $0xb8;
	[tilespmem:$0x1E200] =	vst v63  }
0xa6: {  	s21 =	simm.s32 $0x10100  }
0xa7: {  	[tilespmem:s21], [sflag:$0x2] =	stream.indirect_vreg.gather [hbm4b:s29+s14], $0x80, v4, vm0, $0xb8;
	[tilespmem:$0x1E200] =	vst v63  }
0xa8: {  	s19 =	simm.s32 $0x10900  }
0xa9: {  	[tilespmem:s19], [sflag:$0x2] =	stream.indirect_vreg.gather [hbm4b:s1+s14], $0x80, v3, vm0, $0xb8;
	[tilespmem:$0x1E200] =	vst v63  }
0xaa: {  	s21 =	simm.s32 $0x11100  }
0xab: {  	[tilespmem:s21], [sflag:$0x2] =	stream.indirect_vreg.gather [hbm4b:s28+s14], $0x80, v3, vm0, $0xb8;
	[tilespmem:$0x1E200] =	vst v63  }
0xac: {  	s19 =	simm.s32 $0x11900  }
0xad: {  	[tilespmem:s19], [sflag:$0x2] =	stream.indirect_vreg.gather [hbm4b:s29+s14], $0x80, v3, vm0, $0xb8;
	[tilespmem:$0x1E200] =	vst v63  }
0xae: {  	v3 =	vld [tilespmem:$0xA0];
	_ =	sdelay $0x4  }
0xaf: {  	v4 =	vshrl.u32 v3, $0x3  }
0xb0: {  	v4 =	vmul.u32 $0x30, v4  }
0xb1: {  	v3 =	vand.u32 $0x7, v3  }
0xb2: {  	v3 =	vor.u32 v3, v4  }
0xb3: {  	v4 =	vperm.xlane v3, v0;
	_ =	sdelay $0x1  }
0xb4: {  	v4 =	vadd.s32 v1, v4;
	_ =	sdelay $0x3  }
0xb5: {  	s21 =	simm.s32 $0x12100;
	v3 =	vperm.xlane v3, v2  }
0xb6: {  	[tilespmem:s21], [sflag:$0x2] =	stream.indirect_vreg.gather [hbm4b:s1+s14], $0x80, v4, vm0, $0xb8;
	[tilespmem:$0x1E200] =	vst v63  }
0xb7: {  	s19 =	simm.s32 $0x12900;
	v3 =	vadd.s32 v1, v3  }
0xb8: {  	[tilespmem:s19], [sflag:$0x2] =	stream.indirect_vreg.gather [hbm4b:s28+s14], $0x80, v4, vm0, $0xb8;
	[tilespmem:$0x1E200] =	vst v63  }
0xb9: {  	s21 =	simm.s32 $0x13100  }
0xba: {  	[tilespmem:s21], [sflag:$0x2] =	stream.indirect_vreg.gather [hbm4b:s29+s14], $0x80, v4, vm0, $0xb8;
	[tilespmem:$0x1E200] =	vst v63  }
0xbb: {  	s19 =	simm.s32 $0x13900  }
0xbc: {  	[tilespmem:s19], [sflag:$0x2] =	stream.indirect_vreg.gather [hbm4b:s1+s14], $0x80, v3, vm0, $0xb8;
	[tilespmem:$0x1E200] =	vst v63  }
0xbd: {  	_ = 	snop  }
0xbe: {  	[tilespmem:s2], [sflag:$0x2] =	stream.indirect_vreg.gather [hbm4b:s28+s14], $0x80, v3, vm0, $0xb8;
	[tilespmem:$0x1E200] =	vst v63  }
0xbf: {  	_ = 	snop  }
0xc0: {  	[tilespmem:s6], [sflag:$0x2] =	stream.indirect_vreg.gather [hbm4b:s29+s14], $0x80, v3, vm0, $0xb8;
	[tilespmem:$0x1E200] =	vst v63  }
0xc1: {  	v3 =	vld [tilespmem:$0xB0];
	_ =	sdelay $0x4  }
0xc2: {  	v4 =	vshrl.u32 v3, $0x3  }
0xc3: {  	v4 =	vmul.u32 $0x30, v4  }
0xc4: {  	v3 =	vand.u32 $0x7, v3  }
0xc5: {  	v3 =	vor.u32 v3, v4  }
0xc6: {  	v4 =	vperm.xlane v3, v0;
	_ =	sdelay $0x1  }
0xc7: {  	v4 =	vadd.s32 v1, v4;
	_ =	sdelay $0x3  }
0xc8: {  	v3 =	vperm.xlane v3, v2  }
0xc9: {  	[tilespmem:s26], [sflag:$0x2] =	stream.indirect_vreg.gather [hbm4b:s1+s14], $0x80, v4, vm0, $0xb8;
	[tilespmem:$0x1E200] =	vst v63  }
0xca: {  	v3 =	vadd.s32 v1, v3  }
0xcb: {  	[tilespmem:s8], [sflag:$0x2] =	stream.indirect_vreg.gather [hbm4b:s28+s14], $0x80, v4, vm0, $0xb8;
	[tilespmem:$0x1E200] =	vst v63  }
0xcc: {  	_ = 	snop  }
0xcd: {  	[tilespmem:s9], [sflag:$0x2] =	stream.indirect_vreg.gather [hbm4b:s29+s14], $0x80, v4, vm0, $0xb8;
	[tilespmem:$0x1E200] =	vst v63  }
0xce: {  	_ = 	snop  }
0xcf: {  	[tilespmem:s10], [sflag:$0x2] =	stream.indirect_vreg.gather [hbm4b:s1+s14], $0x80, v3, vm0, $0xb8;
	[tilespmem:$0x1E200] =	vst v63  }
0xd0: {  	_ = 	snop  }
0xd1: {  	[tilespmem:s11], [sflag:$0x2] =	stream.indirect_vreg.gather [hbm4b:s28+s14], $0x80, v3, vm0, $0xb8;
	[tilespmem:$0x1E200] =	vst v63  }
0xd2: {  	_ = 	snop  }
0xd3: {  	[tilespmem:s12], [sflag:$0x2] =	stream.indirect_vreg.gather [hbm4b:s29+s14], $0x80, v3, vm0, $0xb8;
	[tilespmem:$0x1E200] =	vst v63  }
0xd4: {  	_ =	swait.ge [sflag:s13], $0xC000  }
0xd5: {  	[sflag:s13] =	ssyncset.done $0x0  }
0xd6: {  	s21 =	rddreg [dreg:$0x12];
	[sflag:s13] =	ssyncadd.s32 $0xFFFF4000  }
0xd7: {  	[hbm4b:s21+s14] =	stream.linear.scatter [tilespmem:s31], [sflag:$0x5], $0xC000, $0x38;
	[tilespmem:$0x1E200] =	vst v63  }
0xd8: {  	_ =	swait.ge [sflag:s30], $0xC000  }
0xd9: {  	[sflag:s30] =	ssyncset.done $0x0  }
0xda: {  	[sflag:s30] =	ssyncadd.s32 $0xFFFF4000  }
0xdb: {  	_ =	swait.ge [sflag:s15], $0x2000  }
0xdc: {  	[sflag:s15] =	ssyncset.done $0x0  }
0xdd: {  	[sflag:s15] =	ssyncadd.s32 $0xFFFFE000  }
0xde: {  	_ =	swait.ge [sflag:s16], $0x2000  }
0xdf: {  	[sflag:s16] =	ssyncset.done $0x0  }
0xe0: {  	s19 =	simm.s32 $0x0;
	[sflag:s16] =	ssyncadd.s32 $0xFFFFE000  }
0xe1: {  	v8 =	vld [tilespmem:s19+$0x18230]  }
0xe2: {  	v9 =	vld [tilespmem:s19+$0x1A230]  }
0xe3: {  	v11 =	vld [tilespmem:s19+$0x18200]  }
0xe4: {  	v12 =	vld [tilespmem:s19+$0x1A200]  }
0xe5: {  	v5 =	vld [tilespmem:s19+$0x18210]  }
0xe6: {  	v7 =	vld [tilespmem:s19+$0x1A210]  }
0xe7: {  	v3 =	vld [tilespmem:s19+$0x18220];
	v13 =	vmul.f32 v9, v8  }
0xe8: {  	s21 =	simm.s32 $0x80;
	v6 =	vld [tilespmem:s19+$0x1A220];
	v8 =	vadd.f32 v9, v8  }
0xe9: {  	s0 =	simm.s32 $0x400;
	v4 =	vld [tilespmem:s21+$0x18230];
	v10 =	vadd.f32 v12, v11;
	v9 =	vmul.f32 v12, v11;
	[tilespmem:s19+$0x1C270] =	vst v13  }
.LBB2_2:
0xea: {  	p0 =	sne.s32 s0, $0x7E00;
	v11 =	vld [tilespmem:s21+$0x1A230];
	[tilespmem:s19+$0x1C230] =	vst v8  }
0xeb: {  	v12 =	vld [tilespmem:s21+$0x18200];
	[tilespmem:s19+$0x1C200] =	vst v10;
	v8 =	vadd.f32 v7, v5;
	v10 =	vmul.f32 v7, v5  }
0xec: {  	v13 =	vld [tilespmem:s21+$0x1A200];
	[tilespmem:s19+$0x1C240] =	vst v9  }
.Ltmp0:
0xed: {  	v5 =	vld [tilespmem:s21+$0x18210];
	[tilespmem:s19+$0x1C210] =	vst v8;
	v9 =	vadd.f32 v6, v3;
	v14 =	vmul.f32 v6, v3;
	(pc) =	sbr.rel @p0 .LBB2_2-.Ltmp0, $4  }
0xee: {  	v7 =	vld [tilespmem:s21+$0x1A210];
	[tilespmem:s19+$0x1C250] =	vst v10  }
0xef: {  	v3 =	vld [tilespmem:s21+$0x18220];
	v8 =	vadd.f32 v11, v4;
	v11 =	vmul.f32 v11, v4;
	[tilespmem:s19+$0x1C220] =	vst v9  }
0xf0: {  	v6 =	vld [tilespmem:s21+$0x1A220];
	[tilespmem:s19+$0x1C260] =	vst v14;
	s19 =	smov.u32 s21;
	s21 =	sshra.s32 s0, $0x2  }
0xf1: {  	s0 =	sadd.s32 $0x200, s0;
	v4 =	vld [tilespmem:s21+$0x18230];
	v10 =	vadd.f32 v13, v12;
	v9 =	vmul.f32 v13, v12;
	[tilespmem:s19+$0x1C270] =	vst v11  }
0xf2: {  	v11 =	vld [tilespmem:s21+$0x1A230];
	[tilespmem:s19+$0x1C230] =	vst v8  }
0xf3: {  	v8 =	vld [tilespmem:s21+$0x18200];
	[tilespmem:s19+$0x1C200] =	vst v10;
	v12 =	vadd.f32 v7, v5  }
0xf4: {  	v5 =	vmul.f32 v7, v5;
	v10 =	vld [tilespmem:s21+$0x1A200];
	[tilespmem:s19+$0x1C240] =	vst v9  }
0xf5: {  	v9 =	vld [tilespmem:s21+$0x18210];
	[tilespmem:s19+$0x1C210] =	vst v12;
	v62 =	vadd.f32 v6, v3  }
0xf6: {  	v3 =	vmul.f32 v6, v3;
	v7 =	vld [tilespmem:s21+$0x1A210];
	[tilespmem:s19+$0x1C250] =	vst v5  }
0xf7: {  	v5 =	vld [tilespmem:s21+$0x18220];
	[tilespmem:s19+$0x1C220] =	vst v62;
	v6 =	vmul.f32 v11, v4  }
0xf8: {  	v4 =	vadd.f32 v11, v4;
	v12 =	vld [tilespmem:s21+$0x1A220];
	[tilespmem:s19+$0x1C260] =	vst v3  }
0xf9: {  	v3 =	vadd.f32 v10, v8;
	[tilespmem:s21+$0x1C270] =	vst v6  }
0xfa: {  	v6 =	vmul.f32 v10, v8;
	[tilespmem:s21+$0x1C230] =	vst v4  }
0xfb: {  	[tilespmem:s21+$0x1C200] =	vst v3;
	v3 =	vadd.f32 v7, v9  }
0xfc: {  	v4 =	vmul.f32 v7, v9;
	[tilespmem:s21+$0x1C240] =	vst v6  }
0xfd: {  	[tilespmem:s21+$0x1C210] =	vst v3;
	v3 =	vadd.f32 v12, v5  }
0xfe: {  	v5 =	vmul.f32 v12, v5;
	[tilespmem:s21+$0x1C250] =	vst v4  }
0xff: {  	[tilespmem:s21+$0x1C220] =	vst v3  }
0x100: {  	s0 =	rddreg [dreg:$0x16];
	[tilespmem:s21+$0x1C260] =	vst v5;
	s21 =	simm.s32 $0x0  }
0x101: {  	[hbm4b:s0+s21] =	stream.linear.scatter [tilespmem:s17], [sflag:$0x5], $0x2000, $0x38;
	[tilespmem:$0x1E200] =	vst v63  }
0x102: {  	_ =	swait.ge [sflag:s30], $0x2000  }
0x103: {  	[sflag:s30] =	ssyncset.done $0x0  }
0x104: {  	s19 =	rddreg [dreg:$0xa];
	[sflag:s30] =	ssyncadd.s32 $0xFFFFE000  }
0x105: {  	[tilespmem:s22], [sflag:$0x5] =	stream.linear.gather [hbm4b:s19+s21], $0x40, $0x38;
	[tilespmem:$0x1E200] =	vst v63  }
0x106: {  	_ =	swait.ge [sflag:s30], $0x40  }
0x107: {  	[sflag:s30] =	ssyncset.done $0x0  }
0x108: {  	[sflag:s30] =	ssyncadd.s32 $0xFFFFFFC0  }
0x109: {  	[tilespmem:s23], [sflag:$0x3] =	stream.indirect.gather [hbm4b:s24+s3], $0x80, s22, s3, $0xb8;
	[tilespmem:$0x1E200] =	vst v63  }
0x10a: {  	s19 =	rddreg [dreg:$0xb]  }
0x10b: {  	[tilespmem:s4], [sflag:$0x5] =	stream.linear.gather [hbm4b:s19+s21], $0x40, $0x38;
	[tilespmem:$0x1E200] =	vst v63  }
0x10c: {  	_ =	swait.ge [sflag:s30], $0x40  }
0x10d: {  	[sflag:s30] =	ssyncset.done $0x0  }
0x10e: {  	[sflag:s30] =	ssyncadd.s32 $0xFFFFFFC0  }
0x10f: {  	[tilespmem:s5], [sflag:$0x4] =	stream.indirect.gather [hbm4b:s25+s3], $0x80, s4, s3, $0xb8;
	[tilespmem:$0x1E200] =	vst v63  }
0x110: {  	s19 =	rddreg [dreg:$0xc]  }
0x111: {  	[tilespmem:s21], [sflag:$0x5] =	stream.linear.gather [hbm4b:s19+s21], $0x40, $0x38;
	[tilespmem:$0x1E200] =	vst v63  }
0x112: {  	_ =	swait.ge [sflag:s30], $0x40  }
0x113: {  	[sflag:s30] =	ssyncset.done $0x0  }
0x114: {  	[sflag:s30] =	ssyncadd.s32 $0xFFFFFFC0  }
0x115: {  	v3 =	vld [tilespmem:$0x0];
	_ =	sdelay $0x4  }
0x116: {  	v4 =	vshrl.u32 v3, $0x3  }
0x117: {  	v4 =	vmul.u32 $0x30, v4  }
0x118: {  	v3 =	vand.u32 $0x7, v3  }
0x119: {  	v3 =	vor.u32 v3, v4  }
0x11a: {  	v4 =	vperm.xlane v3, v0;
	_ =	sdelay $0x1  }
0x11b: {  	v4 =	vadd.s32 v1, v4;
	_ =	sdelay $0x3  }
0x11c: {  	v3 =	vperm.xlane v3, v2  }
0x11d: {  	[tilespmem:s31], [sflag:$0x1] =	stream.indirect_vreg.gather [hbm4b:s1+s21], $0x80, v4, vm0, $0xb8;
	[tilespmem:$0x1E200] =	vst v63  }
0x11e: {  	s19 =	simm.s32 $0x900;
	v3 =	vadd.s32 v1, v3  }
0x11f: {  	[tilespmem:s19], [sflag:$0x1] =	stream.indirect_vreg.gather [hbm4b:s28+s21], $0x80, v4, vm0, $0xb8;
	[tilespmem:$0x1E200] =	vst v63  }
0x120: {  	s19 =	simm.s32 $0x1100  }
0x121: {  	[tilespmem:s19], [sflag:$0x1] =	stream.indirect_vreg.gather [hbm4b:s29+s21], $0x80, v4, vm0, $0xb8;
	[tilespmem:$0x1E200] =	vst v63  }
0x122: {  	s19 =	simm.s32 $0x1900  }
0x123: {  	[tilespmem:s19], [sflag:$0x1] =	stream.indirect_vreg.gather [hbm4b:s1+s21], $0x80, v3, vm0, $0xb8;
	[tilespmem:$0x1E200] =	vst v63  }
0x124: {  	s19 =	simm.s32 $0x2100  }
0x125: {  	[tilespmem:s19], [sflag:$0x1] =	stream.indirect_vreg.gather [hbm4b:s28+s21], $0x80, v3, vm0, $0xb8;
	[tilespmem:$0x1E200] =	vst v63  }
0x126: {  	s19 =	simm.s32 $0x2900  }
0x127: {  	[tilespmem:s19], [sflag:$0x1] =	stream.indirect_vreg.gather [hbm4b:s29+s21], $0x80, v3, vm0, $0xb8;
	[tilespmem:$0x1E200] =	vst v63  }
0x128: {  	v3 =	vld [tilespmem:$0x10];
	_ =	sdelay $0x4  }
0x129: {  	v4 =	vshrl.u32 v3, $0x3  }
0x12a: {  	v4 =	vmul.u32 $0x30, v4  }
0x12b: {  	v3 =	vand.u32 $0x7, v3  }
0x12c: {  	v3 =	vor.u32 v3, v4  }
0x12d: {  	v4 =	vperm.xlane v3, v0;
	_ =	sdelay $0x1  }
0x12e: {  	v4 =	vadd.s32 v1, v4;
	_ =	sdelay $0x3  }
0x12f: {  	s19 =	simm.s32 $0x3100;
	v3 =	vperm.xlane v3, v2  }
0x130: {  	[tilespmem:s19], [sflag:$0x1] =	stream.indirect_vreg.gather [hbm4b:s1+s21], $0x80, v4, vm0, $0xb8;
	[tilespmem:$0x1E200] =	vst v63  }
0x131: {  	v3 =	vadd.s32 v1, v3;
	s19 =	simm.s32 $0x3900  }
0x132: {  	[tilespmem:s19], [sflag:$0x1] =	stream.indirect_vreg.gather [hbm4b:s28+s21], $0x80, v4, vm0, $0xb8;
	[tilespmem:$0x1E200] =	vst v63  }
0x133: {  	s19 =	simm.s32 $0x4100  }
0x134: {  	[tilespmem:s19], [sflag:$0x1] =	stream.indirect_vreg.gather [hbm4b:s29+s21], $0x80, v4, vm0, $0xb8;
	[tilespmem:$0x1E200] =	vst v63  }
0x135: {  	s19 =	simm.s32 $0x4900  }
0x136: {  	[tilespmem:s19], [sflag:$0x1] =	stream.indirect_vreg.gather [hbm4b:s1+s21], $0x80, v3, vm0, $0xb8;
	[tilespmem:$0x1E200] =	vst v63  }
0x137: {  	s19 =	simm.s32 $0x5100  }
0x138: {  	[tilespmem:s19], [sflag:$0x1] =	stream.indirect_vreg.gather [hbm4b:s28+s21], $0x80, v3, vm0, $0xb8;
	[tilespmem:$0x1E200] =	vst v63  }
0x139: {  	s19 =	simm.s32 $0x5900  }
0x13a: {  	[tilespmem:s19], [sflag:$0x1] =	stream.indirect_vreg.gather [hbm4b:s29+s21], $0x80, v3, vm0, $0xb8;
	[tilespmem:$0x1E200] =	vst v63  }
0x13b: {  	v3 =	vld [tilespmem:$0x20];
	_ =	sdelay $0x4  }
0x13c: {  	v4 =	vshrl.u32 v3, $0x3  }
0x13d: {  	v4 =	vmul.u32 $0x30, v4  }
0x13e: {  	v3 =	vand.u32 $0x7, v3  }
0x13f: {  	v3 =	vor.u32 v3, v4  }
0x140: {  	v4 =	vperm.xlane v3, v0;
	_ =	sdelay $0x1  }
0x141: {  	v4 =	vadd.s32 v1, v4;
	_ =	sdelay $0x3  }
0x142: {  	s19 =	simm.s32 $0x6100;
	v3 =	vperm.xlane v3, v2  }
0x143: {  	[tilespmem:s19], [sflag:$0x1] =	stream.indirect_vreg.gather [hbm4b:s1+s21], $0x80, v4, vm0, $0xb8;
	[tilespmem:$0x1E200] =	vst v63  }
0x144: {  	v3 =	vadd.s32 v1, v3;
	s19 =	simm.s32 $0x6900  }
0x145: {  	[tilespmem:s19], [sflag:$0x1] =	stream.indirect_vreg.gather [hbm4b:s28+s21], $0x80, v4, vm0, $0xb8;
	[tilespmem:$0x1E200] =	vst v63  }
0x146: {  	s19 =	simm.s32 $0x7100  }
0x147: {  	[tilespmem:s19], [sflag:$0x1] =	stream.indirect_vreg.gather [hbm4b:s29+s21], $0x80, v4, vm0, $0xb8;
	[tilespmem:$0x1E200] =	vst v63  }
0x148: {  	s19 =	simm.s32 $0x7900  }
0x149: {  	[tilespmem:s19], [sflag:$0x1] =	stream.indirect_vreg.gather [hbm4b:s1+s21], $0x80, v3, vm0, $0xb8;
	[tilespmem:$0x1E200] =	vst v63  }
0x14a: {  	s19 =	simm.s32 $0x8100  }
0x14b: {  	[tilespmem:s19], [sflag:$0x1] =	stream.indirect_vreg.gather [hbm4b:s28+s21], $0x80, v3, vm0, $0xb8;
	[tilespmem:$0x1E200] =	vst v63  }
0x14c: {  	s19 =	simm.s32 $0x8900  }
0x14d: {  	[tilespmem:s19], [sflag:$0x1] =	stream.indirect_vreg.gather [hbm4b:s29+s21], $0x80, v3, vm0, $0xb8;
	[tilespmem:$0x1E200] =	vst v63  }
0x14e: {  	v3 =	vld [tilespmem:$0x30];
	_ =	sdelay $0x4  }
0x14f: {  	v4 =	vshrl.u32 v3, $0x3  }
0x150: {  	v4 =	vmul.u32 $0x30, v4  }
0x151: {  	v3 =	vand.u32 $0x7, v3  }
0x152: {  	v3 =	vor.u32 v3, v4  }
0x153: {  	v4 =	vperm.xlane v3, v0;
	_ =	sdelay $0x1  }
0x154: {  	v4 =	vadd.s32 v1, v4;
	_ =	sdelay $0x3  }
0x155: {  	s19 =	simm.s32 $0x9100;
	v3 =	vperm.xlane v3, v2  }
0x156: {  	[tilespmem:s19], [sflag:$0x1] =	stream.indirect_vreg.gather [hbm4b:s1+s21], $0x80, v4, vm0, $0xb8;
	[tilespmem:$0x1E200] =	vst v63  }
0x157: {  	v3 =	vadd.s32 v1, v3;
	s19 =	simm.s32 $0x9900  }
0x158: {  	[tilespmem:s19], [sflag:$0x1] =	stream.indirect_vreg.gather [hbm4b:s28+s21], $0x80, v4, vm0, $0xb8;
	[tilespmem:$0x1E200] =	vst v63  }
0x159: {  	s19 =	simm.s32 $0xA100  }
0x15a: {  	[tilespmem:s19], [sflag:$0x1] =	stream.indirect_vreg.gather [hbm4b:s29+s21], $0x80, v4, vm0, $0xb8;
	[tilespmem:$0x1E200] =	vst v63  }
0x15b: {  	s19 =	simm.s32 $0xA900  }
0x15c: {  	[tilespmem:s19], [sflag:$0x1] =	stream.indirect_vreg.gather [hbm4b:s1+s21], $0x80, v3, vm0, $0xb8;
	[tilespmem:$0x1E200] =	vst v63  }
0x15d: {  	s19 =	simm.s32 $0xB100  }
0x15e: {  	[tilespmem:s19], [sflag:$0x1] =	stream.indirect_vreg.gather [hbm4b:s28+s21], $0x80, v3, vm0, $0xb8;
	[tilespmem:$0x1E200] =	vst v63  }
0x15f: {  	s19 =	simm.s32 $0xB900  }
0x160: {  	[tilespmem:s19], [sflag:$0x1] =	stream.indirect_vreg.gather [hbm4b:s29+s21], $0x80, v3, vm0, $0xb8;
	[tilespmem:$0x1E200] =	vst v63  }
0x161: {  	_ =	swait.ge [sflag:s18], $0xC000  }
0x162: {  	[sflag:s18] =	ssyncset.done $0x0  }
0x163: {  	s19 =	rddreg [dreg:$0x13];
	[sflag:s18] =	ssyncadd.s32 $0xFFFF4000  }
0x164: {  	[hbm4b:s19+s21] =	stream.linear.scatter [tilespmem:s7], [sflag:$0x5], $0xC000, $0x38;
	[tilespmem:$0x1E200] =	vst v63  }
0x165: {  	_ =	swait.ge [sflag:s30], $0xC000  }
0x166: {  	[sflag:s30] =	ssyncset.done $0x0  }
0x167: {  	[sflag:s30] =	ssyncadd.s32 $0xFFFF4000  }
0x168: {  	_ =	swait.ge [sflag:s15], $0x2000  }
0x169: {  	[sflag:s15] =	ssyncset.done $0x0  }
0x16a: {  	[sflag:s15] =	ssyncadd.s32 $0xFFFFE000  }
0x16b: {  	_ =	swait.ge [sflag:s16], $0x2000  }
0x16c: {  	[sflag:s16] =	ssyncset.done $0x0  }
0x16d: {  	s19 =	simm.s32 $0x0;
	[sflag:s16] =	ssyncadd.s32 $0xFFFFE000  }
0x16e: {  	v8 =	vld [tilespmem:s19+$0x18230]  }
0x16f: {  	v9 =	vld [tilespmem:s19+$0x1A230]  }
0x170: {  	v11 =	vld [tilespmem:s19+$0x18200]  }
0x171: {  	v63 =	vld [tilespmem:s19+$0x1A200]  }
0x172: {  	v5 =	vld [tilespmem:s19+$0x18210]  }
0x173: {  	v7 =	vld [tilespmem:s19+$0x1A210]  }
0x174: {  	v3 =	vld [tilespmem:s19+$0x18220];
	v13 =	vmul.f32 v9, v8  }
0x175: {  	s21 =	simm.s32 $0x80;
	v6 =	vld [tilespmem:s19+$0x1A220];
	v8 =	vadd.f32 v9, v8  }
0x176: {  	s0 =	simm.s32 $0x400;
	v4 =	vld [tilespmem:s21+$0x18230];
	v10 =	vadd.f32 v63, v11;
	v9 =	vmul.f32 v63, v11;
	[tilespmem:s19+$0x1C270] =	vst v13  }
.LBB2_4:
0x177: {  	p0 =	sne.s32 s0, $0x7E00;
	v11 =	vld [tilespmem:s21+$0x1A230];
	[tilespmem:s19+$0x1C230] =	vst v8  }
0x178: {  	v12 =	vld [tilespmem:s21+$0x18200];
	[tilespmem:s19+$0x1C200] =	vst v10;
	v8 =	vadd.f32 v7, v5;
	v10 =	vmul.f32 v7, v5  }
0x179: {  	v13 =	vld [tilespmem:s21+$0x1A200];
	[tilespmem:s19+$0x1C240] =	vst v9  }
.Ltmp1:
0x17a: {  	v5 =	vld [tilespmem:s21+$0x18210];
	[tilespmem:s19+$0x1C210] =	vst v8;
	v9 =	vadd.f32 v6, v3;
	v14 =	vmul.f32 v6, v3;
	(pc) =	sbr.rel @p0 .LBB2_4-.Ltmp1, $4  }
0x17b: {  	v7 =	vld [tilespmem:s21+$0x1A210];
	[tilespmem:s19+$0x1C250] =	vst v10  }
0x17c: {  	v3 =	vld [tilespmem:s21+$0x18220];
	v8 =	vadd.f32 v11, v4;
	v11 =	vmul.f32 v11, v4;
	[tilespmem:s19+$0x1C220] =	vst v9  }
0x17d: {  	v6 =	vld [tilespmem:s21+$0x1A220];
	[tilespmem:s19+$0x1C260] =	vst v14;
	s19 =	smov.u32 s21;
	s21 =	sshra.s32 s0, $0x2  }
0x17e: {  	s0 =	sadd.s32 $0x200, s0;
	v4 =	vld [tilespmem:s21+$0x18230];
	v10 =	vadd.f32 v13, v12;
	v9 =	vmul.f32 v13, v12;
	[tilespmem:s19+$0x1C270] =	vst v11  }
0x17f: {  	v11 =	vld [tilespmem:s21+$0x1A230];
	[tilespmem:s19+$0x1C230] =	vst v8  }
0x180: {  	v8 =	vld [tilespmem:s21+$0x18200];
	[tilespmem:s19+$0x1C200] =	vst v10;
	v12 =	vadd.f32 v7, v5  }
0x181: {  	v5 =	vmul.f32 v7, v5;
	v10 =	vld [tilespmem:s21+$0x1A200];
	[tilespmem:s19+$0x1C240] =	vst v9  }
0x182: {  	v9 =	vld [tilespmem:s21+$0x18210];
	[tilespmem:s19+$0x1C210] =	vst v12;
	v62 =	vadd.f32 v6, v3  }
0x183: {  	v3 =	vmul.f32 v6, v3;
	v7 =	vld [tilespmem:s21+$0x1A210];
	[tilespmem:s19+$0x1C250] =	vst v5  }
0x184: {  	v5 =	vld [tilespmem:s21+$0x18220];
	[tilespmem:s19+$0x1C220] =	vst v62;
	v6 =	vmul.f32 v11, v4  }
0x185: {  	v4 =	vadd.f32 v11, v4;
	v12 =	vld [tilespmem:s21+$0x1A220];
	[tilespmem:s19+$0x1C260] =	vst v3  }
0x186: {  	v3 =	vadd.f32 v10, v8;
	[tilespmem:s21+$0x1C270] =	vst v6  }
0x187: {  	v6 =	vmul.f32 v10, v8;
	[tilespmem:s21+$0x1C230] =	vst v4  }
0x188: {  	[tilespmem:s21+$0x1C200] =	vst v3;
	v3 =	vadd.f32 v7, v9  }
0x189: {  	v4 =	vmul.f32 v7, v9;
	[tilespmem:s21+$0x1C240] =	vst v6  }
0x18a: {  	[tilespmem:s21+$0x1C210] =	vst v3;
	v3 =	vadd.f32 v12, v5  }
0x18b: {  	v5 =	vmul.f32 v12, v5;
	[tilespmem:s21+$0x1C250] =	vst v4  }
0x18c: {  	[tilespmem:s21+$0x1C220] =	vst v3  }
0x18d: {  	s0 =	rddreg [dreg:$0x17];
	[tilespmem:s21+$0x1C260] =	vst v5;
	s21 =	simm.s32 $0x0  }
0x18e: {  	[hbm4b:s0+s21] =	stream.linear.scatter [tilespmem:s17], [sflag:$0x5], $0x2000, $0x38;
	[tilespmem:$0x1E200] =	vst v63  }
0x18f: {  	_ =	swait.ge [sflag:s30], $0x2000  }
0x190: {  	[sflag:s30] =	ssyncset.done $0x0  }
0x191: {  	s19 =	rddreg [dreg:$0xd];
	[sflag:s30] =	ssyncadd.s32 $0xFFFFE000  }
0x192: {  	[tilespmem:s22], [sflag:$0x5] =	stream.linear.gather [hbm4b:s19+s21], $0x40, $0x38;
	[tilespmem:$0x1E200] =	vst v63  }
0x193: {  	_ =	swait.ge [sflag:s30], $0x40  }
0x194: {  	[sflag:s30] =	ssyncset.done $0x0  }
0x195: {  	[sflag:s30] =	ssyncadd.s32 $0xFFFFFFC0  }
0x196: {  	[tilespmem:s23], [sflag:$0x3] =	stream.indirect.gather [hbm4b:s24+s3], $0x80, s22, s3, $0xb8;
	[tilespmem:$0x1E200] =	vst v63  }
0x197: {  	s19 =	rddreg [dreg:$0xe]  }
0x198: {  	[tilespmem:s4], [sflag:$0x5] =	stream.linear.gather [hbm4b:s19+s21], $0x40, $0x38;
	[tilespmem:$0x1E200] =	vst v63  }
0x199: {  	_ =	swait.ge [sflag:s30], $0x40  }
0x19a: {  	[sflag:s30] =	ssyncset.done $0x0  }
0x19b: {  	[sflag:s30] =	ssyncadd.s32 $0xFFFFFFC0  }
0x19c: {  	[tilespmem:s5], [sflag:$0x4] =	stream.indirect.gather [hbm4b:s25+s3], $0x80, s4, s3, $0xb8;
	[tilespmem:$0x1E200] =	vst v63  }
0x19d: {  	s19 =	simm.s32 $0x80;
	s0 =	rddreg [dreg:$0xf]  }
0x19e: {  	[tilespmem:s19], [sflag:$0x5] =	stream.linear.gather [hbm4b:s0+s21], $0x40, $0x38;
	[tilespmem:$0x1E200] =	vst v63  }
0x19f: {  	_ =	swait.ge [sflag:s30], $0x40  }
0x1a0: {  	[sflag:s30] =	ssyncset.done $0x0  }
0x1a1: {  	[sflag:s30] =	ssyncadd.s32 $0xFFFFFFC0  }
0x1a2: {  	v3 =	vld [tilespmem:$0x80];
	_ =	sdelay $0x4  }
0x1a3: {  	v4 =	vshrl.u32 v3, $0x3  }
0x1a4: {  	v4 =	vmul.u32 $0x30, v4  }
0x1a5: {  	v3 =	vand.u32 $0x7, v3  }
0x1a6: {  	v3 =	vor.u32 v3, v4  }
0x1a7: {  	v4 =	vperm.xlane v3, v0;
	_ =	sdelay $0x1  }
0x1a8: {  	v4 =	vadd.s32 v1, v4;
	_ =	sdelay $0x3  }
0x1a9: {  	v3 =	vperm.xlane v3, v2  }
0x1aa: {  	[tilespmem:s7], [sflag:$0x2] =	stream.indirect_vreg.gather [hbm4b:s1+s21], $0x80, v4, vm0, $0xb8;
	[tilespmem:$0x1E200] =	vst v63  }
0x1ab: {  	s19 =	simm.s32 $0xC900;
	v3 =	vadd.s32 v1, v3  }
0x1ac: {  	[tilespmem:s19], [sflag:$0x2] =	stream.indirect_vreg.gather [hbm4b:s28+s21], $0x80, v4, vm0, $0xb8;
	[tilespmem:$0x1E200] =	vst v63  }
0x1ad: {  	s19 =	simm.s32 $0xD100  }
0x1ae: {  	[tilespmem:s19], [sflag:$0x2] =	stream.indirect_vreg.gather [hbm4b:s29+s21], $0x80, v4, vm0, $0xb8;
	[tilespmem:$0x1E200] =	vst v63  }
0x1af: {  	s19 =	simm.s32 $0xD900  }
0x1b0: {  	[tilespmem:s19], [sflag:$0x2] =	stream.indirect_vreg.gather [hbm4b:s1+s21], $0x80, v3, vm0, $0xb8;
	[tilespmem:$0x1E200] =	vst v63  }
0x1b1: {  	s19 =	simm.s32 $0xE100  }
0x1b2: {  	[tilespmem:s19], [sflag:$0x2] =	stream.indirect_vreg.gather [hbm4b:s28+s21], $0x80, v3, vm0, $0xb8;
	[tilespmem:$0x1E200] =	vst v63  }
0x1b3: {  	s19 =	simm.s32 $0xE900  }
0x1b4: {  	[tilespmem:s19], [sflag:$0x2] =	stream.indirect_vreg.gather [hbm4b:s29+s21], $0x80, v3, vm0, $0xb8;
	[tilespmem:$0x1E200] =	vst v63  }
0x1b5: {  	v3 =	vld [tilespmem:$0x90];
	_ =	sdelay $0x4  }
0x1b6: {  	v4 =	vshrl.u32 v3, $0x3  }
0x1b7: {  	v4 =	vmul.u32 $0x30, v4  }
0x1b8: {  	v3 =	vand.u32 $0x7, v3  }
0x1b9: {  	v3 =	vor.u32 v3, v4  }
0x1ba: {  	v4 =	vperm.xlane v3, v0;
	_ =	sdelay $0x1  }
0x1bb: {  	v4 =	vadd.s32 v1, v4;
	_ =	sdelay $0x3  }
0x1bc: {  	s19 =	simm.s32 $0xF100;
	v3 =	vperm.xlane v3, v2  }
0x1bd: {  	[tilespmem:s19], [sflag:$0x2] =	stream.indirect_vreg.gather [hbm4b:s1+s21], $0x80, v4, vm0, $0xb8;
	[tilespmem:$0x1E200] =	vst v63  }
0x1be: {  	v3 =	vadd.s32 v1, v3;
	s19 =	simm.s32 $0xF900  }
0x1bf: {  	[tilespmem:s19], [sflag:$0x2] =	stream.indirect_vreg.gather [hbm4b:s28+s21], $0x80, v4, vm0, $0xb8;
	[tilespmem:$0x1E200] =	vst v63  }
0x1c0: {  	s19 =	simm.s32 $0x10100  }
0x1c1: {  	[tilespmem:s19], [sflag:$0x2] =	stream.indirect_vreg.gather [hbm4b:s29+s21], $0x80, v4, vm0, $0xb8;
	[tilespmem:$0x1E200] =	vst v63  }
0x1c2: {  	s19 =	simm.s32 $0x10900  }
0x1c3: {  	[tilespmem:s19], [sflag:$0x2] =	stream.indirect_vreg.gather [hbm4b:s1+s21], $0x80, v3, vm0, $0xb8;
	[tilespmem:$0x1E200] =	vst v63  }
0x1c4: {  	s19 =	simm.s32 $0x11100  }
0x1c5: {  	[tilespmem:s19], [sflag:$0x2] =	stream.indirect_vreg.gather [hbm4b:s28+s21], $0x80, v3, vm0, $0xb8;
	[tilespmem:$0x1E200] =	vst v63  }
0x1c6: {  	s19 =	simm.s32 $0x11900  }
0x1c7: {  	[tilespmem:s19], [sflag:$0x2] =	stream.indirect_vreg.gather [hbm4b:s29+s21], $0x80, v3, vm0, $0xb8;
	[tilespmem:$0x1E200] =	vst v63  }
0x1c8: {  	v3 =	vld [tilespmem:$0xA0];
	_ =	sdelay $0x4  }
0x1c9: {  	v4 =	vshrl.u32 v3, $0x3  }
0x1ca: {  	v4 =	vmul.u32 $0x30, v4  }
0x1cb: {  	v3 =	vand.u32 $0x7, v3  }
0x1cc: {  	v3 =	vor.u32 v3, v4  }
0x1cd: {  	v4 =	vperm.xlane v3, v0;
	_ =	sdelay $0x1  }
0x1ce: {  	v4 =	vadd.s32 v1, v4;
	_ =	sdelay $0x3  }
0x1cf: {  	s19 =	simm.s32 $0x12100;
	v3 =	vperm.xlane v3, v2  }
0x1d0: {  	[tilespmem:s19], [sflag:$0x2] =	stream.indirect_vreg.gather [hbm4b:s1+s21], $0x80, v4, vm0, $0xb8;
	[tilespmem:$0x1E200] =	vst v63  }
0x1d1: {  	v3 =	vadd.s32 v1, v3;
	s19 =	simm.s32 $0x12900  }
0x1d2: {  	[tilespmem:s19], [sflag:$0x2] =	stream.indirect_vreg.gather [hbm4b:s28+s21], $0x80, v4, vm0, $0xb8;
	[tilespmem:$0x1E200] =	vst v63  }
0x1d3: {  	s19 =	simm.s32 $0x13100  }
0x1d4: {  	[tilespmem:s19], [sflag:$0x2] =	stream.indirect_vreg.gather [hbm4b:s29+s21], $0x80, v4, vm0, $0xb8;
	[tilespmem:$0x1E200] =	vst v63  }
0x1d5: {  	s19 =	simm.s32 $0x13900  }
0x1d6: {  	[tilespmem:s19], [sflag:$0x2] =	stream.indirect_vreg.gather [hbm4b:s1+s21], $0x80, v3, vm0, $0xb8;
	[tilespmem:$0x1E200] =	vst v63  }
0x1d7: {  	_ = 	snop  }
0x1d8: {  	[tilespmem:s2], [sflag:$0x2] =	stream.indirect_vreg.gather [hbm4b:s28+s21], $0x80, v3, vm0, $0xb8;
	[tilespmem:$0x1E200] =	vst v63  }
0x1d9: {  	_ = 	snop  }
0x1da: {  	[tilespmem:s6], [sflag:$0x2] =	stream.indirect_vreg.gather [hbm4b:s29+s21], $0x80, v3, vm0, $0xb8;
	[tilespmem:$0x1E200] =	vst v63  }
0x1db: {  	v3 =	vld [tilespmem:$0xB0];
	_ =	sdelay $0x4  }
0x1dc: {  	v4 =	vshrl.u32 v3, $0x3  }
0x1dd: {  	v4 =	vmul.u32 $0x30, v4  }
0x1de: {  	v3 =	vand.u32 $0x7, v3  }
0x1df: {  	v3 =	vor.u32 v3, v4  }
0x1e0: {  	v4 =	vperm.xlane v3, v0;
	_ =	sdelay $0x1  }
0x1e1: {  	v4 =	vadd.s32 v1, v4;
	_ =	sdelay $0x3  }
0x1e2: {  	v3 =	vperm.xlane v3, v2  }
0x1e3: {  	[tilespmem:s26], [sflag:$0x2] =	stream.indirect_vreg.gather [hbm4b:s1+s21], $0x80, v4, vm0, $0xb8;
	[tilespmem:$0x1E200] =	vst v63  }
0x1e4: {  	v3 =	vadd.s32 v1, v3  }
0x1e5: {  	[tilespmem:s8], [sflag:$0x2] =	stream.indirect_vreg.gather [hbm4b:s28+s21], $0x80, v4, vm0, $0xb8;
	[tilespmem:$0x1E200] =	vst v63  }
0x1e6: {  	_ = 	snop  }
0x1e7: {  	[tilespmem:s9], [sflag:$0x2] =	stream.indirect_vreg.gather [hbm4b:s29+s21], $0x80, v4, vm0, $0xb8;
	[tilespmem:$0x1E200] =	vst v63  }
0x1e8: {  	_ = 	snop  }
0x1e9: {  	[tilespmem:s10], [sflag:$0x2] =	stream.indirect_vreg.gather [hbm4b:s1+s21], $0x80, v3, vm0, $0xb8;
	[tilespmem:$0x1E200] =	vst v63  }
0x1ea: {  	_ = 	snop  }
0x1eb: {  	[tilespmem:s11], [sflag:$0x2] =	stream.indirect_vreg.gather [hbm4b:s28+s21], $0x80, v3, vm0, $0xb8;
	[tilespmem:$0x1E200] =	vst v63  }
0x1ec: {  	_ = 	snop  }
0x1ed: {  	[tilespmem:s12], [sflag:$0x2] =	stream.indirect_vreg.gather [hbm4b:s29+s21], $0x80, v3, vm0, $0xb8;
	[tilespmem:$0x1E200] =	vst v63  }
0x1ee: {  	_ =	swait.ge [sflag:s13], $0xC000  }
0x1ef: {  	[sflag:s13] =	ssyncset.done $0x0  }
0x1f0: {  	s19 =	rddreg [dreg:$0x14];
	[sflag:s13] =	ssyncadd.s32 $0xFFFF4000  }
0x1f1: {  	[hbm4b:s19+s21] =	stream.linear.scatter [tilespmem:s31], [sflag:$0x5], $0xC000, $0x38;
	[tilespmem:$0x1E200] =	vst v63  }
0x1f2: {  	_ =	swait.ge [sflag:s30], $0xC000  }
0x1f3: {  	[sflag:s30] =	ssyncset.done $0x0  }
0x1f4: {  	[sflag:s30] =	ssyncadd.s32 $0xFFFF4000  }
0x1f5: {  	_ =	swait.ge [sflag:s15], $0x2000  }
0x1f6: {  	[sflag:s15] =	ssyncset.done $0x0  }
0x1f7: {  	[sflag:s15] =	ssyncadd.s32 $0xFFFFE000  }
0x1f8: {  	_ =	swait.ge [sflag:s16], $0x2000  }
0x1f9: {  	[sflag:s16] =	ssyncset.done $0x0  }
0x1fa: {  	s19 =	simm.s32 $0x0;
	[sflag:s16] =	ssyncadd.s32 $0xFFFFE000  }
0x1fb: {  	v8 =	vld [tilespmem:s19+$0x18230]  }
0x1fc: {  	v9 =	vld [tilespmem:s19+$0x1A230]  }
0x1fd: {  	v11 =	vld [tilespmem:s19+$0x18200]  }
0x1fe: {  	v63 =	vld [tilespmem:s19+$0x1A200]  }
0x1ff: {  	v5 =	vld [tilespmem:s19+$0x18210]  }
0x200: {  	v7 =	vld [tilespmem:s19+$0x1A210]  }
0x201: {  	v3 =	vld [tilespmem:s19+$0x18220];
	v13 =	vmul.f32 v9, v8  }
0x202: {  	s21 =	simm.s32 $0x80;
	v6 =	vld [tilespmem:s19+$0x1A220];
	v8 =	vadd.f32 v9, v8  }
0x203: {  	s0 =	simm.s32 $0x400;
	v4 =	vld [tilespmem:s21+$0x18230];
	v10 =	vadd.f32 v63, v11;
	v9 =	vmul.f32 v63, v11;
	[tilespmem:s19+$0x1C270] =	vst v13  }
.LBB2_6:
0x204: {  	p0 =	sne.s32 s0, $0x7E00;
	v11 =	vld [tilespmem:s21+$0x1A230];
	[tilespmem:s19+$0x1C230] =	vst v8  }
0x205: {  	v12 =	vld [tilespmem:s21+$0x18200];
	[tilespmem:s19+$0x1C200] =	vst v10;
	v8 =	vadd.f32 v7, v5;
	v10 =	vmul.f32 v7, v5  }
0x206: {  	v13 =	vld [tilespmem:s21+$0x1A200];
	[tilespmem:s19+$0x1C240] =	vst v9  }
.Ltmp2:
0x207: {  	v5 =	vld [tilespmem:s21+$0x18210];
	[tilespmem:s19+$0x1C210] =	vst v8;
	v9 =	vadd.f32 v6, v3;
	v14 =	vmul.f32 v6, v3;
	(pc) =	sbr.rel @p0 .LBB2_6-.Ltmp2, $4  }
0x208: {  	v7 =	vld [tilespmem:s21+$0x1A210];
	[tilespmem:s19+$0x1C250] =	vst v10  }
0x209: {  	v3 =	vld [tilespmem:s21+$0x18220];
	v8 =	vadd.f32 v11, v4;
	v11 =	vmul.f32 v11, v4;
	[tilespmem:s19+$0x1C220] =	vst v9  }
0x20a: {  	v6 =	vld [tilespmem:s21+$0x1A220];
	[tilespmem:s19+$0x1C260] =	vst v14;
	s19 =	smov.u32 s21;
	s21 =	sshra.s32 s0, $0x2  }
0x20b: {  	s0 =	sadd.s32 $0x200, s0;
	v4 =	vld [tilespmem:s21+$0x18230];
	v10 =	vadd.f32 v13, v12;
	v9 =	vmul.f32 v13, v12;
	[tilespmem:s19+$0x1C270] =	vst v11  }
0x20c: {  	v11 =	vld [tilespmem:s21+$0x1A230];
	[tilespmem:s19+$0x1C230] =	vst v8  }
0x20d: {  	v8 =	vld [tilespmem:s21+$0x18200];
	[tilespmem:s19+$0x1C200] =	vst v10;
	v12 =	vadd.f32 v7, v5  }
0x20e: {  	v5 =	vmul.f32 v7, v5;
	v10 =	vld [tilespmem:s21+$0x1A200];
	[tilespmem:s19+$0x1C240] =	vst v9  }
0x20f: {  	v9 =	vld [tilespmem:s21+$0x18210];
	[tilespmem:s19+$0x1C210] =	vst v12;
	v62 =	vadd.f32 v6, v3  }
0x210: {  	v3 =	vmul.f32 v6, v3;
	v7 =	vld [tilespmem:s21+$0x1A210];
	[tilespmem:s19+$0x1C250] =	vst v5  }
0x211: {  	v5 =	vld [tilespmem:s21+$0x18220];
	[tilespmem:s19+$0x1C220] =	vst v62;
	v6 =	vmul.f32 v11, v4  }
0x212: {  	v4 =	vadd.f32 v11, v4;
	v12 =	vld [tilespmem:s21+$0x1A220];
	[tilespmem:s19+$0x1C260] =	vst v3  }
0x213: {  	v3 =	vadd.f32 v10, v8;
	[tilespmem:s21+$0x1C270] =	vst v6  }
0x214: {  	v6 =	vmul.f32 v10, v8;
	[tilespmem:s21+$0x1C230] =	vst v4  }
0x215: {  	[tilespmem:s21+$0x1C200] =	vst v3;
	v3 =	vadd.f32 v7, v9  }
0x216: {  	v4 =	vmul.f32 v7, v9;
	[tilespmem:s21+$0x1C240] =	vst v6  }
0x217: {  	[tilespmem:s21+$0x1C210] =	vst v3;
	v3 =	vadd.f32 v12, v5  }
0x218: {  	v5 =	vmul.f32 v12, v5;
	[tilespmem:s21+$0x1C250] =	vst v4  }
0x219: {  	[tilespmem:s21+$0x1C220] =	vst v3  }
0x21a: {  	s0 =	simm.s32 $0x0;
	[tilespmem:s21+$0x1C260] =	vst v5;
	s21 =	rddreg [dreg:$0x18]  }
0x21b: {  	[hbm4b:s21+s0] =	stream.linear.scatter [tilespmem:s17], [sflag:$0x5], $0x2000, $0x38;
	[tilespmem:$0x1E200] =	vst v63  }
0x21c: {  	_ =	swait.ge [sflag:s30], $0x2000  }
0x21d: {  	[sflag:s30] =	ssyncset.done $0x0  }
0x21e: {  	s21 =	rddreg [dreg:$0x10];
	[sflag:s30] =	ssyncadd.s32 $0xFFFFE000  }
0x21f: {  	[tilespmem:s22], [sflag:$0x5] =	stream.linear.gather [hbm4b:s21+s0], $0x40, $0x38;
	[tilespmem:$0x1E200] =	vst v63  }
0x220: {  	_ =	swait.ge [sflag:s30], $0x40  }
0x221: {  	[sflag:s30] =	ssyncset.done $0x0  }
0x222: {  	[sflag:s30] =	ssyncadd.s32 $0xFFFFFFC0  }
0x223: {  	[tilespmem:s23], [sflag:$0x3] =	stream.indirect.gather [hbm4b:s24+s3], $0x80, s22, s3, $0xb8;
	[tilespmem:$0x1E200] =	vst v63  }
0x224: {  	s21 =	rddreg [dreg:$0x11]  }
0x225: {  	[tilespmem:s4], [sflag:$0x5] =	stream.linear.gather [hbm4b:s21+s0], $0x40, $0x38;
	[tilespmem:$0x1E200] =	vst v63  }
0x226: {  	_ =	swait.ge [sflag:s30], $0x40  }
0x227: {  	[sflag:s30] =	ssyncset.done $0x0  }
0x228: {  	[sflag:s30] =	ssyncadd.s32 $0xFFFFFFC0  }
0x229: {  	[tilespmem:s5], [sflag:$0x4] =	stream.indirect.gather [hbm4b:s25+s3], $0x80, s4, s3, $0xb8;
	[tilespmem:$0x1E200] =	vst v63  }
0x22a: {  	_ =	swait.ge [sflag:s18], $0xC000  }
0x22b: {  	[sflag:s18] =	ssyncset.done $0x0  }
0x22c: {  	s21 =	rddreg [dreg:$0x15];
	[sflag:s18] =	ssyncadd.s32 $0xFFFF4000  }
0x22d: {  	[hbm4b:s21+s0] =	stream.linear.scatter [tilespmem:s7], [sflag:$0x5], $0xC000, $0x38;
	[tilespmem:$0x1E200] =	vst v63  }
0x22e: {  	_ =	swait.ge [sflag:s30], $0xC000  }
0x22f: {  	[sflag:s30] =	ssyncset.done $0x0  }
0x230: {  	[sflag:s30] =	ssyncadd.s32 $0xFFFF4000  }
0x231: {  	_ =	swait.ge [sflag:s15], $0x2000  }
0x232: {  	[sflag:s15] =	ssyncset.done $0x0  }
0x233: {  	[sflag:s15] =	ssyncadd.s32 $0xFFFFE000  }
0x234: {  	_ =	swait.ge [sflag:s16], $0x2000  }
0x235: {  	[sflag:s16] =	ssyncset.done $0x0  }
0x236: {  	s19 =	simm.s32 $0x0;
	[sflag:s16] =	ssyncadd.s32 $0xFFFFE000  }
0x237: {  	v8 =	vld [tilespmem:s19+$0x18230]  }
0x238: {  	v9 =	vld [tilespmem:s19+$0x1A230]  }
0x239: {  	v11 =	vld [tilespmem:s19+$0x18200]  }
0x23a: {  	v63 =	vld [tilespmem:s19+$0x1A200]  }
0x23b: {  	v5 =	vld [tilespmem:s19+$0x18210]  }
0x23c: {  	v7 =	vld [tilespmem:s19+$0x1A210]  }
0x23d: {  	v3 =	vld [tilespmem:s19+$0x18220];
	v13 =	vmul.f32 v9, v8  }
0x23e: {  	s21 =	simm.s32 $0x80;
	v6 =	vld [tilespmem:s19+$0x1A220];
	v8 =	vadd.f32 v9, v8  }
0x23f: {  	s0 =	simm.s32 $0x400;
	v4 =	vld [tilespmem:s21+$0x18230];
	v10 =	vadd.f32 v63, v11;
	v9 =	vmul.f32 v63, v11;
	[tilespmem:s19+$0x1C270] =	vst v13  }
.LBB2_8:
0x240: {  	p0 =	sne.s32 s0, $0x7E00;
	v11 =	vld [tilespmem:s21+$0x1A230];
	[tilespmem:s19+$0x1C230] =	vst v8  }
0x241: {  	v12 =	vld [tilespmem:s21+$0x18200];
	[tilespmem:s19+$0x1C200] =	vst v10;
	v8 =	vadd.f32 v7, v5;
	v10 =	vmul.f32 v7, v5  }
0x242: {  	v13 =	vld [tilespmem:s21+$0x1A200];
	[tilespmem:s19+$0x1C240] =	vst v9  }
.Ltmp3:
0x243: {  	v5 =	vld [tilespmem:s21+$0x18210];
	[tilespmem:s19+$0x1C210] =	vst v8;
	v9 =	vadd.f32 v6, v3;
	v14 =	vmul.f32 v6, v3;
	(pc) =	sbr.rel @p0 .LBB2_8-.Ltmp3, $4  }
0x244: {  	v7 =	vld [tilespmem:s21+$0x1A210];
	[tilespmem:s19+$0x1C250] =	vst v10  }
0x245: {  	v3 =	vld [tilespmem:s21+$0x18220];
	v8 =	vadd.f32 v11, v4;
	v11 =	vmul.f32 v11, v4;
	[tilespmem:s19+$0x1C220] =	vst v9  }
0x246: {  	v6 =	vld [tilespmem:s21+$0x1A220];
	[tilespmem:s19+$0x1C260] =	vst v14;
	s19 =	smov.u32 s21;
	s21 =	sshra.s32 s0, $0x2  }
0x247: {  	s0 =	sadd.s32 $0x200, s0;
	v4 =	vld [tilespmem:s21+$0x18230];
	v10 =	vadd.f32 v13, v12;
	v9 =	vmul.f32 v13, v12;
	[tilespmem:s19+$0x1C270] =	vst v11  }
0x248: {  	v11 =	vld [tilespmem:s21+$0x1A230];
	[tilespmem:s19+$0x1C230] =	vst v8  }
0x249: {  	v8 =	vld [tilespmem:s21+$0x18200];
	[tilespmem:s19+$0x1C200] =	vst v10;
	v12 =	vadd.f32 v7, v5  }
0x24a: {  	v57 =	vmul.f32 v7, v5;
	v10 =	vld [tilespmem:s21+$0x1A200];
	[tilespmem:s19+$0x1C240] =	vst v9  }
0x24b: {  	v9 =	vld [tilespmem:s21+$0x18210];
	[tilespmem:s19+$0x1C210] =	vst v12;
	v59 =	vadd.f32 v6, v3  }
0x24c: {  	v3 =	vmul.f32 v6, v3;
	v58 =	vld [tilespmem:s21+$0x1A210];
	[tilespmem:s19+$0x1C250] =	vst v57  }
0x24d: {  	v5 =	vld [tilespmem:s21+$0x18220];
	[tilespmem:s19+$0x1C220] =	vst v59;
	v60 =	vmul.f32 v11, v4  }
0x24e: {  	v61 =	vadd.f32 v11, v4;
	v12 =	vld [tilespmem:s21+$0x1A220];
	[tilespmem:s19+$0x1C260] =	vst v3  }
0x24f: {  	v3 =	vadd.f32 v10, v8;
	[tilespmem:s21+$0x1C270] =	vst v60  }
0x250: {  	v62 =	vmul.f32 v10, v8;
	[tilespmem:s21+$0x1C230] =	vst v61  }
0x251: {  	[tilespmem:s21+$0x1C200] =	vst v3;
	v3 =	vadd.f32 v58, v9  }
0x252: {  	v63 =	vmul.f32 v58, v9;
	[tilespmem:s21+$0x1C240] =	vst v62  }
0x253: {  	[tilespmem:s21+$0x1C210] =	vst v3;
	v3 =	vadd.f32 v12, v5  }
0x254: {  	v5 =	vmul.f32 v12, v5;
	[tilespmem:s21+$0x1C250] =	vst v63  }
0x255: {  	[tilespmem:s21+$0x1C220] =	vst v3  }
0x256: {  	s0 =	rddreg [dreg:$0x19];
	[tilespmem:s21+$0x1C260] =	vst v5  }
0x257: {  	[hbm4b:s0+s14] =	stream.linear.scatter [tilespmem:s17], [sflag:$0x5], $0x2000, $0x38;
	[tilespmem:$0x1E200] =	vst v63  }
0x258: {  	_ =	swait.ge [sflag:s30], $0x2000  }
0x259: {  	s20 =	sadd.s32 $0x1, s20;
	s21 =	rddreg [dreg:$0x1a]  }
0x25a: {  	p0 =	sne.s32 s20, s21  }
.Ltmp4:
0x25b: {  	_ = 	snop;
	(pc) =	sbr.rel @p0 .LBB2_1-.Ltmp4, $3  }
0x25c: {  	_ =	sdelay $0x1  }
0x25d: {  	[sflag:s30] =	ssyncset.done $0x0  }
0x25e: {  	[sflag:s30] =	ssyncadd.s32 $0xFFFFE000  }
0x25f: {  	_ =	sfence.sel $0x180000  }
0x260: {  	[bflag:$0x0] =	sbarrier.arrive $0xFFFF  }
0x261: {  	_ =	strace $0x90000047  }
0x262: {  	s0 =	stileid.u32;
	[bflag:$0x2] =	sbarrier.arrive $0xFFFF  }
0x263: {  	p0 =	sne.s32 s0, $0x0;
	s0 =	rddreg [dreg:$0x5]  }
0x264: {  	s0 =	sadd.s32 @!p0 $0x100000, s0  }
0x265: {  	[sflag:s0] =	ssyncadd.tile.s32 @!p0 $0x1;
	_ =	shalt  }
.Lfunc_end2:
_tile_overlayer_lowered:
.L_overlay_start_2:
0x266: {  	(tag) =	ssettag $0x2  }
0x267: {  	s0 =	rddreg [dreg:$0x0];
	s2 =	stileid.u32  }
0x268: {  	s1 =	rddreg [dreg:$0x1];
	p0 =	sne.s32 s2, $0x0  }
0x269: {  	s3 =	rddreg [dreg:$0x2];
	[bflag:$0x3] =	sbarrier.arrive $0xFFFF;
	s2 =	simm.s32 @!p0 $0x1C05  }
0x26a: {  	[timem:s3], [sflag:s2] =	dma.local @!p0 [hbm:s0], s1  }
0x26b: {  	s0 =	simm.s32 @!p0 $0x5  }
0x26c: {  	_ =	swait.ge @!p0 [sflag:s0], s1  }
0x26d: {  	s1 =	ssub.s32 @!p0 $0x0, s1;
	[sflag:s0] =	ssyncset.done @!p0 $0x0  }
0x26e: {  	[sflag:s0] =	ssyncadd.s32 @!p0 s1  }
0x26f: {  	[bflag:$0x3] =	sbarrier.arrive $0xFFFF  }
0x270: {  	_ =	shalt  }

</sc_bundles>
